<compile_context>
chip_gen: v7x
topology: tpu7x:2x2x1
jax: 0.10.2.dev20260603
libtpu: 0.0.44.dev20260713+nightly
codegen_flags: <defaults>
</compile_context>

<pallas_src>
import functools

import jax
import jax.numpy as jnp
from jax import lax
from jax.experimental import pallas as pl
from jax.experimental.pallas import tpu as pltpu
from jax.experimental.pallas import tpu_sc as plsc

N_NODES = 10000
NPAD = 10240
D = 256
H = 128
E = 160000
NT = 16
CH = 128
NCH = 80
EPAD = NT * NCH * CH
RPT = NPAD // NT

_mesh = plsc.VectorSubcoreMesh(
    core_axis_name="c", subcore_axis_name="s", num_cores=2, num_subcores=NT
)


@functools.partial(
    pl.kernel,
    out_type=jax.ShapeDtypeStruct((2, NPAD), jnp.float32),
    mesh=_mesh,
    scratch_types=[
        pltpu.VMEM((NCH, CH), jnp.int32),
        pltpu.VMEM((CH,), jnp.float32),
        pltpu.VMEM((RPT,), jnp.float32),
        pltpu.VMEM_SHARED((NPAD,), jnp.float32),
    ],
)
def _sc_degrees(idx_hbm, out_hbm, idx_v, ones_v, zero_v, acc):
    c = lax.axis_index("c")
    s = lax.axis_index("s")

    def _setz(k, _):
        zero_v[pl.ds(k * 16, 16)] = jnp.zeros((16,), jnp.float32)
        return _

    lax.fori_loop(0, RPT // 16, _setz, None)

    def _seto(k, _):
        ones_v[pl.ds(k * 16, 16)] = jnp.ones((16,), jnp.float32)
        return _

    lax.fori_loop(0, CH // 16, _seto, None)

    pltpu.sync_copy(idx_hbm.at[c, s], idx_v)
    pltpu.sync_copy(zero_v, acc.at[pl.ds(s * RPT, RPT)])
    plsc.subcore_barrier()

    def _body(j, _):
        pltpu.sync_copy(ones_v, acc.at[idx_v.at[j]], add=True)
        return _

    lax.fori_loop(0, NCH, _body, None)
    plsc.subcore_barrier()
    pltpu.sync_copy(acc.at[pl.ds(s * RPT, RPT)], out_hbm.at[c, pl.ds(s * RPT, RPT)])


def _make_sc_aggregate(dtype):
  return functools.partial(
    pl.kernel,
    out_type=jax.ShapeDtypeStruct((2, NPAD, H), dtype),
    mesh=_mesh,
    scratch_types=[
        pltpu.VMEM((2, 4, 2, CH), jnp.int32),
        pltpu.VMEM((CH, H), dtype),
        pltpu.VMEM((CH, H), dtype),
        pltpu.SemaphoreType.DMA,
        pltpu.SemaphoreType.DMA,
        pltpu.SemaphoreType.DMA,
        pltpu.SemaphoreType.DMA,
        pltpu.SemaphoreType.DMA,
        pltpu.SemaphoreType.DMA,
        pltpu.VMEM_SHARED((NPAD, H), dtype),
    ],
  )(_sc_aggregate_body)


def _sc_aggregate_body(table_hbm, init_hbm, sridx_hbm, out_hbm,
                       idxr, rows0_v, rows1_v,
                       isem0, isem1, gsem0, gsem1,
                       ssem0, ssem1, acc):
    c = lax.axis_index("c")
    s = lax.axis_index("s")
    pltpu.sync_copy(init_hbm.at[c].at[pl.ds(s * RPT, RPT)],
                    acc.at[pl.ds(s * RPT, RPT)])

    table = table_hbm.at[c]
    isems = (isem0, isem1)
    rows = (rows0_v, rows1_v)
    gsems = (gsem0, gsem1)
    ssems = (ssem0, ssem1)

    def _idx_fetch(sl, j):
        pltpu.async_copy(sridx_hbm.at[s, pl.ds(j, 4)], idxr.at[sl],
                         isems[sl])

    def _idx_wait(sl):
        pltpu.make_async_copy(sridx_hbm.at[s, pl.ds(0, 4)], idxr.at[sl],
                              isems[sl]).wait()

    def _gather(sl, pos, k):
        pltpu.async_copy(table.at[idxr.at[sl, pos, 0]], rows[k], gsems[k])

    def _gather_wait(k):
        pltpu.make_async_copy(table.at[idxr.at[0, 0, 0]], rows[k],
                              gsems[k]).wait()

    def _scatter(sl, pos, k):
        pltpu.async_copy(rows[k], acc.at[idxr.at[sl, pos, 1]], ssems[k],
                         add=True)

    def _scatter_wait(k):
        pltpu.make_async_copy(rows[k], acc.at[idxr.at[0, 0, 1]],
                              ssems[k]).wait()

    _idx_fetch(0, 0)
    _idx_fetch(1, 4)
    plsc.subcore_barrier()
    _idx_wait(0)
    _gather(0, 0, 0)

    def _body(i, _):
        j = 8 * i
        for q in range(8):
            jq = j + q
            sl, pos, k = q // 4, q % 4, q % 2
            nk = (q + 1) % 2
            if q == 0:
                @pl.when(j > 0)
                def _():
                    _scatter_wait(nk)
                    _idx_fetch(1, j + 4)
            else:
                _scatter_wait(nk)
                if q == 4:
                    @pl.when(j + 8 < NCH)
                    def _():
                        _idx_fetch(0, j + 8)
            if q == 3:
                _idx_wait(1)
                _gather(1, 0, nk)
            elif q < 7:
                _gather(sl, pos + 1, nk)
            else:
                @pl.when(j + 8 < NCH)
                def _():
                    _idx_wait(0)
                    _gather(0, 0, nk)
            _gather_wait(k)
            _scatter(sl, pos, k)
        return _

    lax.fori_loop(0, NCH // 8, _body, None)
    _scatter_wait(1)
    plsc.subcore_barrier()
    pltpu.sync_copy(acc.at[pl.ds(s * RPT, RPT)],
                    out_hbm.at[c].at[pl.ds(s * RPT, RPT)])


_sc_aggregate_f32 = _make_sc_aggregate(jnp.float32)


_BR = 2048
_GRID = NPAD // _BR


def _tc1_body(x_ref, w_ref, b_ref, degs_ref, out_ref):
    h = jnp.dot(x_ref[...], w_ref[...], preferred_element_type=jnp.float32)
    h = h + b_ref[...]
    h = h * lax.rsqrt(jnp.maximum(degs_ref[...] + 1.0, 1.0))
    out_ref[0] = h[:, :H]
    out_ref[1] = h[:, H:]


def _tc2_body(a_ref, w_ref, b_ref, degr_ref, degs_ref, out_ref):
    t = jnp.concatenate([a_ref[0], a_ref[1]], axis=1)
    t = t * lax.rsqrt(jnp.maximum(degr_ref[...] + 1.0, 1.0))
    h = jnp.dot(t, w_ref[...], preferred_element_type=jnp.float32)
    h = h + b_ref[...]
    h = h * lax.rsqrt(jnp.maximum(degs_ref[...], 1.0))
    out_ref[0] = h[:, :H]
    out_ref[1] = h[:, H:]


def _tc3_body(a_ref, degr_ref, out_ref):
    t = jnp.concatenate([a_ref[0], a_ref[1]], axis=1)
    out_ref[...] = t * lax.rsqrt(jnp.maximum(degr_ref[...], 1.0))


_halves_spec = pl.BlockSpec((2, _BR, H), lambda i: (0, i, 0))
_rows_spec = pl.BlockSpec((_BR, D), lambda i: (i, 0))
_deg_spec = pl.BlockSpec((_BR, 1), lambda i: (i, 0))
_w_spec = pl.BlockSpec((D, D), lambda i: (0, 0))
_b_spec = pl.BlockSpec((1, D), lambda i: (0, 0))

_tc1 = pl.pallas_call(
    _tc1_body,
    grid=(_GRID,),
    in_specs=[_rows_spec, _w_spec, _b_spec, _deg_spec],
    out_specs=_halves_spec,
    out_shape=jax.ShapeDtypeStruct((2, NPAD, H), jnp.float32),
)

_tc2 = pl.pallas_call(
    _tc2_body,
    grid=(_GRID,),
    in_specs=[_halves_spec, _w_spec, _b_spec, _deg_spec, _deg_spec],
    out_specs=_halves_spec,
    out_shape=jax.ShapeDtypeStruct((2, NPAD, H), jnp.float32),
)

_tc3 = pl.pallas_call(
    _tc3_body,
    grid=(_GRID,),
    in_specs=[_halves_spec, _deg_spec],
    out_specs=_rows_spec,
    out_shape=jax.ShapeDtypeStruct((NPAD, D), jnp.float32),
)


def kernel(x, edge_index, W1, b1, W2, b2):
    ei = edge_index.astype(jnp.int32)
    senders, receivers = ei[0], ei[1]
    npad_e = EPAD - E
    dummy = jnp.full((npad_e,), N_NODES, dtype=jnp.int32)
    zpad = jnp.zeros((npad_e,), dtype=jnp.int32)

    hist_idx = jnp.stack([
        jnp.concatenate([senders, dummy]),
        jnp.concatenate([receivers, dummy]),
    ]).reshape(2, NT, NCH, CH)
    sidx = jnp.concatenate([senders, zpad]).reshape(NT, NCH, CH)
    ridx = jnp.concatenate([receivers, dummy]).reshape(NT, NCH, CH)
    sridx = jnp.stack([sidx, ridx], axis=2)

    x_pad = jnp.concatenate(
        [x, jnp.zeros((NPAD - N_NODES, D), dtype=jnp.float32)], axis=0
    )
    b1r = b1.reshape(1, D)
    b2r = b2.reshape(1, D)

    deg = _sc_degrees(hist_idx)
    deg_s = deg[0].reshape(NPAD, 1)
    deg_r = deg[1].reshape(NPAD, 1)

    hs = _tc1(x_pad, W1, b1r, deg_s)
    agg1 = _sc_aggregate_f32(hs, hs, sridx)
    h2s = _tc2(agg1, W2, b2r, deg_r, deg_s)
    zeros_init = jnp.zeros((2, NPAD, H), dtype=jnp.float32)
    agg2 = _sc_aggregate_f32(h2s, zeros_init, sridx)
    out = _tc3(agg2, deg_r)
    return out[:N_NODES]

# --- scband reference (transcript-rebuilt; emitter-appended) ---
"""Pipeline reference for scband-gcn-31774168055920 (READ-ONLY COPY).

The authoritative reference and input builder live on the scoring server;
editing this copy changes nothing except your own understanding.
"""

import jax, jax.numpy as jnp
import numpy as np

N_NODES = 10000
D_FEAT = 256
GCN1_DIM = 256
OUT_DIM = 256
N_EDGES = 160000


def setup_inputs(seed: int = 0) -> dict:
    key = jax.random.key(seed)
    k_x, k_e, k_w1, k_w2 = jax.random.split(key, 4)
    x = jax.random.normal(k_x, (N_NODES, D_FEAT), dtype=jnp.float32)
    edge_index = jax.random.randint(k_e, (2, N_EDGES), 0, N_NODES, dtype=jnp.int64)
    W1 = jax.random.normal(k_w1, (D_FEAT, GCN1_DIM), dtype=jnp.float32) * (1.0 / np.sqrt(D_FEAT))
    b1 = jnp.zeros((GCN1_DIM,), dtype=jnp.float32)
    W2 = jax.random.normal(k_w2, (GCN1_DIM, OUT_DIM), dtype=jnp.float32) * (1.0 / np.sqrt(GCN1_DIM))
    b2 = jnp.zeros((OUT_DIM,), dtype=jnp.float32)
    return {"x": x, "edge_index": edge_index, "W1": W1, "b1": b1, "W2": W2, "b2": b2}


def _gcn_conv(nodes, senders, receivers, num_nodes, add_self_edges):
    # Faithful to jraph.GraphConvolution with symmetric_normalization=True.
    if add_self_edges:
        ar = jnp.arange(num_nodes, dtype=senders.dtype)
        conv_senders = jnp.concatenate((senders, ar), axis=0)
        conv_receivers = jnp.concatenate((receivers, ar), axis=0)
    else:
        conv_senders = senders
        conv_receivers = receivers
    ones = jnp.ones(conv_senders.shape, dtype=jnp.float32)
    sender_degree = jax.ops.segment_sum(ones, conv_senders, num_segments=num_nodes)
    receiver_degree = jax.ops.segment_sum(ones, conv_receivers, num_segments=num_nodes)
    nodes = nodes * jax.lax.rsqrt(jnp.maximum(sender_degree, 1.0))[:, None]
    nodes = jax.ops.segment_sum(nodes[conv_senders], conv_receivers, num_segments=num_nodes)
    nodes = nodes * jax.lax.rsqrt(jnp.maximum(receiver_degree, 1.0))[:, None]
    return nodes


def reference(x, edge_index, W1, b1, W2, b2):
    num_nodes = x.shape[0]
    senders = edge_index[0]
    receivers = edge_index[1]
    # Layer 1: update_node_fn = Linear, add_self_edges=True
    h = x @ W1 + b1
    h = _gcn_conv(h, senders, receivers, num_nodes, add_self_edges=True)
    # Layer 2: update_node_fn = Linear, add_self_edges=False
    h = h @ W2 + b2
    h = _gcn_conv(h, senders, receivers, num_nodes, add_self_edges=False)
    return h

if __name__ == "__main__":
    import jax
    _d = setup_inputs()
    print(jax.jit(kernel)(*tuple(_d.values())))

</pallas_src>

<mosaic_0001>
#map = affine_map<(d0, d1) -> (0, 0, 0, 0)>
#map1 = affine_map<(d0, d1) -> (0, 0)>
module attributes {stable_mosaic.version = 14 : i64} {
  func.func @_sc_degrees(%arg0: i32, %arg1: i32, %arg2: memref<2x16x80x128xi32, #tpu.memory_space<hbm>>, %arg3: memref<2x10240xf32, #tpu.memory_space<hbm>>, %arg4: memref<80x128xi32, #tpu.memory_space<vmem>>, %arg5: memref<128xf32, #tpu.memory_space<vmem>>, %arg6: memref<640xf32, #tpu.memory_space<vmem>>, %arg7: memref<10240xf32, #tpu.memory_space<vmem_shared>>) attributes {dimension_semantics = [#tpu.dimension_semantics<core_parallel>, #tpu.dimension_semantics<subcore_parallel>], iteration_bounds = array<i64: 2, 16>, scalar_prefetch = 0 : i64, scratch_operands = 4 : i64, tpu.core_type = #tpu.core_type<sc_vector_subcore>, window_params = [{transform_indices = #map}, {transform_indices = #map1}]} {
    %scan3A = arith.constant 0 : i32
    %scan3A_0 = arith.constant 40 : i32
    %scan3A_1 = arith.addi %scan3A, %scan3A_0 : i32
    %scan3A_2 = arith.constant 1 : i32
    scf.for %scan3A_20 = %scan3A to %scan3A_1 step %scan3A_2  : i32 {
      %broadcast_in_dim3A = arith.constant 0.000000e+00 : f32
      %broadcast_in_dim3A_21 = vector.broadcast %broadcast_in_dim3A : f32 to vector<16xf32>
      %mul3A_22 = arith.constant 16 : i32
      %mul3A_23 = arith.muli %scan3A_20, %mul3A_22 : i32
      %swap3A = arith.index_cast %mul3A_23 : i32 to index
      %swap3A_24 = tpu.vector_load %arg6[%swap3A] {strides = array<i32>} : memref<640xf32, #tpu.memory_space<vmem>>, vector<16xf32>,
      %swap3A_25 = vector.shape_cast %swap3A_24 : vector<16xf32> to vector<16xf32>
      %swap3A_26 = vector.shape_cast %broadcast_in_dim3A_21 : vector<16xf32> to vector<16xf32>
      tpu.vector_store %arg6[%swap3A], %swap3A_26 {strides = array<i32>} : memref<640xf32, #tpu.memory_space<vmem>>, vector<16xf32>,
    }
    %scan3A_3 = arith.constant 40 : i32
    %scan3A_4 = arith.constant 0 : i32
    %scan3A_5 = arith.constant 8 : i32
    %scan3A_6 = arith.addi %scan3A_4, %scan3A_5 : i32
    %scan3A_7 = arith.constant 1 : i32
    scf.for %scan3A_20 = %scan3A_4 to %scan3A_6 step %scan3A_7  : i32 {
      %broadcast_in_dim3A = arith.constant 1.000000e+00 : f32
      %broadcast_in_dim3A_21 = vector.broadcast %broadcast_in_dim3A : f32 to vector<16xf32>
      %mul3A_22 = arith.constant 16 : i32
      %mul3A_23 = arith.muli %scan3A_20, %mul3A_22 : i32
      %swap3A = arith.index_cast %mul3A_23 : i32 to index
      %swap3A_24 = tpu.vector_load %arg5[%swap3A] {strides = array<i32>} : memref<128xf32, #tpu.memory_space<vmem>>, vector<16xf32>,
      %swap3A_25 = vector.shape_cast %swap3A_24 : vector<16xf32> to vector<16xf32>
      %swap3A_26 = vector.shape_cast %broadcast_in_dim3A_21 : vector<16xf32> to vector<16xf32>
      tpu.vector_store %arg5[%swap3A], %swap3A_26 {strides = array<i32>} : memref<128xf32, #tpu.memory_space<vmem>>, vector<16xf32>,
    }
    %scan3A_8 = arith.constant 8 : i32
    "tpu.region"() ({
      %run_scoped3A = tpu.sem_alloc : memref<!tpu.dma_semaphore, #tpu.memory_space<semaphore_mem>>
      %dma_start3A = arith.constant 0 : i32
      %dma_start3A_20 = arith.constant 0 : i32
      %dma_start3A_21 = tpu.memref_slice %arg2[%arg0, %arg1, %dma_start3A, %dma_start3A_20] : memref<2x16x80x128xi32, #tpu.memory_space<hbm>> -> memref<1x1x80x128xi32, #tpu.memory_space<hbm>>
      %dma_start3A_22 = tpu.memref_squeeze %dma_start3A_21 : memref<1x1x80x128xi32, #tpu.memory_space<hbm>> -> memref<80x128xi32, #tpu.memory_space<hbm>>
      %dma_start3A_23 = arith.constant 0 : i32
      %dma_start3A_24 = arith.constant 0 : i32
      %dma_start3A_25 = tpu.memref_slice %arg2[%arg0, %arg1, %dma_start3A_23, %dma_start3A_24] : memref<2x16x80x128xi32, #tpu.memory_space<hbm>> -> memref<1x1x80x128xi32, #tpu.memory_space<hbm>>
      %dma_start3A_26 = tpu.memref_squeeze %dma_start3A_25 : memref<1x1x80x128xi32, #tpu.memory_space<hbm>> -> memref<80x128xi32, #tpu.memory_space<hbm>>
      tpu.enqueue_dma source(%dma_start3A_26 : memref<80x128xi32, #tpu.memory_space<hbm>>) target(%arg4 : memref<80x128xi32, #tpu.memory_space<vmem>>) target_semaphore(%run_scoped3A : memref<!tpu.dma_semaphore, #tpu.memory_space<semaphore_mem>>)
      %dma_wait3A = arith.constant 0 : i32
      %dma_wait3A_27 = arith.constant 0 : i32
      %dma_wait3A_28 = tpu.memref_slice %arg2[%arg0, %arg1, %dma_wait3A, %dma_wait3A_27] : memref<2x16x80x128xi32, #tpu.memory_space<hbm>> -> memref<1x1x80x128xi32, #tpu.memory_space<hbm>>
      %dma_wait3A_29 = tpu.memref_squeeze %dma_wait3A_28 : memref<1x1x80x128xi32, #tpu.memory_space<hbm>> -> memref<80x128xi32, #tpu.memory_space<hbm>>
      %dma_wait3A_30 = arith.constant 0 : i32
      %dma_wait3A_31 = arith.constant 0 : i32
      %dma_wait3A_32 = tpu.memref_slice %arg2[%arg0, %arg1, %dma_wait3A_30, %dma_wait3A_31] : memref<2x16x80x128xi32, #tpu.memory_space<hbm>> -> memref<1x1x80x128xi32, #tpu.memory_space<hbm>>
      %dma_wait3A_33 = tpu.memref_squeeze %dma_wait3A_32 : memref<1x1x80x128xi32, #tpu.memory_space<hbm>> -> memref<80x128xi32, #tpu.memory_space<hbm>>
      tpu.wait_dma2 semaphore(%run_scoped3A : memref<!tpu.dma_semaphore, #tpu.memory_space<semaphore_mem>>) src(%dma_wait3A_33 : memref<80x128xi32, #tpu.memory_space<hbm>>) dst(%arg4 : memref<80x128xi32, #tpu.memory_space<vmem>>)
      tpu.yield
    }) : () -> ()
    %mul3A = arith.constant 640 : i32
    %mul3A_9 = arith.muli %arg1, %mul3A : i32
    "tpu.region"() ({
      %run_scoped3A = tpu.sem_alloc : memref<!tpu.dma_semaphore, #tpu.memory_space<semaphore_mem>>
      %dma_start3A = tpu.memref_slice %arg7[%mul3A_9] : memref<10240xf32, #tpu.memory_space<vmem_shared>> -> memref<640xf32, #tpu.memory_space<vmem_shared>>
      %dma_start3A_20 = tpu.memref_slice %arg7[%mul3A_9] : memref<10240xf32, #tpu.memory_space<vmem_shared>> -> memref<640xf32, #tpu.memory_space<vmem_shared>>
      tpu.enqueue_dma source(%arg6 : memref<640xf32, #tpu.memory_space<vmem>>) target(%dma_start3A_20 : memref<640xf32, #tpu.memory_space<vmem_shared>>) target_semaphore(%run_scoped3A : memref<!tpu.dma_semaphore, #tpu.memory_space<semaphore_mem>>)
      %dma_wait3A = tpu.memref_slice %arg7[%mul3A_9] : memref<10240xf32, #tpu.memory_space<vmem_shared>> -> memref<640xf32, #tpu.memory_space<vmem_shared>>
      %dma_wait3A_21 = tpu.memref_slice %arg7[%mul3A_9] : memref<10240xf32, #tpu.memory_space<vmem_shared>> -> memref<640xf32, #tpu.memory_space<vmem_shared>>
      tpu.wait_dma2 semaphore(%run_scoped3A : memref<!tpu.dma_semaphore, #tpu.memory_space<semaphore_mem>>) src(%arg6 : memref<640xf32, #tpu.memory_space<vmem>>) dst(%dma_wait3A_21 : memref<640xf32, #tpu.memory_space<vmem_shared>>)
      tpu.yield
    }) : () -> ()
    %barrier3A = arith.constant 0 : index
    tpu.barrier barrier_id(%barrier3A)
    %scan3A_10 = arith.constant 0 : i32
    %scan3A_11 = arith.constant 80 : i32
    %scan3A_12 = arith.addi %scan3A_10, %scan3A_11 : i32
    %scan3A_13 = arith.constant 1 : i32
    scf.for %scan3A_20 = %scan3A_10 to %scan3A_12 step %scan3A_13  : i32 {
      "tpu.region"() ({
        %run_scoped3A = tpu.sem_alloc : memref<!tpu.dma_semaphore, #tpu.memory_space<semaphore_mem>>
        %dma_start3A = arith.constant 0 : i32
        %dma_start3A_21 = tpu.memref_slice %arg4[%scan3A_20, %dma_start3A] : memref<80x128xi32, #tpu.memory_space<vmem>> -> memref<1x128xi32, #tpu.memory_space<vmem>>
        %dma_start3A_22 = tpu.memref_squeeze %dma_start3A_21 : memref<1x128xi32, #tpu.memory_space<vmem>> -> memref<128xi32, #tpu.memory_space<vmem>>
        %dma_start3A_23 = arith.constant 0 : i32
        %dma_start3A_24 = tpu.memref_slice %arg7[%dma_start3A_23] : memref<10240xf32, #tpu.memory_space<vmem_shared>> -> memref<10240xf32, #tpu.memory_space<vmem_shared>>
        tpu.enqueue_indirect_dma source(%arg5 : memref<128xf32, #tpu.memory_space<vmem>>) target(%dma_start3A_24 : memref<10240xf32, #tpu.memory_space<vmem_shared>>) offsets(%dma_start3A_22 : memref<128xi32, #tpu.memory_space<vmem>>) semaphore(%run_scoped3A : memref<!tpu.dma_semaphore, #tpu.memory_space<semaphore_mem>>) {add = true}
        %dma_wait3A = arith.constant 0 : i32
        %dma_wait3A_25 = tpu.memref_slice %arg4[%scan3A_20, %dma_wait3A] : memref<80x128xi32, #tpu.memory_space<vmem>> -> memref<1x128xi32, #tpu.memory_space<vmem>>
        %dma_wait3A_26 = tpu.memref_squeeze %dma_wait3A_25 : memref<1x128xi32, #tpu.memory_space<vmem>> -> memref<128xi32, #tpu.memory_space<vmem>>
        %dma_wait3A_27 = arith.constant 0 : i32
        %dma_wait3A_28 = tpu.memref_slice %arg7[%dma_wait3A_27] : memref<10240xf32, #tpu.memory_space<vmem_shared>> -> memref<10240xf32, #tpu.memory_space<vmem_shared>>
        tpu.wait_indirect_dma semaphore(%run_scoped3A : memref<!tpu.dma_semaphore, #tpu.memory_space<semaphore_mem>>) src(%arg5 : memref<128xf32, #tpu.memory_space<vmem>>) dst(%dma_wait3A_28 : memref<10240xf32, #tpu.memory_space<vmem_shared>>)
        tpu.yield
      }) : () -> ()
    }
    %scan3A_14 = arith.constant 80 : i32
    %barrier3A_15 = arith.constant 0 : index
    tpu.barrier barrier_id(%barrier3A_15)
    %mul3A_16 = arith.constant 640 : i32
    %mul3A_17 = arith.muli %arg1, %mul3A_16 : i32
    %mul3A_18 = arith.constant 640 : i32
    %mul3A_19 = arith.muli %arg1, %mul3A_18 : i32
    "tpu.region"() ({
      %run_scoped3A = tpu.sem_alloc : memref<!tpu.dma_semaphore, #tpu.memory_space<semaphore_mem>>
      %dma_start3A = tpu.memref_slice %arg3[%arg0, %mul3A_19] : memref<2x10240xf32, #tpu.memory_space<hbm>> -> memref<1x640xf32, #tpu.memory_space<hbm>>
      %dma_start3A_20 = tpu.memref_squeeze %dma_start3A : memref<1x640xf32, #tpu.memory_space<hbm>> -> memref<640xf32, #tpu.memory_space<hbm>>
      %dma_start3A_21 = tpu.memref_slice %arg7[%mul3A_17] : memref<10240xf32, #tpu.memory_space<vmem_shared>> -> memref<640xf32, #tpu.memory_space<vmem_shared>>
      tpu.enqueue_dma source(%dma_start3A_21 : memref<640xf32, #tpu.memory_space<vmem_shared>>) target(%dma_start3A_20 : memref<640xf32, #tpu.memory_space<hbm>>) target_semaphore(%run_scoped3A : memref<!tpu.dma_semaphore, #tpu.memory_space<semaphore_mem>>)
      %dma_wait3A = tpu.memref_slice %arg3[%arg0, %mul3A_19] : memref<2x10240xf32, #tpu.memory_space<hbm>> -> memref<1x640xf32, #tpu.memory_space<hbm>>
      %dma_wait3A_22 = tpu.memref_squeeze %dma_wait3A : memref<1x640xf32, #tpu.memory_space<hbm>> -> memref<640xf32, #tpu.memory_space<hbm>>
      %dma_wait3A_23 = tpu.memref_slice %arg7[%mul3A_17] : memref<10240xf32, #tpu.memory_space<vmem_shared>> -> memref<640xf32, #tpu.memory_space<vmem_shared>>
      tpu.wait_dma2 semaphore(%run_scoped3A : memref<!tpu.dma_semaphore, #tpu.memory_space<semaphore_mem>>) src(%dma_wait3A_23 : memref<640xf32, #tpu.memory_space<vmem_shared>>) dst(%dma_wait3A_22 : memref<640xf32, #tpu.memory_space<hbm>>)
      tpu.yield
    }) : () -> ()
    return
  }
}

#map = affine_map<(d0, d1) -> (0, 0, 0)>
#map1 = affine_map<(d0, d1) -> (0, 0, 0, 0)>
module attributes {stable_mosaic.version = 14 : i64} {
  func.func @_sc_aggregate_body(%arg0: i32, %arg1: i32, %arg2: memref<2x10240x128xf32, #tpu.memory_space<hbm>>, %arg3: memref<2x10240x128xf32, #tpu.memory_space<hbm>>, %arg4: memref<16x80x2x128xi32, #tpu.memory_space<hbm>>, %arg5: memref<2x10240x128xf32, #tpu.memory_space<hbm>>, %arg6: memref<2x4x2x128xi32, #tpu.memory_space<vmem>>, %arg7: memref<128x128xf32, #tpu.memory_space<vmem>>, %arg8: memref<128x128xf32, #tpu.memory_space<vmem>>, %arg9: memref<!tpu.dma_semaphore, #tpu.memory_space<semaphore_mem>>, %arg10: memref<!tpu.dma_semaphore, #tpu.memory_space<semaphore_mem>>, %arg11: memref<!tpu.dma_semaphore, #tpu.memory_space<semaphore_mem>>, %arg12: memref<!tpu.dma_semaphore, #tpu.memory_space<semaphore_mem>>, %arg13: memref<!tpu.dma_semaphore, #tpu.memory_space<semaphore_mem>>, %arg14: memref<!tpu.dma_semaphore, #tpu.memory_space<semaphore_mem>>, %arg15: memref<10240x128xf32, #tpu.memory_space<vmem_shared>>) attributes {dimension_semantics = [#tpu.dimension_semantics<core_parallel>, #tpu.dimension_semantics<subcore_parallel>], iteration_bounds = array<i64: 2, 16>, scalar_prefetch = 0 : i64, scratch_operands = 10 : i64, tpu.core_type = #tpu.core_type<sc_vector_subcore>, window_params = [{transform_indices = #map}, {transform_indices = #map}, {transform_indices = #map1}, {transform_indices = #map}]} {
    %mul3A = arith.constant 640 : i32
    %mul3A_0 = arith.muli %arg1, %mul3A : i32
    %mul3A_1 = arith.constant 640 : i32
    %mul3A_2 = arith.muli %arg1, %mul3A_1 : i32
    "tpu.region"() ({
      %run_scoped3A = tpu.sem_alloc : memref<!tpu.dma_semaphore, #tpu.memory_space<semaphore_mem>>
      %dma_start3A_95 = arith.constant 0 : i32
      %dma_start3A_96 = tpu.memref_slice %arg15[%mul3A_2, %dma_start3A_95] : memref<10240x128xf32, #tpu.memory_space<vmem_shared>> -> memref<640x128xf32, #tpu.memory_space<vmem_shared>>
      %dma_start3A_97 = arith.constant 0 : i32
      %dma_start3A_98 = arith.constant 0 : i32
      %dma_start3A_99 = tpu.memref_slice %arg3[%arg0, %dma_start3A_97, %dma_start3A_98] : memref<2x10240x128xf32, #tpu.memory_space<hbm>> -> memref<1x10240x128xf32, #tpu.memory_space<hbm>>
      %dma_start3A_100 = tpu.memref_squeeze %dma_start3A_99 : memref<1x10240x128xf32, #tpu.memory_space<hbm>> -> memref<10240x128xf32, #tpu.memory_space<hbm>>
      %dma_start3A_101 = arith.constant 0 : i32
      %dma_start3A_102 = tpu.memref_slice %dma_start3A_100[%mul3A_0, %dma_start3A_101] : memref<10240x128xf32, #tpu.memory_space<hbm>> -> memref<640x128xf32, #tpu.memory_space<hbm>>
      tpu.enqueue_dma source(%dma_start3A_102 : memref<640x128xf32, #tpu.memory_space<hbm>>) target(%dma_start3A_96 : memref<640x128xf32, #tpu.memory_space<vmem_shared>>) target_semaphore(%run_scoped3A : memref<!tpu.dma_semaphore, #tpu.memory_space<semaphore_mem>>)
      %dma_wait3A_103 = arith.constant 0 : i32
      %dma_wait3A_104 = tpu.memref_slice %arg15[%mul3A_2, %dma_wait3A_103] : memref<10240x128xf32, #tpu.memory_space<vmem_shared>> -> memref<640x128xf32, #tpu.memory_space<vmem_shared>>
      %dma_wait3A_105 = arith.constant 0 : i32
      %dma_wait3A_106 = arith.constant 0 : i32
      %dma_wait3A_107 = tpu.memref_slice %arg3[%arg0, %dma_wait3A_105, %dma_wait3A_106] : memref<2x10240x128xf32, #tpu.memory_space<hbm>> -> memref<1x10240x128xf32, #tpu.memory_space<hbm>>
      %dma_wait3A_108 = tpu.memref_squeeze %dma_wait3A_107 : memref<1x10240x128xf32, #tpu.memory_space<hbm>> -> memref<10240x128xf32, #tpu.memory_space<hbm>>
      %dma_wait3A_109 = arith.constant 0 : i32
      %dma_wait3A_110 = tpu.memref_slice %dma_wait3A_108[%mul3A_0, %dma_wait3A_109] : memref<10240x128xf32, #tpu.memory_space<hbm>> -> memref<640x128xf32, #tpu.memory_space<hbm>>
      tpu.wait_dma2 semaphore(%run_scoped3A : memref<!tpu.dma_semaphore, #tpu.memory_space<semaphore_mem>>) src(%dma_wait3A_110 : memref<640x128xf32, #tpu.memory_space<hbm>>) dst(%dma_wait3A_104 : memref<640x128xf32, #tpu.memory_space<vmem_shared>>)
      tpu.yield
    }) : () -> ()
    %dma_start3A = arith.constant 0 : i32
    %dma_start3A_3 = arith.constant 0 : i32
    %dma_start3A_4 = arith.constant 0 : i32
    %dma_start3A_5 = arith.constant 0 : i32
    %dma_start3A_6 = tpu.memref_slice %arg6[%dma_start3A, %dma_start3A_3, %dma_start3A_4, %dma_start3A_5] : memref<2x4x2x128xi32, #tpu.memory_space<vmem>> -> memref<1x4x2x128xi32, #tpu.memory_space<vmem>>
    %dma_start3A_7 = tpu.memref_squeeze %dma_start3A_6 : memref<1x4x2x128xi32, #tpu.memory_space<vmem>> -> memref<4x2x128xi32, #tpu.memory_space<vmem>>
    %dma_start3A_8 = arith.constant 0 : i32
    %dma_start3A_9 = arith.constant 0 : i32
    %dma_start3A_10 = arith.constant 0 : i32
    %dma_start3A_11 = tpu.memref_slice %arg4[%arg1, %dma_start3A_8, %dma_start3A_9, %dma_start3A_10] : memref<16x80x2x128xi32, #tpu.memory_space<hbm>> -> memref<1x4x2x128xi32, #tpu.memory_space<hbm>>
    %dma_start3A_12 = tpu.memref_squeeze %dma_start3A_11 : memref<1x4x2x128xi32, #tpu.memory_space<hbm>> -> memref<4x2x128xi32, #tpu.memory_space<hbm>>
    %dma_start3A_13 = arith.constant 0 : i32
    %dma_start3A_14 = arith.constant 0 : i32
    %dma_start3A_15 = arith.constant 0 : i32
    %dma_start3A_16 = tpu.memref_slice %arg6[%dma_start3A, %dma_start3A_13, %dma_start3A_14, %dma_start3A_15] : memref<2x4x2x128xi32, #tpu.memory_space<vmem>> -> memref<1x4x2x128xi32, #tpu.memory_space<vmem>>
    %dma_start3A_17 = tpu.memref_squeeze %dma_start3A_16 : memref<1x4x2x128xi32, #tpu.memory_space<vmem>> -> memref<4x2x128xi32, #tpu.memory_space<vmem>>
    %dma_start3A_18 = arith.constant 0 : i32
    %dma_start3A_19 = arith.constant 0 : i32
    %dma_start3A_20 = arith.constant 0 : i32
    %dma_start3A_21 = tpu.memref_slice %arg4[%arg1, %dma_start3A_18, %dma_start3A_19, %dma_start3A_20] : memref<16x80x2x128xi32, #tpu.memory_space<hbm>> -> memref<1x4x2x128xi32, #tpu.memory_space<hbm>>
    %dma_start3A_22 = tpu.memref_squeeze %dma_start3A_21 : memref<1x4x2x128xi32, #tpu.memory_space<hbm>> -> memref<4x2x128xi32, #tpu.memory_space<hbm>>
    tpu.enqueue_dma source(%dma_start3A_22 : memref<4x2x128xi32, #tpu.memory_space<hbm>>) target(%dma_start3A_17 : memref<4x2x128xi32, #tpu.memory_space<vmem>>) target_semaphore(%arg9 : memref<!tpu.dma_semaphore, #tpu.memory_space<semaphore_mem>>)
    %dma_start3A_23 = arith.constant 1 : i32
    %dma_start3A_24 = arith.constant 0 : i32
    %dma_start3A_25 = arith.constant 0 : i32
    %dma_start3A_26 = arith.constant 0 : i32
    %dma_start3A_27 = tpu.memref_slice %arg6[%dma_start3A_23, %dma_start3A_24, %dma_start3A_25, %dma_start3A_26] : memref<2x4x2x128xi32, #tpu.memory_space<vmem>> -> memref<1x4x2x128xi32, #tpu.memory_space<vmem>>
    %dma_start3A_28 = tpu.memref_squeeze %dma_start3A_27 : memref<1x4x2x128xi32, #tpu.memory_space<vmem>> -> memref<4x2x128xi32, #tpu.memory_space<vmem>>
    %dma_start3A_29 = arith.constant 4 : i32
    %dma_start3A_30 = arith.constant 0 : i32
    %dma_start3A_31 = arith.constant 0 : i32
    %dma_start3A_32 = tpu.memref_slice %arg4[%arg1, %dma_start3A_29, %dma_start3A_30, %dma_start3A_31] : memref<16x80x2x128xi32, #tpu.memory_space<hbm>> -> memref<1x4x2x128xi32, #tpu.memory_space<hbm>>
    %dma_start3A_33 = tpu.memref_squeeze %dma_start3A_32 : memref<1x4x2x128xi32, #tpu.memory_space<hbm>> -> memref<4x2x128xi32, #tpu.memory_space<hbm>>
    %dma_start3A_34 = arith.constant 0 : i32
    %dma_start3A_35 = arith.constant 0 : i32
    %dma_start3A_36 = arith.constant 0 : i32
    %dma_start3A_37 = tpu.memref_slice %arg6[%dma_start3A_23, %dma_start3A_34, %dma_start3A_35, %dma_start3A_36] : memref<2x4x2x128xi32, #tpu.memory_space<vmem>> -> memref<1x4x2x128xi32, #tpu.memory_space<vmem>>
    %dma_start3A_38 = tpu.memref_squeeze %dma_start3A_37 : memref<1x4x2x128xi32, #tpu.memory_space<vmem>> -> memref<4x2x128xi32, #tpu.memory_space<vmem>>
    %dma_start3A_39 = arith.constant 4 : i32
    %dma_start3A_40 = arith.constant 0 : i32
    %dma_start3A_41 = arith.constant 0 : i32
    %dma_start3A_42 = tpu.memref_slice %arg4[%arg1, %dma_start3A_39, %dma_start3A_40, %dma_start3A_41] : memref<16x80x2x128xi32, #tpu.memory_space<hbm>> -> memref<1x4x2x128xi32, #tpu.memory_space<hbm>>
    %dma_start3A_43 = tpu.memref_squeeze %dma_start3A_42 : memref<1x4x2x128xi32, #tpu.memory_space<hbm>> -> memref<4x2x128xi32, #tpu.memory_space<hbm>>
    tpu.enqueue_dma source(%dma_start3A_43 : memref<4x2x128xi32, #tpu.memory_space<hbm>>) target(%dma_start3A_38 : memref<4x2x128xi32, #tpu.memory_space<vmem>>) target_semaphore(%arg10 : memref<!tpu.dma_semaphore, #tpu.memory_space<semaphore_mem>>)
    %barrier3A = arith.constant 0 : index
    tpu.barrier barrier_id(%barrier3A)
    %dma_wait3A = arith.constant 0 : i32
    %dma_wait3A_44 = arith.constant 0 : i32
    %dma_wait3A_45 = arith.constant 0 : i32
    %dma_wait3A_46 = arith.constant 0 : i32
    %dma_wait3A_47 = tpu.memref_slice %arg6[%dma_wait3A, %dma_wait3A_44, %dma_wait3A_45, %dma_wait3A_46] : memref<2x4x2x128xi32, #tpu.memory_space<vmem>> -> memref<1x4x2x128xi32, #tpu.memory_space<vmem>>
    %dma_wait3A_48 = tpu.memref_squeeze %dma_wait3A_47 : memref<1x4x2x128xi32, #tpu.memory_space<vmem>> -> memref<4x2x128xi32, #tpu.memory_space<vmem>>
    %dma_wait3A_49 = arith.constant 0 : i32
    %dma_wait3A_50 = arith.constant 0 : i32
    %dma_wait3A_51 = arith.constant 0 : i32
    %dma_wait3A_52 = tpu.memref_slice %arg4[%arg1, %dma_wait3A_49, %dma_wait3A_50, %dma_wait3A_51] : memref<16x80x2x128xi32, #tpu.memory_space<hbm>> -> memref<1x4x2x128xi32, #tpu.memory_space<hbm>>
    %dma_wait3A_53 = tpu.memref_squeeze %dma_wait3A_52 : memref<1x4x2x128xi32, #tpu.memory_space<hbm>> -> memref<4x2x128xi32, #tpu.memory_space<hbm>>
    %dma_wait3A_54 = arith.constant 0 : i32
    %dma_wait3A_55 = arith.constant 0 : i32
    %dma_wait3A_56 = arith.constant 0 : i32
    %dma_wait3A_57 = tpu.memref_slice %arg6[%dma_wait3A, %dma_wait3A_54, %dma_wait3A_55, %dma_wait3A_56] : memref<2x4x2x128xi32, #tpu.memory_space<vmem>> -> memref<1x4x2x128xi32, #tpu.memory_space<vmem>>
    %dma_wait3A_58 = tpu.memref_squeeze %dma_wait3A_57 : memref<1x4x2x128xi32, #tpu.memory_space<vmem>> -> memref<4x2x128xi32, #tpu.memory_space<vmem>>
    %dma_wait3A_59 = arith.constant 0 : i32
    %dma_wait3A_60 = arith.constant 0 : i32
    %dma_wait3A_61 = arith.constant 0 : i32
    %dma_wait3A_62 = tpu.memref_slice %arg4[%arg1, %dma_wait3A_59, %dma_wait3A_60, %dma_wait3A_61] : memref<16x80x2x128xi32, #tpu.memory_space<hbm>> -> memref<1x4x2x128xi32, #tpu.memory_space<hbm>>
    %dma_wait3A_63 = tpu.memref_squeeze %dma_wait3A_62 : memref<1x4x2x128xi32, #tpu.memory_space<hbm>> -> memref<4x2x128xi32, #tpu.memory_space<hbm>>
    tpu.wait_dma2 semaphore(%arg9 : memref<!tpu.dma_semaphore, #tpu.memory_space<semaphore_mem>>) src(%dma_wait3A_63 : memref<4x2x128xi32, #tpu.memory_space<hbm>>) dst(%dma_wait3A_58 : memref<4x2x128xi32, #tpu.memory_space<vmem>>)
    %dma_start3A_64 = arith.constant 0 : i32
    %dma_start3A_65 = arith.constant 0 : i32
    %dma_start3A_66 = arith.constant 0 : i32
    %dma_start3A_67 = arith.constant 0 : i32
    %dma_start3A_68 = tpu.memref_slice %arg6[%dma_start3A_64, %dma_start3A_65, %dma_start3A_66, %dma_start3A_67] : memref<2x4x2x128xi32, #tpu.memory_space<vmem>> -> memref<1x1x1x128xi32, #tpu.memory_space<vmem>>
    %dma_start3A_69 = tpu.memref_squeeze %dma_start3A_68 : memref<1x1x1x128xi32, #tpu.memory_space<vmem>> -> memref<128xi32, #tpu.memory_space<vmem>>
    %dma_start3A_70 = arith.constant 0 : i32
    %dma_start3A_71 = arith.constant 0 : i32
    %dma_start3A_72 = tpu.memref_slice %arg2[%arg0, %dma_start3A_70, %dma_start3A_71] : memref<2x10240x128xf32, #tpu.memory_space<hbm>> -> memref<1x10240x128xf32, #tpu.memory_space<hbm>>
    %dma_start3A_73 = tpu.memref_squeeze %dma_start3A_72 : memref<1x10240x128xf32, #tpu.memory_space<hbm>> -> memref<10240x128xf32, #tpu.memory_space<hbm>>
    %dma_start3A_74 = arith.constant 0 : i32
    %dma_start3A_75 = arith.constant 0 : i32
    %dma_start3A_76 = tpu.memref_slice %dma_start3A_73[%dma_start3A_74, %dma_start3A_75] : memref<10240x128xf32, #tpu.memory_space<hbm>> -> memref<10240x128xf32, #tpu.memory_space<hbm>>
    tpu.enqueue_indirect_dma source(%dma_start3A_76 : memref<10240x128xf32, #tpu.memory_space<hbm>>) target(%arg7 : memref<128x128xf32, #tpu.memory_space<vmem>>) offsets(%dma_start3A_69 : memref<128xi32, #tpu.memory_space<vmem>>) semaphore(%arg11 : memref<!tpu.dma_semaphore, #tpu.memory_space<semaphore_mem>>)
    %scan3A = arith.constant 0 : i32
    %scan3A_77 = arith.constant 10 : i32
    %scan3A_78 = arith.addi %scan3A, %scan3A_77 : i32
    %scan3A_79 = arith.constant 1 : i32
    scf.for %scan3A_95 = %scan3A to %scan3A_78 step %scan3A_79  : i32 {
      %mul3A_96 = arith.constant 8 : i32
      %mul3A_97 = arith.muli %mul3A_96, %scan3A_95 : i32
      %add3A = arith.constant 0 : i32
      %add3A_98 = arith.addi %mul3A_97, %add3A : i32
      %gt3A = arith.constant 0 : i32
      %gt3A_99 = arith.cmpi sgt, %mul3A_97, %gt3A : i32
      %convert_element_type3A = arith.extui %gt3A_99 : i1 to i32
      %cond3A = arith.constant 0 : i32
      %cond3A_100 = arith.cmpi ne, %convert_element_type3A, %cond3A : i32
      scf.if %cond3A_100 {
        %dma_wait3A_479 = arith.constant 0 : i32
        %dma_wait3A_480 = arith.constant 0 : i32
        %dma_wait3A_481 = arith.constant 1 : i32
        %dma_wait3A_482 = arith.constant 0 : i32
        %dma_wait3A_483 = tpu.memref_slice %arg6[%dma_wait3A_479, %dma_wait3A_480, %dma_wait3A_481, %dma_wait3A_482] : memref<2x4x2x128xi32, #tpu.memory_space<vmem>> -> memref<1x1x1x128xi32, #tpu.memory_space<vmem>>
        %dma_wait3A_484 = tpu.memref_squeeze %dma_wait3A_483 : memref<1x1x1x128xi32, #tpu.memory_space<vmem>> -> memref<128xi32, #tpu.memory_space<vmem>>
        %dma_wait3A_485 = arith.constant 0 : i32
        %dma_wait3A_486 = arith.constant 0 : i32
        %dma_wait3A_487 = tpu.memref_slice %arg15[%dma_wait3A_485, %dma_wait3A_486] : memref<10240x128xf32, #tpu.memory_space<vmem_shared>> -> memref<10240x128xf32, #tpu.memory_space<vmem_shared>>
        tpu.wait_indirect_dma semaphore(%arg14 : memref<!tpu.dma_semaphore, #tpu.memory_space<semaphore_mem>>) src(%arg8 : memref<128x128xf32, #tpu.memory_space<vmem>>) dst(%dma_wait3A_487 : memref<10240x128xf32, #tpu.memory_space<vmem_shared>>)
        %add3A_488 = arith.constant 4 : i32
        %add3A_489 = arith.addi %mul3A_97, %add3A_488 : i32
        %dma_start3A_490 = arith.constant 1 : i32
        %dma_start3A_491 = arith.constant 0 : i32
        %dma_start3A_492 = arith.constant 0 : i32
        %dma_start3A_493 = arith.constant 0 : i32
        %dma_start3A_494 = tpu.memref_slice %arg6[%dma_start3A_490, %dma_start3A_491, %dma_start3A_492, %dma_start3A_493] : memref<2x4x2x128xi32, #tpu.memory_space<vmem>> -> memref<1x4x2x128xi32, #tpu.memory_space<vmem>>
        %dma_start3A_495 = tpu.memref_squeeze %dma_start3A_494 : memref<1x4x2x128xi32, #tpu.memory_space<vmem>> -> memref<4x2x128xi32, #tpu.memory_space<vmem>>
        %dma_start3A_496 = arith.constant 0 : i32
        %dma_start3A_497 = arith.constant 0 : i32
        %dma_start3A_498 = tpu.memref_slice %arg4[%arg1, %add3A_489, %dma_start3A_496, %dma_start3A_497] : memref<16x80x2x128xi32, #tpu.memory_space<hbm>> -> memref<1x4x2x128xi32, #tpu.memory_space<hbm>>
        %dma_start3A_499 = tpu.memref_squeeze %dma_start3A_498 : memref<1x4x2x128xi32, #tpu.memory_space<hbm>> -> memref<4x2x128xi32, #tpu.memory_space<hbm>>
        %dma_start3A_500 = arith.constant 0 : i32
        %dma_start3A_501 = arith.constant 0 : i32
        %dma_start3A_502 = arith.constant 0 : i32
        %dma_start3A_503 = tpu.memref_slice %arg6[%dma_start3A_490, %dma_start3A_500, %dma_start3A_501, %dma_start3A_502] : memref<2x4x2x128xi32, #tpu.memory_space<vmem>> -> memref<1x4x2x128xi32, #tpu.memory_space<vmem>>
        %dma_start3A_504 = tpu.memref_squeeze %dma_start3A_503 : memref<1x4x2x128xi32, #tpu.memory_space<vmem>> -> memref<4x2x128xi32, #tpu.memory_space<vmem>>
        %dma_start3A_505 = arith.constant 0 : i32
        %dma_start3A_506 = arith.constant 0 : i32
        %dma_start3A_507 = tpu.memref_slice %arg4[%arg1, %add3A_489, %dma_start3A_505, %dma_start3A_506] : memref<16x80x2x128xi32, #tpu.memory_space<hbm>> -> memref<1x4x2x128xi32, #tpu.memory_space<hbm>>
        %dma_start3A_508 = tpu.memref_squeeze %dma_start3A_507 : memref<1x4x2x128xi32, #tpu.memory_space<hbm>> -> memref<4x2x128xi32, #tpu.memory_space<hbm>>
        tpu.enqueue_dma source(%dma_start3A_508 : memref<4x2x128xi32, #tpu.memory_space<hbm>>) target(%dma_start3A_504 : memref<4x2x128xi32, #tpu.memory_space<vmem>>) target_semaphore(%arg10 : memref<!tpu.dma_semaphore, #tpu.memory_space<semaphore_mem>>)
      } else {
      }
      %dma_start3A_101 = arith.constant 0 : i32
      %dma_start3A_102 = arith.constant 1 : i32
      %dma_start3A_103 = arith.constant 0 : i32
      %dma_start3A_104 = arith.constant 0 : i32
      %dma_start3A_105 = tpu.memref_slice %arg6[%dma_start3A_101, %dma_start3A_102, %dma_start3A_103, %dma_start3A_104] : memref<2x4x2x128xi32, #tpu.memory_space<vmem>> -> memref<1x1x1x128xi32, #tpu.memory_space<vmem>>
      %dma_start3A_106 = tpu.memref_squeeze %dma_start3A_105 : memref<1x1x1x128xi32, #tpu.memory_space<vmem>> -> memref<128xi32, #tpu.memory_space<vmem>>
      %dma_start3A_107 = arith.constant 0 : i32
      %dma_start3A_108 = arith.constant 0 : i32
      %dma_start3A_109 = tpu.memref_slice %arg2[%arg0, %dma_start3A_107, %dma_start3A_108] : memref<2x10240x128xf32, #tpu.memory_space<hbm>> -> memref<1x10240x128xf32, #tpu.memory_space<hbm>>
      %dma_start3A_110 = tpu.memref_squeeze %dma_start3A_109 : memref<1x10240x128xf32, #tpu.memory_space<hbm>> -> memref<10240x128xf32, #tpu.memory_space<hbm>>
      %dma_start3A_111 = arith.constant 0 : i32
      %dma_start3A_112 = arith.constant 0 : i32
      %dma_start3A_113 = tpu.memref_slice %dma_start3A_110[%dma_start3A_111, %dma_start3A_112] : memref<10240x128xf32, #tpu.memory_space<hbm>> -> memref<10240x128xf32, #tpu.memory_space<hbm>>
      tpu.enqueue_indirect_dma source(%dma_start3A_113 : memref<10240x128xf32, #tpu.memory_space<hbm>>) target(%arg8 : memref<128x128xf32, #tpu.memory_space<vmem>>) offsets(%dma_start3A_106 : memref<128xi32, #tpu.memory_space<vmem>>) semaphore(%arg12 : memref<!tpu.dma_semaphore, #tpu.memory_space<semaphore_mem>>)
      %dma_wait3A_114 = arith.constant 0 : i32
      %dma_wait3A_115 = arith.constant 0 : i32
      %dma_wait3A_116 = arith.constant 0 : i32
      %dma_wait3A_117 = arith.constant 0 : i32
      %dma_wait3A_118 = tpu.memref_slice %arg6[%dma_wait3A_114, %dma_wait3A_115, %dma_wait3A_116, %dma_wait3A_117] : memref<2x4x2x128xi32, #tpu.memory_space<vmem>> -> memref<1x1x1x128xi32, #tpu.memory_space<vmem>>
      %dma_wait3A_119 = tpu.memref_squeeze %dma_wait3A_118 : memref<1x1x1x128xi32, #tpu.memory_space<vmem>> -> memref<128xi32, #tpu.memory_space<vmem>>
      %dma_wait3A_120 = arith.constant 0 : i32
      %dma_wait3A_121 = arith.constant 0 : i32
      %dma_wait3A_122 = tpu.memref_slice %arg2[%arg0, %dma_wait3A_120, %dma_wait3A_121] : memref<2x10240x128xf32, #tpu.memory_space<hbm>> -> memref<1x10240x128xf32, #tpu.memory_space<hbm>>
      %dma_wait3A_123 = tpu.memref_squeeze %dma_wait3A_122 : memref<1x10240x128xf32, #tpu.memory_space<hbm>> -> memref<10240x128xf32, #tpu.memory_space<hbm>>
      %dma_wait3A_124 = arith.constant 0 : i32
      %dma_wait3A_125 = arith.constant 0 : i32
      %dma_wait3A_126 = tpu.memref_slice %dma_wait3A_123[%dma_wait3A_124, %dma_wait3A_125] : memref<10240x128xf32, #tpu.memory_space<hbm>> -> memref<10240x128xf32, #tpu.memory_space<hbm>>
      tpu.wait_indirect_dma semaphore(%arg11 : memref<!tpu.dma_semaphore, #tpu.memory_space<semaphore_mem>>) src(%dma_wait3A_126 : memref<10240x128xf32, #tpu.memory_space<hbm>>) dst(%arg7 : memref<128x128xf32, #tpu.memory_space<vmem>>)
      %dma_start3A_127 = arith.constant 0 : i32
      %dma_start3A_128 = arith.constant 0 : i32
      %dma_start3A_129 = arith.constant 1 : i32
      %dma_start3A_130 = arith.constant 0 : i32
      %dma_start3A_131 = tpu.memref_slice %arg6[%dma_start3A_127, %dma_start3A_128, %dma_start3A_129, %dma_start3A_130] : memref<2x4x2x128xi32, #tpu.memory_space<vmem>> -> memref<1x1x1x128xi32, #tpu.memory_space<vmem>>
      %dma_start3A_132 = tpu.memref_squeeze %dma_start3A_131 : memref<1x1x1x128xi32, #tpu.memory_space<vmem>> -> memref<128xi32, #tpu.memory_space<vmem>>
      %dma_start3A_133 = arith.constant 0 : i32
      %dma_start3A_134 = arith.constant 0 : i32
      %dma_start3A_135 = tpu.memref_slice %arg15[%dma_start3A_133, %dma_start3A_134] : memref<10240x128xf32, #tpu.memory_space<vmem_shared>> -> memref<10240x128xf32, #tpu.memory_space<vmem_shared>>
      tpu.enqueue_indirect_dma source(%arg7 : memref<128x128xf32, #tpu.memory_space<vmem>>) target(%dma_start3A_135 : memref<10240x128xf32, #tpu.memory_space<vmem_shared>>) offsets(%dma_start3A_132 : memref<128xi32, #tpu.memory_space<vmem>>) semaphore(%arg13 : memref<!tpu.dma_semaphore, #tpu.memory_space<semaphore_mem>>) {add = true}
      %add3A_136 = arith.constant 1 : i32
      %add3A_137 = arith.addi %mul3A_97, %add3A_136 : i32
      %dma_wait3A_138 = arith.constant 0 : i32
      %dma_wait3A_139 = arith.constant 0 : i32
      %dma_wait3A_140 = arith.constant 1 : i32
      %dma_wait3A_141 = arith.constant 0 : i32
      %dma_wait3A_142 = tpu.memref_slice %arg6[%dma_wait3A_138, %dma_wait3A_139, %dma_wait3A_140, %dma_wait3A_141] : memref<2x4x2x128xi32, #tpu.memory_space<vmem>> -> memref<1x1x1x128xi32, #tpu.memory_space<vmem>>
      %dma_wait3A_143 = tpu.memref_squeeze %dma_wait3A_142 : memref<1x1x1x128xi32, #tpu.memory_space<vmem>> -> memref<128xi32, #tpu.memory_space<vmem>>
      %dma_wait3A_144 = arith.constant 0 : i32
      %dma_wait3A_145 = arith.constant 0 : i32
      %dma_wait3A_146 = tpu.memref_slice %arg15[%dma_wait3A_144, %dma_wait3A_145] : memref<10240x128xf32, #tpu.memory_space<vmem_shared>> -> memref<10240x128xf32, #tpu.memory_space<vmem_shared>>
      tpu.wait_indirect_dma semaphore(%arg13 : memref<!tpu.dma_semaphore, #tpu.memory_space<semaphore_mem>>) src(%arg7 : memref<128x128xf32, #tpu.memory_space<vmem>>) dst(%dma_wait3A_146 : memref<10240x128xf32, #tpu.memory_space<vmem_shared>>)
      %dma_start3A_147 = arith.constant 0 : i32
      %dma_start3A_148 = arith.constant 2 : i32
      %dma_start3A_149 = arith.constant 0 : i32
      %dma_start3A_150 = arith.constant 0 : i32
      %dma_start3A_151 = tpu.memref_slice %arg6[%dma_start3A_147, %dma_start3A_148, %dma_start3A_149, %dma_start3A_150] : memref<2x4x2x128xi32, #tpu.memory_space<vmem>> -> memref<1x1x1x128xi32, #tpu.memory_space<vmem>>
      %dma_start3A_152 = tpu.memref_squeeze %dma_start3A_151 : memref<1x1x1x128xi32, #tpu.memory_space<vmem>> -> memref<128xi32, #tpu.memory_space<vmem>>
      %dma_start3A_153 = arith.constant 0 : i32
      %dma_start3A_154 = arith.constant 0 : i32
      %dma_start3A_155 = tpu.memref_slice %arg2[%arg0, %dma_start3A_153, %dma_start3A_154] : memref<2x10240x128xf32, #tpu.memory_space<hbm>> -> memref<1x10240x128xf32, #tpu.memory_space<hbm>>
      %dma_start3A_156 = tpu.memref_squeeze %dma_start3A_155 : memref<1x10240x128xf32, #tpu.memory_space<hbm>> -> memref<10240x128xf32, #tpu.memory_space<hbm>>
      %dma_start3A_157 = arith.constant 0 : i32
      %dma_start3A_158 = arith.constant 0 : i32
      %dma_start3A_159 = tpu.memref_slice %dma_start3A_156[%dma_start3A_157, %dma_start3A_158] : memref<10240x128xf32, #tpu.memory_space<hbm>> -> memref<10240x128xf32, #tpu.memory_space<hbm>>
      tpu.enqueue_indirect_dma source(%dma_start3A_159 : memref<10240x128xf32, #tpu.memory_space<hbm>>) target(%arg7 : memref<128x128xf32, #tpu.memory_space<vmem>>) offsets(%dma_start3A_152 : memref<128xi32, #tpu.memory_space<vmem>>) semaphore(%arg11 : memref<!tpu.dma_semaphore, #tpu.memory_space<semaphore_mem>>)
      %dma_wait3A_160 = arith.constant 0 : i32
      %dma_wait3A_161 = arith.constant 0 : i32
      %dma_wait3A_162 = arith.constant 0 : i32
      %dma_wait3A_163 = arith.constant 0 : i32
      %dma_wait3A_164 = tpu.memref_slice %arg6[%dma_wait3A_160, %dma_wait3A_161, %dma_wait3A_162, %dma_wait3A_163] : memref<2x4x2x128xi32, #tpu.memory_space<vmem>> -> memref<1x1x1x128xi32, #tpu.memory_space<vmem>>
      %dma_wait3A_165 = tpu.memref_squeeze %dma_wait3A_164 : memref<1x1x1x128xi32, #tpu.memory_space<vmem>> -> memref<128xi32, #tpu.memory_space<vmem>>
      %dma_wait3A_166 = arith.constant 0 : i32
      %dma_wait3A_167 = arith.constant 0 : i32
      %dma_wait3A_168 = tpu.memref_slice %arg2[%arg0, %dma_wait3A_166, %dma_wait3A_167] : memref<2x10240x128xf32, #tpu.memory_space<hbm>> -> memref<1x10240x128xf32, #tpu.memory_space<hbm>>
      %dma_wait3A_169 = tpu.memref_squeeze %dma_wait3A_168 : memref<1x10240x128xf32, #tpu.memory_space<hbm>> -> memref<10240x128xf32, #tpu.memory_space<hbm>>
      %dma_wait3A_170 = arith.constant 0 : i32
      %dma_wait3A_171 = arith.constant 0 : i32
      %dma_wait3A_172 = tpu.memref_slice %dma_wait3A_169[%dma_wait3A_170, %dma_wait3A_171] : memref<10240x128xf32, #tpu.memory_space<hbm>> -> memref<10240x128xf32, #tpu.memory_space<hbm>>
      tpu.wait_indirect_dma semaphore(%arg12 : memref<!tpu.dma_semaphore, #tpu.memory_space<semaphore_mem>>) src(%dma_wait3A_172 : memref<10240x128xf32, #tpu.memory_space<hbm>>) dst(%arg8 : memref<128x128xf32, #tpu.memory_space<vmem>>)
      %dma_start3A_173 = arith.constant 0 : i32
      %dma_start3A_174 = arith.constant 1 : i32
      %dma_start3A_175 = arith.constant 1 : i32
      %dma_start3A_176 = arith.constant 0 : i32
      %dma_start3A_177 = tpu.memref_slice %arg6[%dma_start3A_173, %dma_start3A_174, %dma_start3A_175, %dma_start3A_176] : memref<2x4x2x128xi32, #tpu.memory_space<vmem>> -> memref<1x1x1x128xi32, #tpu.memory_space<vmem>>
      %dma_start3A_178 = tpu.memref_squeeze %dma_start3A_177 : memref<1x1x1x128xi32, #tpu.memory_space<vmem>> -> memref<128xi32, #tpu.memory_space<vmem>>
      %dma_start3A_179 = arith.constant 0 : i32
      %dma_start3A_180 = arith.constant 0 : i32
      %dma_start3A_181 = tpu.memref_slice %arg15[%dma_start3A_179, %dma_start3A_180] : memref<10240x128xf32, #tpu.memory_space<vmem_shared>> -> memref<10240x128xf32, #tpu.memory_space<vmem_shared>>
      tpu.enqueue_indirect_dma source(%arg8 : memref<128x128xf32, #tpu.memory_space<vmem>>) target(%dma_start3A_181 : memref<10240x128xf32, #tpu.memory_space<vmem_shared>>) offsets(%dma_start3A_178 : memref<128xi32, #tpu.memory_space<vmem>>) semaphore(%arg14 : memref<!tpu.dma_semaphore, #tpu.memory_space<semaphore_mem>>) {add = true}
      %add3A_182 = arith.constant 2 : i32
      %add3A_183 = arith.addi %mul3A_97, %add3A_182 : i32
      %dma_wait3A_184 = arith.constant 0 : i32
      %dma_wait3A_185 = arith.constant 0 : i32
      %dma_wait3A_186 = arith.constant 1 : i32
      %dma_wait3A_187 = arith.constant 0 : i32
      %dma_wait3A_188 = tpu.memref_slice %arg6[%dma_wait3A_184, %dma_wait3A_185, %dma_wait3A_186, %dma_wait3A_187] : memref<2x4x2x128xi32, #tpu.memory_space<vmem>> -> memref<1x1x1x128xi32, #tpu.memory_space<vmem>>
      %dma_wait3A_189 = tpu.memref_squeeze %dma_wait3A_188 : memref<1x1x1x128xi32, #tpu.memory_space<vmem>> -> memref<128xi32, #tpu.memory_space<vmem>>
      %dma_wait3A_190 = arith.constant 0 : i32
      %dma_wait3A_191 = arith.constant 0 : i32
      %dma_wait3A_192 = tpu.memref_slice %arg15[%dma_wait3A_190, %dma_wait3A_191] : memref<10240x128xf32, #tpu.memory_space<vmem_shared>> -> memref<10240x128xf32, #tpu.memory_space<vmem_shared>>
      tpu.wait_indirect_dma semaphore(%arg14 : memref<!tpu.dma_semaphore, #tpu.memory_space<semaphore_mem>>) src(%arg8 : memref<128x128xf32, #tpu.memory_space<vmem>>) dst(%dma_wait3A_192 : memref<10240x128xf32, #tpu.memory_space<vmem_shared>>)
      %dma_start3A_193 = arith.constant 0 : i32
      %dma_start3A_194 = arith.constant 3 : i32
      %dma_start3A_195 = arith.constant 0 : i32
      %dma_start3A_196 = arith.constant 0 : i32
      %dma_start3A_197 = tpu.memref_slice %arg6[%dma_start3A_193, %dma_start3A_194, %dma_start3A_195, %dma_start3A_196] : memref<2x4x2x128xi32, #tpu.memory_space<vmem>> -> memref<1x1x1x128xi32, #tpu.memory_space<vmem>>
      %dma_start3A_198 = tpu.memref_squeeze %dma_start3A_197 : memref<1x1x1x128xi32, #tpu.memory_space<vmem>> -> memref<128xi32, #tpu.memory_space<vmem>>
      %dma_start3A_199 = arith.constant 0 : i32
      %dma_start3A_200 = arith.constant 0 : i32
      %dma_start3A_201 = tpu.memref_slice %arg2[%arg0, %dma_start3A_199, %dma_start3A_200] : memref<2x10240x128xf32, #tpu.memory_space<hbm>> -> memref<1x10240x128xf32, #tpu.memory_space<hbm>>
      %dma_start3A_202 = tpu.memref_squeeze %dma_start3A_201 : memref<1x10240x128xf32, #tpu.memory_space<hbm>> -> memref<10240x128xf32, #tpu.memory_space<hbm>>
      %dma_start3A_203 = arith.constant 0 : i32
      %dma_start3A_204 = arith.constant 0 : i32
      %dma_start3A_205 = tpu.memref_slice %dma_start3A_202[%dma_start3A_203, %dma_start3A_204] : memref<10240x128xf32, #tpu.memory_space<hbm>> -> memref<10240x128xf32, #tpu.memory_space<hbm>>
      tpu.enqueue_indirect_dma source(%dma_start3A_205 : memref<10240x128xf32, #tpu.memory_space<hbm>>) target(%arg8 : memref<128x128xf32, #tpu.memory_space<vmem>>) offsets(%dma_start3A_198 : memref<128xi32, #tpu.memory_space<vmem>>) semaphore(%arg12 : memref<!tpu.dma_semaphore, #tpu.memory_space<semaphore_mem>>)
      %dma_wait3A_206 = arith.constant 0 : i32
      %dma_wait3A_207 = arith.constant 0 : i32
      %dma_wait3A_208 = arith.constant 0 : i32
      %dma_wait3A_209 = arith.constant 0 : i32
      %dma_wait3A_210 = tpu.memref_slice %arg6[%dma_wait3A_206, %dma_wait3A_207, %dma_wait3A_208, %dma_wait3A_209] : memref<2x4x2x128xi32, #tpu.memory_space<vmem>> -> memref<1x1x1x128xi32, #tpu.memory_space<vmem>>
      %dma_wait3A_211 = tpu.memref_squeeze %dma_wait3A_210 : memref<1x1x1x128xi32, #tpu.memory_space<vmem>> -> memref<128xi32, #tpu.memory_space<vmem>>
      %dma_wait3A_212 = arith.constant 0 : i32
      %dma_wait3A_213 = arith.constant 0 : i32
      %dma_wait3A_214 = tpu.memref_slice %arg2[%arg0, %dma_wait3A_212, %dma_wait3A_213] : memref<2x10240x128xf32, #tpu.memory_space<hbm>> -> memref<1x10240x128xf32, #tpu.memory_space<hbm>>
      %dma_wait3A_215 = tpu.memref_squeeze %dma_wait3A_214 : memref<1x10240x128xf32, #tpu.memory_space<hbm>> -> memref<10240x128xf32, #tpu.memory_space<hbm>>
      %dma_wait3A_216 = arith.constant 0 : i32
      %dma_wait3A_217 = arith.constant 0 : i32
      %dma_wait3A_218 = tpu.memref_slice %dma_wait3A_215[%dma_wait3A_216, %dma_wait3A_217] : memref<10240x128xf32, #tpu.memory_space<hbm>> -> memref<10240x128xf32, #tpu.memory_space<hbm>>
      tpu.wait_indirect_dma semaphore(%arg11 : memref<!tpu.dma_semaphore, #tpu.memory_space<semaphore_mem>>) src(%dma_wait3A_218 : memref<10240x128xf32, #tpu.memory_space<hbm>>) dst(%arg7 : memref<128x128xf32, #tpu.memory_space<vmem>>)
      %dma_start3A_219 = arith.constant 0 : i32
      %dma_start3A_220 = arith.constant 2 : i32
      %dma_start3A_221 = arith.constant 1 : i32
      %dma_start3A_222 = arith.constant 0 : i32
      %dma_start3A_223 = tpu.memref_slice %arg6[%dma_start3A_219, %dma_start3A_220, %dma_start3A_221, %dma_start3A_222] : memref<2x4x2x128xi32, #tpu.memory_space<vmem>> -> memref<1x1x1x128xi32, #tpu.memory_space<vmem>>
      %dma_start3A_224 = tpu.memref_squeeze %dma_start3A_223 : memref<1x1x1x128xi32, #tpu.memory_space<vmem>> -> memref<128xi32, #tpu.memory_space<vmem>>
      %dma_start3A_225 = arith.constant 0 : i32
      %dma_start3A_226 = arith.constant 0 : i32
      %dma_start3A_227 = tpu.memref_slice %arg15[%dma_start3A_225, %dma_start3A_226] : memref<10240x128xf32, #tpu.memory_space<vmem_shared>> -> memref<10240x128xf32, #tpu.memory_space<vmem_shared>>
      tpu.enqueue_indirect_dma source(%arg7 : memref<128x128xf32, #tpu.memory_space<vmem>>) target(%dma_start3A_227 : memref<10240x128xf32, #tpu.memory_space<vmem_shared>>) offsets(%dma_start3A_224 : memref<128xi32, #tpu.memory_space<vmem>>) semaphore(%arg13 : memref<!tpu.dma_semaphore, #tpu.memory_space<semaphore_mem>>) {add = true}
      %add3A_228 = arith.constant 3 : i32
      %add3A_229 = arith.addi %mul3A_97, %add3A_228 : i32
      %dma_wait3A_230 = arith.constant 0 : i32
      %dma_wait3A_231 = arith.constant 0 : i32
      %dma_wait3A_232 = arith.constant 1 : i32
      %dma_wait3A_233 = arith.constant 0 : i32
      %dma_wait3A_234 = tpu.memref_slice %arg6[%dma_wait3A_230, %dma_wait3A_231, %dma_wait3A_232, %dma_wait3A_233] : memref<2x4x2x128xi32, #tpu.memory_space<vmem>> -> memref<1x1x1x128xi32, #tpu.memory_space<vmem>>
      %dma_wait3A_235 = tpu.memref_squeeze %dma_wait3A_234 : memref<1x1x1x128xi32, #tpu.memory_space<vmem>> -> memref<128xi32, #tpu.memory_space<vmem>>
      %dma_wait3A_236 = arith.constant 0 : i32
      %dma_wait3A_237 = arith.constant 0 : i32
      %dma_wait3A_238 = tpu.memref_slice %arg15[%dma_wait3A_236, %dma_wait3A_237] : memref<10240x128xf32, #tpu.memory_space<vmem_shared>> -> memref<10240x128xf32, #tpu.memory_space<vmem_shared>>
      tpu.wait_indirect_dma semaphore(%arg13 : memref<!tpu.dma_semaphore, #tpu.memory_space<semaphore_mem>>) src(%arg7 : memref<128x128xf32, #tpu.memory_space<vmem>>) dst(%dma_wait3A_238 : memref<10240x128xf32, #tpu.memory_space<vmem_shared>>)
      %dma_wait3A_239 = arith.constant 1 : i32
      %dma_wait3A_240 = arith.constant 0 : i32
      %dma_wait3A_241 = arith.constant 0 : i32
      %dma_wait3A_242 = arith.constant 0 : i32
      %dma_wait3A_243 = tpu.memref_slice %arg6[%dma_wait3A_239, %dma_wait3A_240, %dma_wait3A_241, %dma_wait3A_242] : memref<2x4x2x128xi32, #tpu.memory_space<vmem>> -> memref<1x4x2x128xi32, #tpu.memory_space<vmem>>
      %dma_wait3A_244 = tpu.memref_squeeze %dma_wait3A_243 : memref<1x4x2x128xi32, #tpu.memory_space<vmem>> -> memref<4x2x128xi32, #tpu.memory_space<vmem>>
      %dma_wait3A_245 = arith.constant 0 : i32
      %dma_wait3A_246 = arith.constant 0 : i32
      %dma_wait3A_247 = arith.constant 0 : i32
      %dma_wait3A_248 = tpu.memref_slice %arg4[%arg1, %dma_wait3A_245, %dma_wait3A_246, %dma_wait3A_247] : memref<16x80x2x128xi32, #tpu.memory_space<hbm>> -> memref<1x4x2x128xi32, #tpu.memory_space<hbm>>
      %dma_wait3A_249 = tpu.memref_squeeze %dma_wait3A_248 : memref<1x4x2x128xi32, #tpu.memory_space<hbm>> -> memref<4x2x128xi32, #tpu.memory_space<hbm>>
      %dma_wait3A_250 = arith.constant 0 : i32
      %dma_wait3A_251 = arith.constant 0 : i32
      %dma_wait3A_252 = arith.constant 0 : i32
      %dma_wait3A_253 = tpu.memref_slice %arg6[%dma_wait3A_239, %dma_wait3A_250, %dma_wait3A_251, %dma_wait3A_252] : memref<2x4x2x128xi32, #tpu.memory_space<vmem>> -> memref<1x4x2x128xi32, #tpu.memory_space<vmem>>
      %dma_wait3A_254 = tpu.memref_squeeze %dma_wait3A_253 : memref<1x4x2x128xi32, #tpu.memory_space<vmem>> -> memref<4x2x128xi32, #tpu.memory_space<vmem>>
      %dma_wait3A_255 = arith.constant 0 : i32
      %dma_wait3A_256 = arith.constant 0 : i32
      %dma_wait3A_257 = arith.constant 0 : i32
      %dma_wait3A_258 = tpu.memref_slice %arg4[%arg1, %dma_wait3A_255, %dma_wait3A_256, %dma_wait3A_257] : memref<16x80x2x128xi32, #tpu.memory_space<hbm>> -> memref<1x4x2x128xi32, #tpu.memory_space<hbm>>
      %dma_wait3A_259 = tpu.memref_squeeze %dma_wait3A_258 : memref<1x4x2x128xi32, #tpu.memory_space<hbm>> -> memref<4x2x128xi32, #tpu.memory_space<hbm>>
      tpu.wait_dma2 semaphore(%arg10 : memref<!tpu.dma_semaphore, #tpu.memory_space<semaphore_mem>>) src(%dma_wait3A_259 : memref<4x2x128xi32, #tpu.memory_space<hbm>>) dst(%dma_wait3A_254 : memref<4x2x128xi32, #tpu.memory_space<vmem>>)
      %dma_start3A_260 = arith.constant 1 : i32
      %dma_start3A_261 = arith.constant 0 : i32
      %dma_start3A_262 = arith.constant 0 : i32
      %dma_start3A_263 = arith.constant 0 : i32
      %dma_start3A_264 = tpu.memref_slice %arg6[%dma_start3A_260, %dma_start3A_261, %dma_start3A_262, %dma_start3A_263] : memref<2x4x2x128xi32, #tpu.memory_space<vmem>> -> memref<1x1x1x128xi32, #tpu.memory_space<vmem>>
      %dma_start3A_265 = tpu.memref_squeeze %dma_start3A_264 : memref<1x1x1x128xi32, #tpu.memory_space<vmem>> -> memref<128xi32, #tpu.memory_space<vmem>>
      %dma_start3A_266 = arith.constant 0 : i32
      %dma_start3A_267 = arith.constant 0 : i32
      %dma_start3A_268 = tpu.memref_slice %arg2[%arg0, %dma_start3A_266, %dma_start3A_267] : memref<2x10240x128xf32, #tpu.memory_space<hbm>> -> memref<1x10240x128xf32, #tpu.memory_space<hbm>>
      %dma_start3A_269 = tpu.memref_squeeze %dma_start3A_268 : memref<1x10240x128xf32, #tpu.memory_space<hbm>> -> memref<10240x128xf32, #tpu.memory_space<hbm>>
      %dma_start3A_270 = arith.constant 0 : i32
      %dma_start3A_271 = arith.constant 0 : i32
      %dma_start3A_272 = tpu.memref_slice %dma_start3A_269[%dma_start3A_270, %dma_start3A_271] : memref<10240x128xf32, #tpu.memory_space<hbm>> -> memref<10240x128xf32, #tpu.memory_space<hbm>>
      tpu.enqueue_indirect_dma source(%dma_start3A_272 : memref<10240x128xf32, #tpu.memory_space<hbm>>) target(%arg7 : memref<128x128xf32, #tpu.memory_space<vmem>>) offsets(%dma_start3A_265 : memref<128xi32, #tpu.memory_space<vmem>>) semaphore(%arg11 : memref<!tpu.dma_semaphore, #tpu.memory_space<semaphore_mem>>)
      %dma_wait3A_273 = arith.constant 0 : i32
      %dma_wait3A_274 = arith.constant 0 : i32
      %dma_wait3A_275 = arith.constant 0 : i32
      %dma_wait3A_276 = arith.constant 0 : i32
      %dma_wait3A_277 = tpu.memref_slice %arg6[%dma_wait3A_273, %dma_wait3A_274, %dma_wait3A_275, %dma_wait3A_276] : memref<2x4x2x128xi32, #tpu.memory_space<vmem>> -> memref<1x1x1x128xi32, #tpu.memory_space<vmem>>
      %dma_wait3A_278 = tpu.memref_squeeze %dma_wait3A_277 : memref<1x1x1x128xi32, #tpu.memory_space<vmem>> -> memref<128xi32, #tpu.memory_space<vmem>>
      %dma_wait3A_279 = arith.constant 0 : i32
      %dma_wait3A_280 = arith.constant 0 : i32
      %dma_wait3A_281 = tpu.memref_slice %arg2[%arg0, %dma_wait3A_279, %dma_wait3A_280] : memref<2x10240x128xf32, #tpu.memory_space<hbm>> -> memref<1x10240x128xf32, #tpu.memory_space<hbm>>
      %dma_wait3A_282 = tpu.memref_squeeze %dma_wait3A_281 : memref<1x10240x128xf32, #tpu.memory_space<hbm>> -> memref<10240x128xf32, #tpu.memory_space<hbm>>
      %dma_wait3A_283 = arith.constant 0 : i32
      %dma_wait3A_284 = arith.constant 0 : i32
      %dma_wait3A_285 = tpu.memref_slice %dma_wait3A_282[%dma_wait3A_283, %dma_wait3A_284] : memref<10240x128xf32, #tpu.memory_space<hbm>> -> memref<10240x128xf32, #tpu.memory_space<hbm>>
      tpu.wait_indirect_dma semaphore(%arg12 : memref<!tpu.dma_semaphore, #tpu.memory_space<semaphore_mem>>) src(%dma_wait3A_285 : memref<10240x128xf32, #tpu.memory_space<hbm>>) dst(%arg8 : memref<128x128xf32, #tpu.memory_space<vmem>>)
      %dma_start3A_286 = arith.constant 0 : i32
      %dma_start3A_287 = arith.constant 3 : i32
      %dma_start3A_288 = arith.constant 1 : i32
      %dma_start3A_289 = arith.constant 0 : i32
      %dma_start3A_290 = tpu.memref_slice %arg6[%dma_start3A_286, %dma_start3A_287, %dma_start3A_288, %dma_start3A_289] : memref<2x4x2x128xi32, #tpu.memory_space<vmem>> -> memref<1x1x1x128xi32, #tpu.memory_space<vmem>>
      %dma_start3A_291 = tpu.memref_squeeze %dma_start3A_290 : memref<1x1x1x128xi32, #tpu.memory_space<vmem>> -> memref<128xi32, #tpu.memory_space<vmem>>
      %dma_start3A_292 = arith.constant 0 : i32
      %dma_start3A_293 = arith.constant 0 : i32
      %dma_start3A_294 = tpu.memref_slice %arg15[%dma_start3A_292, %dma_start3A_293] : memref<10240x128xf32, #tpu.memory_space<vmem_shared>> -> memref<10240x128xf32, #tpu.memory_space<vmem_shared>>
      tpu.enqueue_indirect_dma source(%arg8 : memref<128x128xf32, #tpu.memory_space<vmem>>) target(%dma_start3A_294 : memref<10240x128xf32, #tpu.memory_space<vmem_shared>>) offsets(%dma_start3A_291 : memref<128xi32, #tpu.memory_space<vmem>>) semaphore(%arg14 : memref<!tpu.dma_semaphore, #tpu.memory_space<semaphore_mem>>) {add = true}
      %add3A_295 = arith.constant 4 : i32
      %add3A_296 = arith.addi %mul3A_97, %add3A_295 : i32
      %dma_wait3A_297 = arith.constant 0 : i32
      %dma_wait3A_298 = arith.constant 0 : i32
      %dma_wait3A_299 = arith.constant 1 : i32
      %dma_wait3A_300 = arith.constant 0 : i32
      %dma_wait3A_301 = tpu.memref_slice %arg6[%dma_wait3A_297, %dma_wait3A_298, %dma_wait3A_299, %dma_wait3A_300] : memref<2x4x2x128xi32, #tpu.memory_space<vmem>> -> memref<1x1x1x128xi32, #tpu.memory_space<vmem>>
      %dma_wait3A_302 = tpu.memref_squeeze %dma_wait3A_301 : memref<1x1x1x128xi32, #tpu.memory_space<vmem>> -> memref<128xi32, #tpu.memory_space<vmem>>
      %dma_wait3A_303 = arith.constant 0 : i32
      %dma_wait3A_304 = arith.constant 0 : i32
      %dma_wait3A_305 = tpu.memref_slice %arg15[%dma_wait3A_303, %dma_wait3A_304] : memref<10240x128xf32, #tpu.memory_space<vmem_shared>> -> memref<10240x128xf32, #tpu.memory_space<vmem_shared>>
      tpu.wait_indirect_dma semaphore(%arg14 : memref<!tpu.dma_semaphore, #tpu.memory_space<semaphore_mem>>) src(%arg8 : memref<128x128xf32, #tpu.memory_space<vmem>>) dst(%dma_wait3A_305 : memref<10240x128xf32, #tpu.memory_space<vmem_shared>>)
      %add3A_306 = arith.constant 8 : i32
      %add3A_307 = arith.addi %mul3A_97, %add3A_306 : i32
      %lt3A = arith.constant 80 : i32
      %lt3A_308 = arith.cmpi slt, %add3A_307, %lt3A : i32
      %convert_element_type3A_309 = arith.extui %lt3A_308 : i1 to i32
      %cond3A_310 = arith.constant 0 : i32
      %cond3A_311 = arith.cmpi ne, %convert_element_type3A_309, %cond3A_310 : i32
      scf.if %cond3A_311 {
        %add3A_479 = arith.constant 8 : i32
        %add3A_480 = arith.addi %mul3A_97, %add3A_479 : i32
        %dma_start3A_481 = arith.constant 0 : i32
        %dma_start3A_482 = arith.constant 0 : i32
        %dma_start3A_483 = arith.constant 0 : i32
        %dma_start3A_484 = arith.constant 0 : i32
        %dma_start3A_485 = tpu.memref_slice %arg6[%dma_start3A_481, %dma_start3A_482, %dma_start3A_483, %dma_start3A_484] : memref<2x4x2x128xi32, #tpu.memory_space<vmem>> -> memref<1x4x2x128xi32, #tpu.memory_space<vmem>>
        %dma_start3A_486 = tpu.memref_squeeze %dma_start3A_485 : memref<1x4x2x128xi32, #tpu.memory_space<vmem>> -> memref<4x2x128xi32, #tpu.memory_space<vmem>>
        %dma_start3A_487 = arith.constant 0 : i32
        %dma_start3A_488 = arith.constant 0 : i32
        %dma_start3A_489 = tpu.memref_slice %arg4[%arg1, %add3A_480, %dma_start3A_487, %dma_start3A_488] : memref<16x80x2x128xi32, #tpu.memory_space<hbm>> -> memref<1x4x2x128xi32, #tpu.memory_space<hbm>>
        %dma_start3A_490 = tpu.memref_squeeze %dma_start3A_489 : memref<1x4x2x128xi32, #tpu.memory_space<hbm>> -> memref<4x2x128xi32, #tpu.memory_space<hbm>>
        %dma_start3A_491 = arith.constant 0 : i32
        %dma_start3A_492 = arith.constant 0 : i32
        %dma_start3A_493 = arith.constant 0 : i32
        %dma_start3A_494 = tpu.memref_slice %arg6[%dma_start3A_481, %dma_start3A_491, %dma_start3A_492, %dma_start3A_493] : memref<2x4x2x128xi32, #tpu.memory_space<vmem>> -> memref<1x4x2x128xi32, #tpu.memory_space<vmem>>
        %dma_start3A_495 = tpu.memref_squeeze %dma_start3A_494 : memref<1x4x2x128xi32, #tpu.memory_space<vmem>> -> memref<4x2x128xi32, #tpu.memory_space<vmem>>
        %dma_start3A_496 = arith.constant 0 : i32
        %dma_start3A_497 = arith.constant 0 : i32
        %dma_start3A_498 = tpu.memref_slice %arg4[%arg1, %add3A_480, %dma_start3A_496, %dma_start3A_497] : memref<16x80x2x128xi32, #tpu.memory_space<hbm>> -> memref<1x4x2x128xi32, #tpu.memory_space<hbm>>
        %dma_start3A_499 = tpu.memref_squeeze %dma_start3A_498 : memref<1x4x2x128xi32, #tpu.memory_space<hbm>> -> memref<4x2x128xi32, #tpu.memory_space<hbm>>
        tpu.enqueue_dma source(%dma_start3A_499 : memref<4x2x128xi32, #tpu.memory_space<hbm>>) target(%dma_start3A_495 : memref<4x2x128xi32, #tpu.memory_space<vmem>>) target_semaphore(%arg9 : memref<!tpu.dma_semaphore, #tpu.memory_space<semaphore_mem>>)
      } else {
      }
      %dma_start3A_312 = arith.constant 1 : i32
      %dma_start3A_313 = arith.constant 1 : i32
      %dma_start3A_314 = arith.constant 0 : i32
      %dma_start3A_315 = arith.constant 0 : i32
      %dma_start3A_316 = tpu.memref_slice %arg6[%dma_start3A_312, %dma_start3A_313, %dma_start3A_314, %dma_start3A_315] : memref<2x4x2x128xi32, #tpu.memory_space<vmem>> -> memref<1x1x1x128xi32, #tpu.memory_space<vmem>>
      %dma_start3A_317 = tpu.memref_squeeze %dma_start3A_316 : memref<1x1x1x128xi32, #tpu.memory_space<vmem>> -> memref<128xi32, #tpu.memory_space<vmem>>
      %dma_start3A_318 = arith.constant 0 : i32
      %dma_start3A_319 = arith.constant 0 : i32
      %dma_start3A_320 = tpu.memref_slice %arg2[%arg0, %dma_start3A_318, %dma_start3A_319] : memref<2x10240x128xf32, #tpu.memory_space<hbm>> -> memref<1x10240x128xf32, #tpu.memory_space<hbm>>
      %dma_start3A_321 = tpu.memref_squeeze %dma_start3A_320 : memref<1x10240x128xf32, #tpu.memory_space<hbm>> -> memref<10240x128xf32, #tpu.memory_space<hbm>>
      %dma_start3A_322 = arith.constant 0 : i32
      %dma_start3A_323 = arith.constant 0 : i32
      %dma_start3A_324 = tpu.memref_slice %dma_start3A_321[%dma_start3A_322, %dma_start3A_323] : memref<10240x128xf32, #tpu.memory_space<hbm>> -> memref<10240x128xf32, #tpu.memory_space<hbm>>
      tpu.enqueue_indirect_dma source(%dma_start3A_324 : memref<10240x128xf32, #tpu.memory_space<hbm>>) target(%arg8 : memref<128x128xf32, #tpu.memory_space<vmem>>) offsets(%dma_start3A_317 : memref<128xi32, #tpu.memory_space<vmem>>) semaphore(%arg12 : memref<!tpu.dma_semaphore, #tpu.memory_space<semaphore_mem>>)
      %dma_wait3A_325 = arith.constant 0 : i32
      %dma_wait3A_326 = arith.constant 0 : i32
      %dma_wait3A_327 = arith.constant 0 : i32
      %dma_wait3A_328 = arith.constant 0 : i32
      %dma_wait3A_329 = tpu.memref_slice %arg6[%dma_wait3A_325, %dma_wait3A_326, %dma_wait3A_327, %dma_wait3A_328] : memref<2x4x2x128xi32, #tpu.memory_space<vmem>> -> memref<1x1x1x128xi32, #tpu.memory_space<vmem>>
      %dma_wait3A_330 = tpu.memref_squeeze %dma_wait3A_329 : memref<1x1x1x128xi32, #tpu.memory_space<vmem>> -> memref<128xi32, #tpu.memory_space<vmem>>
      %dma_wait3A_331 = arith.constant 0 : i32
      %dma_wait3A_332 = arith.constant 0 : i32
      %dma_wait3A_333 = tpu.memref_slice %arg2[%arg0, %dma_wait3A_331, %dma_wait3A_332] : memref<2x10240x128xf32, #tpu.memory_space<hbm>> -> memref<1x10240x128xf32, #tpu.memory_space<hbm>>
      %dma_wait3A_334 = tpu.memref_squeeze %dma_wait3A_333 : memref<1x10240x128xf32, #tpu.memory_space<hbm>> -> memref<10240x128xf32, #tpu.memory_space<hbm>>
      %dma_wait3A_335 = arith.constant 0 : i32
      %dma_wait3A_336 = arith.constant 0 : i32
      %dma_wait3A_337 = tpu.memref_slice %dma_wait3A_334[%dma_wait3A_335, %dma_wait3A_336] : memref<10240x128xf32, #tpu.memory_space<hbm>> -> memref<10240x128xf32, #tpu.memory_space<hbm>>
      tpu.wait_indirect_dma semaphore(%arg11 : memref<!tpu.dma_semaphore, #tpu.memory_space<semaphore_mem>>) src(%dma_wait3A_337 : memref<10240x128xf32, #tpu.memory_space<hbm>>) dst(%arg7 : memref<128x128xf32, #tpu.memory_space<vmem>>)
      %dma_start3A_338 = arith.constant 1 : i32
      %dma_start3A_339 = arith.constant 0 : i32
      %dma_start3A_340 = arith.constant 1 : i32
      %dma_start3A_341 = arith.constant 0 : i32
      %dma_start3A_342 = tpu.memref_slice %arg6[%dma_start3A_338, %dma_start3A_339, %dma_start3A_340, %dma_start3A_341] : memref<2x4x2x128xi32, #tpu.memory_space<vmem>> -> memref<1x1x1x128xi32, #tpu.memory_space<vmem>>
      %dma_start3A_343 = tpu.memref_squeeze %dma_start3A_342 : memref<1x1x1x128xi32, #tpu.memory_space<vmem>> -> memref<128xi32, #tpu.memory_space<vmem>>
      %dma_start3A_344 = arith.constant 0 : i32
      %dma_start3A_345 = arith.constant 0 : i32
      %dma_start3A_346 = tpu.memref_slice %arg15[%dma_start3A_344, %dma_start3A_345] : memref<10240x128xf32, #tpu.memory_space<vmem_shared>> -> memref<10240x128xf32, #tpu.memory_space<vmem_shared>>
      tpu.enqueue_indirect_dma source(%arg7 : memref<128x128xf32, #tpu.memory_space<vmem>>) target(%dma_start3A_346 : memref<10240x128xf32, #tpu.memory_space<vmem_shared>>) offsets(%dma_start3A_343 : memref<128xi32, #tpu.memory_space<vmem>>) semaphore(%arg13 : memref<!tpu.dma_semaphore, #tpu.memory_space<semaphore_mem>>) {add = true}
      %add3A_347 = arith.constant 5 : i32
      %add3A_348 = arith.addi %mul3A_97, %add3A_347 : i32
      %dma_wait3A_349 = arith.constant 0 : i32
      %dma_wait3A_350 = arith.constant 0 : i32
      %dma_wait3A_351 = arith.constant 1 : i32
      %dma_wait3A_352 = arith.constant 0 : i32
      %dma_wait3A_353 = tpu.memref_slice %arg6[%dma_wait3A_349, %dma_wait3A_350, %dma_wait3A_351, %dma_wait3A_352] : memref<2x4x2x128xi32, #tpu.memory_space<vmem>> -> memref<1x1x1x128xi32, #tpu.memory_space<vmem>>
      %dma_wait3A_354 = tpu.memref_squeeze %dma_wait3A_353 : memref<1x1x1x128xi32, #tpu.memory_space<vmem>> -> memref<128xi32, #tpu.memory_space<vmem>>
      %dma_wait3A_355 = arith.constant 0 : i32
      %dma_wait3A_356 = arith.constant 0 : i32
      %dma_wait3A_357 = tpu.memref_slice %arg15[%dma_wait3A_355, %dma_wait3A_356] : memref<10240x128xf32, #tpu.memory_space<vmem_shared>> -> memref<10240x128xf32, #tpu.memory_space<vmem_shared>>
      tpu.wait_indirect_dma semaphore(%arg13 : memref<!tpu.dma_semaphore, #tpu.memory_space<semaphore_mem>>) src(%arg7 : memref<128x128xf32, #tpu.memory_space<vmem>>) dst(%dma_wait3A_357 : memref<10240x128xf32, #tpu.memory_space<vmem_shared>>)
      %dma_start3A_358 = arith.constant 1 : i32
      %dma_start3A_359 = arith.constant 2 : i32
      %dma_start3A_360 = arith.constant 0 : i32
      %dma_start3A_361 = arith.constant 0 : i32
      %dma_start3A_362 = tpu.memref_slice %arg6[%dma_start3A_358, %dma_start3A_359, %dma_start3A_360, %dma_start3A_361] : memref<2x4x2x128xi32, #tpu.memory_space<vmem>> -> memref<1x1x1x128xi32, #tpu.memory_space<vmem>>
      %dma_start3A_363 = tpu.memref_squeeze %dma_start3A_362 : memref<1x1x1x128xi32, #tpu.memory_space<vmem>> -> memref<128xi32, #tpu.memory_space<vmem>>
      %dma_start3A_364 = arith.constant 0 : i32
      %dma_start3A_365 = arith.constant 0 : i32
      %dma_start3A_366 = tpu.memref_slice %arg2[%arg0, %dma_start3A_364, %dma_start3A_365] : memref<2x10240x128xf32, #tpu.memory_space<hbm>> -> memref<1x10240x128xf32, #tpu.memory_space<hbm>>
      %dma_start3A_367 = tpu.memref_squeeze %dma_start3A_366 : memref<1x10240x128xf32, #tpu.memory_space<hbm>> -> memref<10240x128xf32, #tpu.memory_space<hbm>>
      %dma_start3A_368 = arith.constant 0 : i32
      %dma_start3A_369 = arith.constant 0 : i32
      %dma_start3A_370 = tpu.memref_slice %dma_start3A_367[%dma_start3A_368, %dma_start3A_369] : memref<10240x128xf32, #tpu.memory_space<hbm>> -> memref<10240x128xf32, #tpu.memory_space<hbm>>
      tpu.enqueue_indirect_dma source(%dma_start3A_370 : memref<10240x128xf32, #tpu.memory_space<hbm>>) target(%arg7 : memref<128x128xf32, #tpu.memory_space<vmem>>) offsets(%dma_start3A_363 : memref<128xi32, #tpu.memory_space<vmem>>) semaphore(%arg11 : memref<!tpu.dma_semaphore, #tpu.memory_space<semaphore_mem>>)
      %dma_wait3A_371 = arith.constant 0 : i32
      %dma_wait3A_372 = arith.constant 0 : i32
      %dma_wait3A_373 = arith.constant 0 : i32
      %dma_wait3A_374 = arith.constant 0 : i32
      %dma_wait3A_375 = tpu.memref_slice %arg6[%dma_wait3A_371, %dma_wait3A_372, %dma_wait3A_373, %dma_wait3A_374] : memref<2x4x2x128xi32, #tpu.memory_space<vmem>> -> memref<1x1x1x128xi32, #tpu.memory_space<vmem>>
      %dma_wait3A_376 = tpu.memref_squeeze %dma_wait3A_375 : memref<1x1x1x128xi32, #tpu.memory_space<vmem>> -> memref<128xi32, #tpu.memory_space<vmem>>
      %dma_wait3A_377 = arith.constant 0 : i32
      %dma_wait3A_378 = arith.constant 0 : i32
      %dma_wait3A_379 = tpu.memref_slice %arg2[%arg0, %dma_wait3A_377, %dma_wait3A_378] : memref<2x10240x128xf32, #tpu.memory_space<hbm>> -> memref<1x10240x128xf32, #tpu.memory_space<hbm>>
      %dma_wait3A_380 = tpu.memref_squeeze %dma_wait3A_379 : memref<1x10240x128xf32, #tpu.memory_space<hbm>> -> memref<10240x128xf32, #tpu.memory_space<hbm>>
      %dma_wait3A_381 = arith.constant 0 : i32
      %dma_wait3A_382 = arith.constant 0 : i32
      %dma_wait3A_383 = tpu.memref_slice %dma_wait3A_380[%dma_wait3A_381, %dma_wait3A_382] : memref<10240x128xf32, #tpu.memory_space<hbm>> -> memref<10240x128xf32, #tpu.memory_space<hbm>>
      tpu.wait_indirect_dma semaphore(%arg12 : memref<!tpu.dma_semaphore, #tpu.memory_space<semaphore_mem>>) src(%dma_wait3A_383 : memref<10240x128xf32, #tpu.memory_space<hbm>>) dst(%arg8 : memref<128x128xf32, #tpu.memory_space<vmem>>)
      %dma_start3A_384 = arith.constant 1 : i32
      %dma_start3A_385 = arith.constant 1 : i32
      %dma_start3A_386 = arith.constant 1 : i32
      %dma_start3A_387 = arith.constant 0 : i32
      %dma_start3A_388 = tpu.memref_slice %arg6[%dma_start3A_384, %dma_start3A_385, %dma_start3A_386, %dma_start3A_387] : memref<2x4x2x128xi32, #tpu.memory_space<vmem>> -> memref<1x1x1x128xi32, #tpu.memory_space<vmem>>
      %dma_start3A_389 = tpu.memref_squeeze %dma_start3A_388 : memref<1x1x1x128xi32, #tpu.memory_space<vmem>> -> memref<128xi32, #tpu.memory_space<vmem>>
      %dma_start3A_390 = arith.constant 0 : i32
      %dma_start3A_391 = arith.constant 0 : i32
      %dma_start3A_392 = tpu.memref_slice %arg15[%dma_start3A_390, %dma_start3A_391] : memref<10240x128xf32, #tpu.memory_space<vmem_shared>> -> memref<10240x128xf32, #tpu.memory_space<vmem_shared>>
      tpu.enqueue_indirect_dma source(%arg8 : memref<128x128xf32, #tpu.memory_space<vmem>>) target(%dma_start3A_392 : memref<10240x128xf32, #tpu.memory_space<vmem_shared>>) offsets(%dma_start3A_389 : memref<128xi32, #tpu.memory_space<vmem>>) semaphore(%arg14 : memref<!tpu.dma_semaphore, #tpu.memory_space<semaphore_mem>>) {add = true}
      %add3A_393 = arith.constant 6 : i32
      %add3A_394 = arith.addi %mul3A_97, %add3A_393 : i32
      %dma_wait3A_395 = arith.constant 0 : i32
      %dma_wait3A_396 = arith.constant 0 : i32
      %dma_wait3A_397 = arith.constant 1 : i32
      %dma_wait3A_398 = arith.constant 0 : i32
      %dma_wait3A_399 = tpu.memref_slice %arg6[%dma_wait3A_395, %dma_wait3A_396, %dma_wait3A_397, %dma_wait3A_398] : memref<2x4x2x128xi32, #tpu.memory_space<vmem>> -> memref<1x1x1x128xi32, #tpu.memory_space<vmem>>
      %dma_wait3A_400 = tpu.memref_squeeze %dma_wait3A_399 : memref<1x1x1x128xi32, #tpu.memory_space<vmem>> -> memref<128xi32, #tpu.memory_space<vmem>>
      %dma_wait3A_401 = arith.constant 0 : i32
      %dma_wait3A_402 = arith.constant 0 : i32
      %dma_wait3A_403 = tpu.memref_slice %arg15[%dma_wait3A_401, %dma_wait3A_402] : memref<10240x128xf32, #tpu.memory_space<vmem_shared>> -> memref<10240x128xf32, #tpu.memory_space<vmem_shared>>
      tpu.wait_indirect_dma semaphore(%arg14 : memref<!tpu.dma_semaphore, #tpu.memory_space<semaphore_mem>>) src(%arg8 : memref<128x128xf32, #tpu.memory_space<vmem>>) dst(%dma_wait3A_403 : memref<10240x128xf32, #tpu.memory_space<vmem_shared>>)
      %dma_start3A_404 = arith.constant 1 : i32
      %dma_start3A_405 = arith.constant 3 : i32
      %dma_start3A_406 = arith.constant 0 : i32
      %dma_start3A_407 = arith.constant 0 : i32
      %dma_start3A_408 = tpu.memref_slice %arg6[%dma_start3A_404, %dma_start3A_405, %dma_start3A_406, %dma_start3A_407] : memref<2x4x2x128xi32, #tpu.memory_space<vmem>> -> memref<1x1x1x128xi32, #tpu.memory_space<vmem>>
      %dma_start3A_409 = tpu.memref_squeeze %dma_start3A_408 : memref<1x1x1x128xi32, #tpu.memory_space<vmem>> -> memref<128xi32, #tpu.memory_space<vmem>>
      %dma_start3A_410 = arith.constant 0 : i32
      %dma_start3A_411 = arith.constant 0 : i32
      %dma_start3A_412 = tpu.memref_slice %arg2[%arg0, %dma_start3A_410, %dma_start3A_411] : memref<2x10240x128xf32, #tpu.memory_space<hbm>> -> memref<1x10240x128xf32, #tpu.memory_space<hbm>>
      %dma_start3A_413 = tpu.memref_squeeze %dma_start3A_412 : memref<1x10240x128xf32, #tpu.memory_space<hbm>> -> memref<10240x128xf32, #tpu.memory_space<hbm>>
      %dma_start3A_414 = arith.constant 0 : i32
      %dma_start3A_415 = arith.constant 0 : i32
      %dma_start3A_416 = tpu.memref_slice %dma_start3A_413[%dma_start3A_414, %dma_start3A_415] : memref<10240x128xf32, #tpu.memory_space<hbm>> -> memref<10240x128xf32, #tpu.memory_space<hbm>>
      tpu.enqueue_indirect_dma source(%dma_start3A_416 : memref<10240x128xf32, #tpu.memory_space<hbm>>) target(%arg8 : memref<128x128xf32, #tpu.memory_space<vmem>>) offsets(%dma_start3A_409 : memref<128xi32, #tpu.memory_space<vmem>>) semaphore(%arg12 : memref<!tpu.dma_semaphore, #tpu.memory_space<semaphore_mem>>)
      %dma_wait3A_417 = arith.constant 0 : i32
      %dma_wait3A_418 = arith.constant 0 : i32
      %dma_wait3A_419 = arith.constant 0 : i32
      %dma_wait3A_420 = arith.constant 0 : i32
      %dma_wait3A_421 = tpu.memref_slice %arg6[%dma_wait3A_417, %dma_wait3A_418, %dma_wait3A_419, %dma_wait3A_420] : memref<2x4x2x128xi32, #tpu.memory_space<vmem>> -> memref<1x1x1x128xi32, #tpu.memory_space<vmem>>
      %dma_wait3A_422 = tpu.memref_squeeze %dma_wait3A_421 : memref<1x1x1x128xi32, #tpu.memory_space<vmem>> -> memref<128xi32, #tpu.memory_space<vmem>>
      %dma_wait3A_423 = arith.constant 0 : i32
      %dma_wait3A_424 = arith.constant 0 : i32
      %dma_wait3A_425 = tpu.memref_slice %arg2[%arg0, %dma_wait3A_423, %dma_wait3A_424] : memref<2x10240x128xf32, #tpu.memory_space<hbm>> -> memref<1x10240x128xf32, #tpu.memory_space<hbm>>
      %dma_wait3A_426 = tpu.memref_squeeze %dma_wait3A_425 : memref<1x10240x128xf32, #tpu.memory_space<hbm>> -> memref<10240x128xf32, #tpu.memory_space<hbm>>
      %dma_wait3A_427 = arith.constant 0 : i32
      %dma_wait3A_428 = arith.constant 0 : i32
      %dma_wait3A_429 = tpu.memref_slice %dma_wait3A_426[%dma_wait3A_427, %dma_wait3A_428] : memref<10240x128xf32, #tpu.memory_space<hbm>> -> memref<10240x128xf32, #tpu.memory_space<hbm>>
      tpu.wait_indirect_dma semaphore(%arg11 : memref<!tpu.dma_semaphore, #tpu.memory_space<semaphore_mem>>) src(%dma_wait3A_429 : memref<10240x128xf32, #tpu.memory_space<hbm>>) dst(%arg7 : memref<128x128xf32, #tpu.memory_space<vmem>>)
      %dma_start3A_430 = arith.constant 1 : i32
      %dma_start3A_431 = arith.constant 2 : i32
      %dma_start3A_432 = arith.constant 1 : i32
      %dma_start3A_433 = arith.constant 0 : i32
      %dma_start3A_434 = tpu.memref_slice %arg6[%dma_start3A_430, %dma_start3A_431, %dma_start3A_432, %dma_start3A_433] : memref<2x4x2x128xi32, #tpu.memory_space<vmem>> -> memref<1x1x1x128xi32, #tpu.memory_space<vmem>>
      %dma_start3A_435 = tpu.memref_squeeze %dma_start3A_434 : memref<1x1x1x128xi32, #tpu.memory_space<vmem>> -> memref<128xi32, #tpu.memory_space<vmem>>
      %dma_start3A_436 = arith.constant 0 : i32
      %dma_start3A_437 = arith.constant 0 : i32
      %dma_start3A_438 = tpu.memref_slice %arg15[%dma_start3A_436, %dma_start3A_437] : memref<10240x128xf32, #tpu.memory_space<vmem_shared>> -> memref<10240x128xf32, #tpu.memory_space<vmem_shared>>
      tpu.enqueue_indirect_dma source(%arg7 : memref<128x128xf32, #tpu.memory_space<vmem>>) target(%dma_start3A_438 : memref<10240x128xf32, #tpu.memory_space<vmem_shared>>) offsets(%dma_start3A_435 : memref<128xi32, #tpu.memory_space<vmem>>) semaphore(%arg13 : memref<!tpu.dma_semaphore, #tpu.memory_space<semaphore_mem>>) {add = true}
      %add3A_439 = arith.constant 7 : i32
      %add3A_440 = arith.addi %mul3A_97, %add3A_439 : i32
      %dma_wait3A_441 = arith.constant 0 : i32
      %dma_wait3A_442 = arith.constant 0 : i32
      %dma_wait3A_443 = arith.constant 1 : i32
      %dma_wait3A_444 = arith.constant 0 : i32
      %dma_wait3A_445 = tpu.memref_slice %arg6[%dma_wait3A_441, %dma_wait3A_442, %dma_wait3A_443, %dma_wait3A_444] : memref<2x4x2x128xi32, #tpu.memory_space<vmem>> -> memref<1x1x1x128xi32, #tpu.memory_space<vmem>>
      %dma_wait3A_446 = tpu.memref_squeeze %dma_wait3A_445 : memref<1x1x1x128xi32, #tpu.memory_space<vmem>> -> memref<128xi32, #tpu.memory_space<vmem>>
      %dma_wait3A_447 = arith.constant 0 : i32
      %dma_wait3A_448 = arith.constant 0 : i32
      %dma_wait3A_449 = tpu.memref_slice %arg15[%dma_wait3A_447, %dma_wait3A_448] : memref<10240x128xf32, #tpu.memory_space<vmem_shared>> -> memref<10240x128xf32, #tpu.memory_space<vmem_shared>>
      tpu.wait_indirect_dma semaphore(%arg13 : memref<!tpu.dma_semaphore, #tpu.memory_space<semaphore_mem>>) src(%arg7 : memref<128x128xf32, #tpu.memory_space<vmem>>) dst(%dma_wait3A_449 : memref<10240x128xf32, #tpu.memory_space<vmem_shared>>)
      %add3A_450 = arith.constant 8 : i32
      %add3A_451 = arith.addi %mul3A_97, %add3A_450 : i32
      %lt3A_452 = arith.constant 80 : i32
      %lt3A_453 = arith.cmpi slt, %add3A_451, %lt3A_452 : i32
      %convert_element_type3A_454 = arith.extui %lt3A_453 : i1 to i32
      %cond3A_455 = arith.constant 0 : i32
      %cond3A_456 = arith.cmpi ne, %convert_element_type3A_454, %cond3A_455 : i32
      scf.if %cond3A_456 {
        %dma_wait3A_479 = arith.constant 0 : i32
        %dma_wait3A_480 = arith.constant 0 : i32
        %dma_wait3A_481 = arith.constant 0 : i32
        %dma_wait3A_482 = arith.constant 0 : i32
        %dma_wait3A_483 = tpu.memref_slice %arg6[%dma_wait3A_479, %dma_wait3A_480, %dma_wait3A_481, %dma_wait3A_482] : memref<2x4x2x128xi32, #tpu.memory_space<vmem>> -> memref<1x4x2x128xi32, #tpu.memory_space<vmem>>
        %dma_wait3A_484 = tpu.memref_squeeze %dma_wait3A_483 : memref<1x4x2x128xi32, #tpu.memory_space<vmem>> -> memref<4x2x128xi32, #tpu.memory_space<vmem>>
        %dma_wait3A_485 = arith.constant 0 : i32
        %dma_wait3A_486 = arith.constant 0 : i32
        %dma_wait3A_487 = arith.constant 0 : i32
        %dma_wait3A_488 = tpu.memref_slice %arg4[%arg1, %dma_wait3A_485, %dma_wait3A_486, %dma_wait3A_487] : memref<16x80x2x128xi32, #tpu.memory_space<hbm>> -> memref<1x4x2x128xi32, #tpu.memory_space<hbm>>
        %dma_wait3A_489 = tpu.memref_squeeze %dma_wait3A_488 : memref<1x4x2x128xi32, #tpu.memory_space<hbm>> -> memref<4x2x128xi32, #tpu.memory_space<hbm>>
        %dma_wait3A_490 = arith.constant 0 : i32
        %dma_wait3A_491 = arith.constant 0 : i32
        %dma_wait3A_492 = arith.constant 0 : i32
        %dma_wait3A_493 = tpu.memref_slice %arg6[%dma_wait3A_479, %dma_wait3A_490, %dma_wait3A_491, %dma_wait3A_492] : memref<2x4x2x128xi32, #tpu.memory_space<vmem>> -> memref<1x4x2x128xi32, #tpu.memory_space<vmem>>
        %dma_wait3A_494 = tpu.memref_squeeze %dma_wait3A_493 : memref<1x4x2x128xi32, #tpu.memory_space<vmem>> -> memref<4x2x128xi32, #tpu.memory_space<vmem>>
        %dma_wait3A_495 = arith.constant 0 : i32
        %dma_wait3A_496 = arith.constant 0 : i32
        %dma_wait3A_497 = arith.constant 0 : i32
        %dma_wait3A_498 = tpu.memref_slice %arg4[%arg1, %dma_wait3A_495, %dma_wait3A_496, %dma_wait3A_497] : memref<16x80x2x128xi32, #tpu.memory_space<hbm>> -> memref<1x4x2x128xi32, #tpu.memory_space<hbm>>
        %dma_wait3A_499 = tpu.memref_squeeze %dma_wait3A_498 : memref<1x4x2x128xi32, #tpu.memory_space<hbm>> -> memref<4x2x128xi32, #tpu.memory_space<hbm>>
        tpu.wait_dma2 semaphore(%arg9 : memref<!tpu.dma_semaphore, #tpu.memory_space<semaphore_mem>>) src(%dma_wait3A_499 : memref<4x2x128xi32, #tpu.memory_space<hbm>>) dst(%dma_wait3A_494 : memref<4x2x128xi32, #tpu.memory_space<vmem>>)
        %dma_start3A_500 = arith.constant 0 : i32
        %dma_start3A_501 = arith.constant 0 : i32
        %dma_start3A_502 = arith.constant 0 : i32
        %dma_start3A_503 = arith.constant 0 : i32
        %dma_start3A_504 = tpu.memref_slice %arg6[%dma_start3A_500, %dma_start3A_501, %dma_start3A_502, %dma_start3A_503] : memref<2x4x2x128xi32, #tpu.memory_space<vmem>> -> memref<1x1x1x128xi32, #tpu.memory_space<vmem>>
        %dma_start3A_505 = tpu.memref_squeeze %dma_start3A_504 : memref<1x1x1x128xi32, #tpu.memory_space<vmem>> -> memref<128xi32, #tpu.memory_space<vmem>>
        %dma_start3A_506 = arith.constant 0 : i32
        %dma_start3A_507 = arith.constant 0 : i32
        %dma_start3A_508 = tpu.memref_slice %arg2[%arg0, %dma_start3A_506, %dma_start3A_507] : memref<2x10240x128xf32, #tpu.memory_space<hbm>> -> memref<1x10240x128xf32, #tpu.memory_space<hbm>>
        %dma_start3A_509 = tpu.memref_squeeze %dma_start3A_508 : memref<1x10240x128xf32, #tpu.memory_space<hbm>> -> memref<10240x128xf32, #tpu.memory_space<hbm>>
        %dma_start3A_510 = arith.constant 0 : i32
        %dma_start3A_511 = arith.constant 0 : i32
        %dma_start3A_512 = tpu.memref_slice %dma_start3A_509[%dma_start3A_510, %dma_start3A_511] : memref<10240x128xf32, #tpu.memory_space<hbm>> -> memref<10240x128xf32, #tpu.memory_space<hbm>>
        tpu.enqueue_indirect_dma source(%dma_start3A_512 : memref<10240x128xf32, #tpu.memory_space<hbm>>) target(%arg7 : memref<128x128xf32, #tpu.memory_space<vmem>>) offsets(%dma_start3A_505 : memref<128xi32, #tpu.memory_space<vmem>>) semaphore(%arg11 : memref<!tpu.dma_semaphore, #tpu.memory_space<semaphore_mem>>)
      } else {
      }
      %dma_wait3A_457 = arith.constant 0 : i32
      %dma_wait3A_458 = arith.constant 0 : i32
      %dma_wait3A_459 = arith.constant 0 : i32
      %dma_wait3A_460 = arith.constant 0 : i32
      %dma_wait3A_461 = tpu.memref_slice %arg6[%dma_wait3A_457, %dma_wait3A_458, %dma_wait3A_459, %dma_wait3A_460] : memref<2x4x2x128xi32, #tpu.memory_space<vmem>> -> memref<1x1x1x128xi32, #tpu.memory_space<vmem>>
      %dma_wait3A_462 = tpu.memref_squeeze %dma_wait3A_461 : memref<1x1x1x128xi32, #tpu.memory_space<vmem>> -> memref<128xi32, #tpu.memory_space<vmem>>
      %dma_wait3A_463 = arith.constant 0 : i32
      %dma_wait3A_464 = arith.constant 0 : i32
      %dma_wait3A_465 = tpu.memref_slice %arg2[%arg0, %dma_wait3A_463, %dma_wait3A_464] : memref<2x10240x128xf32, #tpu.memory_space<hbm>> -> memref<1x10240x128xf32, #tpu.memory_space<hbm>>
      %dma_wait3A_466 = tpu.memref_squeeze %dma_wait3A_465 : memref<1x10240x128xf32, #tpu.memory_space<hbm>> -> memref<10240x128xf32, #tpu.memory_space<hbm>>
      %dma_wait3A_467 = arith.constant 0 : i32
      %dma_wait3A_468 = arith.constant 0 : i32
      %dma_wait3A_469 = tpu.memref_slice %dma_wait3A_466[%dma_wait3A_467, %dma_wait3A_468] : memref<10240x128xf32, #tpu.memory_space<hbm>> -> memref<10240x128xf32, #tpu.memory_space<hbm>>
      tpu.wait_indirect_dma semaphore(%arg12 : memref<!tpu.dma_semaphore, #tpu.memory_space<semaphore_mem>>) src(%dma_wait3A_469 : memref<10240x128xf32, #tpu.memory_space<hbm>>) dst(%arg8 : memref<128x128xf32, #tpu.memory_space<vmem>>)
      %dma_start3A_470 = arith.constant 1 : i32
      %dma_start3A_471 = arith.constant 3 : i32
      %dma_start3A_472 = arith.constant 1 : i32
      %dma_start3A_473 = arith.constant 0 : i32
      %dma_start3A_474 = tpu.memref_slice %arg6[%dma_start3A_470, %dma_start3A_471, %dma_start3A_472, %dma_start3A_473] : memref<2x4x2x128xi32, #tpu.memory_space<vmem>> -> memref<1x1x1x128xi32, #tpu.memory_space<vmem>>
      %dma_start3A_475 = tpu.memref_squeeze %dma_start3A_474 : memref<1x1x1x128xi32, #tpu.memory_space<vmem>> -> memref<128xi32, #tpu.memory_space<vmem>>
      %dma_start3A_476 = arith.constant 0 : i32
      %dma_start3A_477 = arith.constant 0 : i32
      %dma_start3A_478 = tpu.memref_slice %arg15[%dma_start3A_476, %dma_start3A_477] : memref<10240x128xf32, #tpu.memory_space<vmem_shared>> -> memref<10240x128xf32, #tpu.memory_space<vmem_shared>>
      tpu.enqueue_indirect_dma source(%arg8 : memref<128x128xf32, #tpu.memory_space<vmem>>) target(%dma_start3A_478 : memref<10240x128xf32, #tpu.memory_space<vmem_shared>>) offsets(%dma_start3A_475 : memref<128xi32, #tpu.memory_space<vmem>>) semaphore(%arg14 : memref<!tpu.dma_semaphore, #tpu.memory_space<semaphore_mem>>) {add = true}
    }
    %scan3A_80 = arith.constant 10 : i32
    %dma_wait3A_81 = arith.constant 0 : i32
    %dma_wait3A_82 = arith.constant 0 : i32
    %dma_wait3A_83 = arith.constant 1 : i32
    %dma_wait3A_84 = arith.constant 0 : i32
    %dma_wait3A_85 = tpu.memref_slice %arg6[%dma_wait3A_81, %dma_wait3A_82, %dma_wait3A_83, %dma_wait3A_84] : memref<2x4x2x128xi32, #tpu.memory_space<vmem>> -> memref<1x1x1x128xi32, #tpu.memory_space<vmem>>
    %dma_wait3A_86 = tpu.memref_squeeze %dma_wait3A_85 : memref<1x1x1x128xi32, #tpu.memory_space<vmem>> -> memref<128xi32, #tpu.memory_space<vmem>>
    %dma_wait3A_87 = arith.constant 0 : i32
    %dma_wait3A_88 = arith.constant 0 : i32
    %dma_wait3A_89 = tpu.memref_slice %arg15[%dma_wait3A_87, %dma_wait3A_88] : memref<10240x128xf32, #tpu.memory_space<vmem_shared>> -> memref<10240x128xf32, #tpu.memory_space<vmem_shared>>
    tpu.wait_indirect_dma semaphore(%arg14 : memref<!tpu.dma_semaphore, #tpu.memory_space<semaphore_mem>>) src(%arg8 : memref<128x128xf32, #tpu.memory_space<vmem>>) dst(%dma_wait3A_89 : memref<10240x128xf32, #tpu.memory_space<vmem_shared>>)
    %barrier3A_90 = arith.constant 0 : index
    tpu.barrier barrier_id(%barrier3A_90)
    %mul3A_91 = arith.constant 640 : i32
    %mul3A_92 = arith.muli %arg1, %mul3A_91 : i32
    %mul3A_93 = arith.constant 640 : i32
    %mul3A_94 = arith.muli %arg1, %mul3A_93 : i32
    "tpu.region"() ({
      %run_scoped3A = tpu.sem_alloc : memref<!tpu.dma_semaphore, #tpu.memory_space<semaphore_mem>>
      %dma_start3A_95 = arith.constant 0 : i32
      %dma_start3A_96 = arith.constant 0 : i32
      %dma_start3A_97 = tpu.memref_slice %arg5[%arg0, %dma_start3A_95, %dma_start3A_96] : memref<2x10240x128xf32, #tpu.memory_space<hbm>> -> memref<1x10240x128xf32, #tpu.memory_space<hbm>>
      %dma_start3A_98 = tpu.memref_squeeze %dma_start3A_97 : memref<1x10240x128xf32, #tpu.memory_space<hbm>> -> memref<10240x128xf32, #tpu.memory_space<hbm>>
      %dma_start3A_99 = arith.constant 0 : i32
      %dma_start3A_100 = tpu.memref_slice %dma_start3A_98[%mul3A_94, %dma_start3A_99] : memref<10240x128xf32, #tpu.memory_space<hbm>> -> memref<640x128xf32, #tpu.memory_space<hbm>>
      %dma_start3A_101 = arith.constant 0 : i32
      %dma_start3A_102 = tpu.memref_slice %arg15[%mul3A_92, %dma_start3A_101] : memref<10240x128xf32, #tpu.memory_space<vmem_shared>> -> memref<640x128xf32, #tpu.memory_space<vmem_shared>>
      tpu.enqueue_dma source(%dma_start3A_102 : memref<640x128xf32, #tpu.memory_space<vmem_shared>>) target(%dma_start3A_100 : memref<640x128xf32, #tpu.memory_space<hbm>>) target_semaphore(%run_scoped3A : memref<!tpu.dma_semaphore, #tpu.memory_space<semaphore_mem>>)
      %dma_wait3A_103 = arith.constant 0 : i32
      %dma_wait3A_104 = arith.constant 0 : i32
      %dma_wait3A_105 = tpu.memref_slice %arg5[%arg0, %dma_wait3A_103, %dma_wait3A_104] : memref<2x10240x128xf32, #tpu.memory_space<hbm>> -> memref<1x10240x128xf32, #tpu.memory_space<hbm>>
      %dma_wait3A_106 = tpu.memref_squeeze %dma_wait3A_105 : memref<1x10240x128xf32, #tpu.memory_space<hbm>> -> memref<10240x128xf32, #tpu.memory_space<hbm>>
      %dma_wait3A_107 = arith.constant 0 : i32
      %dma_wait3A_108 = tpu.memref_slice %dma_wait3A_106[%mul3A_94, %dma_wait3A_107] : memref<10240x128xf32, #tpu.memory_space<hbm>> -> memref<640x128xf32, #tpu.memory_space<hbm>>
      %dma_wait3A_109 = arith.constant 0 : i32
      %dma_wait3A_110 = tpu.memref_slice %arg15[%mul3A_92, %dma_wait3A_109] : memref<10240x128xf32, #tpu.memory_space<vmem_shared>> -> memref<640x128xf32, #tpu.memory_space<vmem_shared>>
      tpu.wait_dma2 semaphore(%run_scoped3A : memref<!tpu.dma_semaphore, #tpu.memory_space<semaphore_mem>>) src(%dma_wait3A_110 : memref<640x128xf32, #tpu.memory_space<vmem_shared>>) dst(%dma_wait3A_108 : memref<640x128xf32, #tpu.memory_space<hbm>>)
      tpu.yield
    }) : () -> ()
    return
  }
}

#map = affine_map<(d0, d1) -> (0, 0, 0)>
#map1 = affine_map<(d0, d1) -> (0, 0, 0, 0)>
module attributes {stable_mosaic.version = 14 : i64} {
  func.func @_sc_aggregate_body(%arg0: i32, %arg1: i32, %arg2: memref<2x10240x128xf32, #tpu.memory_space<hbm>>, %arg3: memref<2x10240x128xf32, #tpu.memory_space<hbm>>, %arg4: memref<16x80x2x128xi32, #tpu.memory_space<hbm>>, %arg5: memref<2x10240x128xf32, #tpu.memory_space<hbm>>, %arg6: memref<2x4x2x128xi32, #tpu.memory_space<vmem>>, %arg7: memref<128x128xf32, #tpu.memory_space<vmem>>, %arg8: memref<128x128xf32, #tpu.memory_space<vmem>>, %arg9: memref<!tpu.dma_semaphore, #tpu.memory_space<semaphore_mem>>, %arg10: memref<!tpu.dma_semaphore, #tpu.memory_space<semaphore_mem>>, %arg11: memref<!tpu.dma_semaphore, #tpu.memory_space<semaphore_mem>>, %arg12: memref<!tpu.dma_semaphore, #tpu.memory_space<semaphore_mem>>, %arg13: memref<!tpu.dma_semaphore, #tpu.memory_space<semaphore_mem>>, %arg14: memref<!tpu.dma_semaphore, #tpu.memory_space<semaphore_mem>>, %arg15: memref<10240x128xf32, #tpu.memory_space<vmem_shared>>) attributes {dimension_semantics = [#tpu.dimension_semantics<core_parallel>, #tpu.dimension_semantics<subcore_parallel>], iteration_bounds = array<i64: 2, 16>, scalar_prefetch = 0 : i64, scratch_operands = 10 : i64, tpu.core_type = #tpu.core_type<sc_vector_subcore>, window_params = [{transform_indices = #map}, {transform_indices = #map}, {transform_indices = #map1}, {transform_indices = #map}]} {
    %mul3A = arith.constant 640 : i32
    %mul3A_0 = arith.muli %arg1, %mul3A : i32
    %mul3A_1 = arith.constant 640 : i32
    %mul3A_2 = arith.muli %arg1, %mul3A_1 : i32
    "tpu.region"() ({
      %run_scoped3A = tpu.sem_alloc : memref<!tpu.dma_semaphore, #tpu.memory_space<semaphore_mem>>
      %dma_start3A_95 = arith.constant 0 : i32
      %dma_start3A_96 = tpu.memref_slice %arg15[%mul3A_2, %dma_start3A_95] : memref<10240x128xf32, #tpu.memory_space<vmem_shared>> -> memref<640x128xf32, #tpu.memory_space<vmem_shared>>
      %dma_start3A_97 = arith.constant 0 : i32
      %dma_start3A_98 = arith.constant 0 : i32
      %dma_start3A_99 = tpu.memref_slice %arg3[%arg0, %dma_start3A_97, %dma_start3A_98] : memref<2x10240x128xf32, #tpu.memory_space<hbm>> -> memref<1x10240x128xf32, #tpu.memory_space<hbm>>
      %dma_start3A_100 = tpu.memref_squeeze %dma_start3A_99 : memref<1x10240x128xf32, #tpu.memory_space<hbm>> -> memref<10240x128xf32, #tpu.memory_space<hbm>>
      %dma_start3A_101 = arith.constant 0 : i32
      %dma_start3A_102 = tpu.memref_slice %dma_start3A_100[%mul3A_0, %dma_start3A_101] : memref<10240x128xf32, #tpu.memory_space<hbm>> -> memref<640x128xf32, #tpu.memory_space<hbm>>
      tpu.enqueue_dma source(%dma_start3A_102 : memref<640x128xf32, #tpu.memory_space<hbm>>) target(%dma_start3A_96 : memref<640x128xf32, #tpu.memory_space<vmem_shared>>) target_semaphore(%run_scoped3A : memref<!tpu.dma_semaphore, #tpu.memory_space<semaphore_mem>>)
      %dma_wait3A_103 = arith.constant 0 : i32
      %dma_wait3A_104 = tpu.memref_slice %arg15[%mul3A_2, %dma_wait3A_103] : memref<10240x128xf32, #tpu.memory_space<vmem_shared>> -> memref<640x128xf32, #tpu.memory_space<vmem_shared>>
      %dma_wait3A_105 = arith.constant 0 : i32
      %dma_wait3A_106 = arith.constant 0 : i32
      %dma_wait3A_107 = tpu.memref_slice %arg3[%arg0, %dma_wait3A_105, %dma_wait3A_106] : memref<2x10240x128xf32, #tpu.memory_space<hbm>> -> memref<1x10240x128xf32, #tpu.memory_space<hbm>>
      %dma_wait3A_108 = tpu.memref_squeeze %dma_wait3A_107 : memref<1x10240x128xf32, #tpu.memory_space<hbm>> -> memref<10240x128xf32, #tpu.memory_space<hbm>>
      %dma_wait3A_109 = arith.constant 0 : i32
      %dma_wait3A_110 = tpu.memref_slice %dma_wait3A_108[%mul3A_0, %dma_wait3A_109] : memref<10240x128xf32, #tpu.memory_space<hbm>> -> memref<640x128xf32, #tpu.memory_space<hbm>>
      tpu.wait_dma2 semaphore(%run_scoped3A : memref<!tpu.dma_semaphore, #tpu.memory_space<semaphore_mem>>) src(%dma_wait3A_110 : memref<640x128xf32, #tpu.memory_space<hbm>>) dst(%dma_wait3A_104 : memref<640x128xf32, #tpu.memory_space<vmem_shared>>)
      tpu.yield
    }) : () -> ()
    %dma_start3A = arith.constant 0 : i32
    %dma_start3A_3 = arith.constant 0 : i32
    %dma_start3A_4 = arith.constant 0 : i32
    %dma_start3A_5 = arith.constant 0 : i32
    %dma_start3A_6 = tpu.memref_slice %arg6[%dma_start3A, %dma_start3A_3, %dma_start3A_4, %dma_start3A_5] : memref<2x4x2x128xi32, #tpu.memory_space<vmem>> -> memref<1x4x2x128xi32, #tpu.memory_space<vmem>>
    %dma_start3A_7 = tpu.memref_squeeze %dma_start3A_6 : memref<1x4x2x128xi32, #tpu.memory_space<vmem>> -> memref<4x2x128xi32, #tpu.memory_space<vmem>>
    %dma_start3A_8 = arith.constant 0 : i32
    %dma_start3A_9 = arith.constant 0 : i32
    %dma_start3A_10 = arith.constant 0 : i32
    %dma_start3A_11 = tpu.memref_slice %arg4[%arg1, %dma_start3A_8, %dma_start3A_9, %dma_start3A_10] : memref<16x80x2x128xi32, #tpu.memory_space<hbm>> -> memref<1x4x2x128xi32, #tpu.memory_space<hbm>>
    %dma_start3A_12 = tpu.memref_squeeze %dma_start3A_11 : memref<1x4x2x128xi32, #tpu.memory_space<hbm>> -> memref<4x2x128xi32, #tpu.memory_space<hbm>>
    %dma_start3A_13 = arith.constant 0 : i32
    %dma_start3A_14 = arith.constant 0 : i32
    %dma_start3A_15 = arith.constant 0 : i32
    %dma_start3A_16 = tpu.memref_slice %arg6[%dma_start3A, %dma_start3A_13, %dma_start3A_14, %dma_start3A_15] : memref<2x4x2x128xi32, #tpu.memory_space<vmem>> -> memref<1x4x2x128xi32, #tpu.memory_space<vmem>>
    %dma_start3A_17 = tpu.memref_squeeze %dma_start3A_16 : memref<1x4x2x128xi32, #tpu.memory_space<vmem>> -> memref<4x2x128xi32, #tpu.memory_space<vmem>>
    %dma_start3A_18 = arith.constant 0 : i32
    %dma_start3A_19 = arith.constant 0 : i32
    %dma_start3A_20 = arith.constant 0 : i32
    %dma_start3A_21 = tpu.memref_slice %arg4[%arg1, %dma_start3A_18, %dma_start3A_19, %dma_start3A_20] : memref<16x80x2x128xi32, #tpu.memory_space<hbm>> -> memref<1x4x2x128xi32, #tpu.memory_space<hbm>>
    %dma_start3A_22 = tpu.memref_squeeze %dma_start3A_21 : memref<1x4x2x128xi32, #tpu.memory_space<hbm>> -> memref<4x2x128xi32, #tpu.memory_space<hbm>>
    tpu.enqueue_dma source(%dma_start3A_22 : memref<4x2x128xi32, #tpu.memory_space<hbm>>) target(%dma_start3A_17 : memref<4x2x128xi32, #tpu.memory_space<vmem>>) target_semaphore(%arg9 : memref<!tpu.dma_semaphore, #tpu.memory_space<semaphore_mem>>)
    %dma_start3A_23 = arith.constant 1 : i32
    %dma_start3A_24 = arith.constant 0 : i32
    %dma_start3A_25 = arith.constant 0 : i32
    %dma_start3A_26 = arith.constant 0 : i32
    %dma_start3A_27 = tpu.memref_slice %arg6[%dma_start3A_23, %dma_start3A_24, %dma_start3A_25, %dma_start3A_26] : memref<2x4x2x128xi32, #tpu.memory_space<vmem>> -> memref<1x4x2x128xi32, #tpu.memory_space<vmem>>
    %dma_start3A_28 = tpu.memref_squeeze %dma_start3A_27 : memref<1x4x2x128xi32, #tpu.memory_space<vmem>> -> memref<4x2x128xi32, #tpu.memory_space<vmem>>
    %dma_start3A_29 = arith.constant 4 : i32
    %dma_start3A_30 = arith.constant 0 : i32
    %dma_start3A_31 = arith.constant 0 : i32
    %dma_start3A_32 = tpu.memref_slice %arg4[%arg1, %dma_start3A_29, %dma_start3A_30, %dma_start3A_31] : memref<16x80x2x128xi32, #tpu.memory_space<hbm>> -> memref<1x4x2x128xi32, #tpu.memory_space<hbm>>
    %dma_start3A_33 = tpu.memref_squeeze %dma_start3A_32 : memref<1x4x2x128xi32, #tpu.memory_space<hbm>> -> memref<4x2x128xi32, #tpu.memory_space<hbm>>
    %dma_start3A_34 = arith.constant 0 : i32
    %dma_start3A_35 = arith.constant 0 : i32
    %dma_start3A_36 = arith.constant 0 : i32
    %dma_start3A_37 = tpu.memref_slice %arg6[%dma_start3A_23, %dma_start3A_34, %dma_start3A_35, %dma_start3A_36] : memref<2x4x2x128xi32, #tpu.memory_space<vmem>> -> memref<1x4x2x128xi32, #tpu.memory_space<vmem>>
    %dma_start3A_38 = tpu.memref_squeeze %dma_start3A_37 : memref<1x4x2x128xi32, #tpu.memory_space<vmem>> -> memref<4x2x128xi32, #tpu.memory_space<vmem>>
    %dma_start3A_39 = arith.constant 4 : i32
    %dma_start3A_40 = arith.constant 0 : i32
    %dma_start3A_41 = arith.constant 0 : i32
    %dma_start3A_42 = tpu.memref_slice %arg4[%arg1, %dma_start3A_39, %dma_start3A_40, %dma_start3A_41] : memref<16x80x2x128xi32, #tpu.memory_space<hbm>> -> memref<1x4x2x128xi32, #tpu.memory_space<hbm>>
    %dma_start3A_43 = tpu.memref_squeeze %dma_start3A_42 : memref<1x4x2x128xi32, #tpu.memory_space<hbm>> -> memref<4x2x128xi32, #tpu.memory_space<hbm>>
    tpu.enqueue_dma source(%dma_start3A_43 : memref<4x2x128xi32, #tpu.memory_space<hbm>>) target(%dma_start3A_38 : memref<4x2x128xi32, #tpu.memory_space<vmem>>) target_semaphore(%arg10 : memref<!tpu.dma_semaphore, #tpu.memory_space<semaphore_mem>>)
    %barrier3A = arith.constant 0 : index
    tpu.barrier barrier_id(%barrier3A)
    %dma_wait3A = arith.constant 0 : i32
    %dma_wait3A_44 = arith.constant 0 : i32
    %dma_wait3A_45 = arith.constant 0 : i32
    %dma_wait3A_46 = arith.constant 0 : i32
    %dma_wait3A_47 = tpu.memref_slice %arg6[%dma_wait3A, %dma_wait3A_44, %dma_wait3A_45, %dma_wait3A_46] : memref<2x4x2x128xi32, #tpu.memory_space<vmem>> -> memref<1x4x2x128xi32, #tpu.memory_space<vmem>>
    %dma_wait3A_48 = tpu.memref_squeeze %dma_wait3A_47 : memref<1x4x2x128xi32, #tpu.memory_space<vmem>> -> memref<4x2x128xi32, #tpu.memory_space<vmem>>
    %dma_wait3A_49 = arith.constant 0 : i32
    %dma_wait3A_50 = arith.constant 0 : i32
    %dma_wait3A_51 = arith.constant 0 : i32
    %dma_wait3A_52 = tpu.memref_slice %arg4[%arg1, %dma_wait3A_49, %dma_wait3A_50, %dma_wait3A_51] : memref<16x80x2x128xi32, #tpu.memory_space<hbm>> -> memref<1x4x2x128xi32, #tpu.memory_space<hbm>>
    %dma_wait3A_53 = tpu.memref_squeeze %dma_wait3A_52 : memref<1x4x2x128xi32, #tpu.memory_space<hbm>> -> memref<4x2x128xi32, #tpu.memory_space<hbm>>
    %dma_wait3A_54 = arith.constant 0 : i32
    %dma_wait3A_55 = arith.constant 0 : i32
    %dma_wait3A_56 = arith.constant 0 : i32
    %dma_wait3A_57 = tpu.memref_slice %arg6[%dma_wait3A, %dma_wait3A_54, %dma_wait3A_55, %dma_wait3A_56] : memref<2x4x2x128xi32, #tpu.memory_space<vmem>> -> memref<1x4x2x128xi32, #tpu.memory_space<vmem>>
    %dma_wait3A_58 = tpu.memref_squeeze %dma_wait3A_57 : memref<1x4x2x128xi32, #tpu.memory_space<vmem>> -> memref<4x2x128xi32, #tpu.memory_space<vmem>>
    %dma_wait3A_59 = arith.constant 0 : i32
    %dma_wait3A_60 = arith.constant 0 : i32
    %dma_wait3A_61 = arith.constant 0 : i32
    %dma_wait3A_62 = tpu.memref_slice %arg4[%arg1, %dma_wait3A_59, %dma_wait3A_60, %dma_wait3A_61] : memref<16x80x2x128xi32, #tpu.memory_space<hbm>> -> memref<1x4x2x128xi32, #tpu.memory_space<hbm>>
    %dma_wait3A_63 = tpu.memref_squeeze %dma_wait3A_62 : memref<1x4x2x128xi32, #tpu.memory_space<hbm>> -> memref<4x2x128xi32, #tpu.memory_space<hbm>>
    tpu.wait_dma2 semaphore(%arg9 : memref<!tpu.dma_semaphore, #tpu.memory_space<semaphore_mem>>) src(%dma_wait3A_63 : memref<4x2x128xi32, #tpu.memory_space<hbm>>) dst(%dma_wait3A_58 : memref<4x2x128xi32, #tpu.memory_space<vmem>>)
    %dma_start3A_64 = arith.constant 0 : i32
    %dma_start3A_65 = arith.constant 0 : i32
    %dma_start3A_66 = arith.constant 0 : i32
    %dma_start3A_67 = arith.constant 0 : i32
    %dma_start3A_68 = tpu.memref_slice %arg6[%dma_start3A_64, %dma_start3A_65, %dma_start3A_66, %dma_start3A_67] : memref<2x4x2x128xi32, #tpu.memory_space<vmem>> -> memref<1x1x1x128xi32, #tpu.memory_space<vmem>>
    %dma_start3A_69 = tpu.memref_squeeze %dma_start3A_68 : memref<1x1x1x128xi32, #tpu.memory_space<vmem>> -> memref<128xi32, #tpu.memory_space<vmem>>
    %dma_start3A_70 = arith.constant 0 : i32
    %dma_start3A_71 = arith.constant 0 : i32
    %dma_start3A_72 = tpu.memref_slice %arg2[%arg0, %dma_start3A_70, %dma_start3A_71] : memref<2x10240x128xf32, #tpu.memory_space<hbm>> -> memref<1x10240x128xf32, #tpu.memory_space<hbm>>
    %dma_start3A_73 = tpu.memref_squeeze %dma_start3A_72 : memref<1x10240x128xf32, #tpu.memory_space<hbm>> -> memref<10240x128xf32, #tpu.memory_space<hbm>>
    %dma_start3A_74 = arith.constant 0 : i32
    %dma_start3A_75 = arith.constant 0 : i32
    %dma_start3A_76 = tpu.memref_slice %dma_start3A_73[%dma_start3A_74, %dma_start3A_75] : memref<10240x128xf32, #tpu.memory_space<hbm>> -> memref<10240x128xf32, #tpu.memory_space<hbm>>
    tpu.enqueue_indirect_dma source(%dma_start3A_76 : memref<10240x128xf32, #tpu.memory_space<hbm>>) target(%arg7 : memref<128x128xf32, #tpu.memory_space<vmem>>) offsets(%dma_start3A_69 : memref<128xi32, #tpu.memory_space<vmem>>) semaphore(%arg11 : memref<!tpu.dma_semaphore, #tpu.memory_space<semaphore_mem>>)
    %scan3A = arith.constant 0 : i32
    %scan3A_77 = arith.constant 10 : i32
    %scan3A_78 = arith.addi %scan3A, %scan3A_77 : i32
    %scan3A_79 = arith.constant 1 : i32
    scf.for %scan3A_95 = %scan3A to %scan3A_78 step %scan3A_79  : i32 {
      %mul3A_96 = arith.constant 8 : i32
      %mul3A_97 = arith.muli %mul3A_96, %scan3A_95 : i32
      %add3A = arith.constant 0 : i32
      %add3A_98 = arith.addi %mul3A_97, %add3A : i32
      %gt3A = arith.constant 0 : i32
      %gt3A_99 = arith.cmpi sgt, %mul3A_97, %gt3A : i32
      %convert_element_type3A = arith.extui %gt3A_99 : i1 to i32
      %cond3A = arith.constant 0 : i32
      %cond3A_100 = arith.cmpi ne, %convert_element_type3A, %cond3A : i32
      scf.if %cond3A_100 {
        %dma_wait3A_479 = arith.constant 0 : i32
        %dma_wait3A_480 = arith.constant 0 : i32
        %dma_wait3A_481 = arith.constant 1 : i32
        %dma_wait3A_482 = arith.constant 0 : i32
        %dma_wait3A_483 = tpu.memref_slice %arg6[%dma_wait3A_479, %dma_wait3A_480, %dma_wait3A_481, %dma_wait3A_482] : memref<2x4x2x128xi32, #tpu.memory_space<vmem>> -> memref<1x1x1x128xi32, #tpu.memory_space<vmem>>
        %dma_wait3A_484 = tpu.memref_squeeze %dma_wait3A_483 : memref<1x1x1x128xi32, #tpu.memory_space<vmem>> -> memref<128xi32, #tpu.memory_space<vmem>>
        %dma_wait3A_485 = arith.constant 0 : i32
        %dma_wait3A_486 = arith.constant 0 : i32
        %dma_wait3A_487 = tpu.memref_slice %arg15[%dma_wait3A_485, %dma_wait3A_486] : memref<10240x128xf32, #tpu.memory_space<vmem_shared>> -> memref<10240x128xf32, #tpu.memory_space<vmem_shared>>
        tpu.wait_indirect_dma semaphore(%arg14 : memref<!tpu.dma_semaphore, #tpu.memory_space<semaphore_mem>>) src(%arg8 : memref<128x128xf32, #tpu.memory_space<vmem>>) dst(%dma_wait3A_487 : memref<10240x128xf32, #tpu.memory_space<vmem_shared>>)
        %add3A_488 = arith.constant 4 : i32
        %add3A_489 = arith.addi %mul3A_97, %add3A_488 : i32
        %dma_start3A_490 = arith.constant 1 : i32
        %dma_start3A_491 = arith.constant 0 : i32
        %dma_start3A_492 = arith.constant 0 : i32
        %dma_start3A_493 = arith.constant 0 : i32
        %dma_start3A_494 = tpu.memref_slice %arg6[%dma_start3A_490, %dma_start3A_491, %dma_start3A_492, %dma_start3A_493] : memref<2x4x2x128xi32, #tpu.memory_space<vmem>> -> memref<1x4x2x128xi32, #tpu.memory_space<vmem>>
        %dma_start3A_495 = tpu.memref_squeeze %dma_start3A_494 : memref<1x4x2x128xi32, #tpu.memory_space<vmem>> -> memref<4x2x128xi32, #tpu.memory_space<vmem>>
        %dma_start3A_496 = arith.constant 0 : i32
        %dma_start3A_497 = arith.constant 0 : i32
        %dma_start3A_498 = tpu.memref_slice %arg4[%arg1, %add3A_489, %dma_start3A_496, %dma_start3A_497] : memref<16x80x2x128xi32, #tpu.memory_space<hbm>> -> memref<1x4x2x128xi32, #tpu.memory_space<hbm>>
        %dma_start3A_499 = tpu.memref_squeeze %dma_start3A_498 : memref<1x4x2x128xi32, #tpu.memory_space<hbm>> -> memref<4x2x128xi32, #tpu.memory_space<hbm>>
        %dma_start3A_500 = arith.constant 0 : i32
        %dma_start3A_501 = arith.constant 0 : i32
        %dma_start3A_502 = arith.constant 0 : i32
        %dma_start3A_503 = tpu.memref_slice %arg6[%dma_start3A_490, %dma_start3A_500, %dma_start3A_501, %dma_start3A_502] : memref<2x4x2x128xi32, #tpu.memory_space<vmem>> -> memref<1x4x2x128xi32, #tpu.memory_space<vmem>>
        %dma_start3A_504 = tpu.memref_squeeze %dma_start3A_503 : memref<1x4x2x128xi32, #tpu.memory_space<vmem>> -> memref<4x2x128xi32, #tpu.memory_space<vmem>>
        %dma_start3A_505 = arith.constant 0 : i32
        %dma_start3A_506 = arith.constant 0 : i32
        %dma_start3A_507 = tpu.memref_slice %arg4[%arg1, %add3A_489, %dma_start3A_505, %dma_start3A_506] : memref<16x80x2x128xi32, #tpu.memory_space<hbm>> -> memref<1x4x2x128xi32, #tpu.memory_space<hbm>>
        %dma_start3A_508 = tpu.memref_squeeze %dma_start3A_507 : memref<1x4x2x128xi32, #tpu.memory_space<hbm>> -> memref<4x2x128xi32, #tpu.memory_space<hbm>>
        tpu.enqueue_dma source(%dma_start3A_508 : memref<4x2x128xi32, #tpu.memory_space<hbm>>) target(%dma_start3A_504 : memref<4x2x128xi32, #tpu.memory_space<vmem>>) target_semaphore(%arg10 : memref<!tpu.dma_semaphore, #tpu.memory_space<semaphore_mem>>)
      } else {
      }
      %dma_start3A_101 = arith.constant 0 : i32
      %dma_start3A_102 = arith.constant 1 : i32
      %dma_start3A_103 = arith.constant 0 : i32
      %dma_start3A_104 = arith.constant 0 : i32
      %dma_start3A_105 = tpu.memref_slice %arg6[%dma_start3A_101, %dma_start3A_102, %dma_start3A_103, %dma_start3A_104] : memref<2x4x2x128xi32, #tpu.memory_space<vmem>> -> memref<1x1x1x128xi32, #tpu.memory_space<vmem>>
      %dma_start3A_106 = tpu.memref_squeeze %dma_start3A_105 : memref<1x1x1x128xi32, #tpu.memory_space<vmem>> -> memref<128xi32, #tpu.memory_space<vmem>>
      %dma_start3A_107 = arith.constant 0 : i32
      %dma_start3A_108 = arith.constant 0 : i32
      %dma_start3A_109 = tpu.memref_slice %arg2[%arg0, %dma_start3A_107, %dma_start3A_108] : memref<2x10240x128xf32, #tpu.memory_space<hbm>> -> memref<1x10240x128xf32, #tpu.memory_space<hbm>>
      %dma_start3A_110 = tpu.memref_squeeze %dma_start3A_109 : memref<1x10240x128xf32, #tpu.memory_space<hbm>> -> memref<10240x128xf32, #tpu.memory_space<hbm>>
      %dma_start3A_111 = arith.constant 0 : i32
      %dma_start3A_112 = arith.constant 0 : i32
      %dma_start3A_113 = tpu.memref_slice %dma_start3A_110[%dma_start3A_111, %dma_start3A_112] : memref<10240x128xf32, #tpu.memory_space<hbm>> -> memref<10240x128xf32, #tpu.memory_space<hbm>>
      tpu.enqueue_indirect_dma source(%dma_start3A_113 : memref<10240x128xf32, #tpu.memory_space<hbm>>) target(%arg8 : memref<128x128xf32, #tpu.memory_space<vmem>>) offsets(%dma_start3A_106 : memref<128xi32, #tpu.memory_space<vmem>>) semaphore(%arg12 : memref<!tpu.dma_semaphore, #tpu.memory_space<semaphore_mem>>)
      %dma_wait3A_114 = arith.constant 0 : i32
      %dma_wait3A_115 = arith.constant 0 : i32
      %dma_wait3A_116 = arith.constant 0 : i32
      %dma_wait3A_117 = arith.constant 0 : i32
      %dma_wait3A_118 = tpu.memref_slice %arg6[%dma_wait3A_114, %dma_wait3A_115, %dma_wait3A_116, %dma_wait3A_117] : memref<2x4x2x128xi32, #tpu.memory_space<vmem>> -> memref<1x1x1x128xi32, #tpu.memory_space<vmem>>
      %dma_wait3A_119 = tpu.memref_squeeze %dma_wait3A_118 : memref<1x1x1x128xi32, #tpu.memory_space<vmem>> -> memref<128xi32, #tpu.memory_space<vmem>>
      %dma_wait3A_120 = arith.constant 0 : i32
      %dma_wait3A_121 = arith.constant 0 : i32
      %dma_wait3A_122 = tpu.memref_slice %arg2[%arg0, %dma_wait3A_120, %dma_wait3A_121] : memref<2x10240x128xf32, #tpu.memory_space<hbm>> -> memref<1x10240x128xf32, #tpu.memory_space<hbm>>
      %dma_wait3A_123 = tpu.memref_squeeze %dma_wait3A_122 : memref<1x10240x128xf32, #tpu.memory_space<hbm>> -> memref<10240x128xf32, #tpu.memory_space<hbm>>
      %dma_wait3A_124 = arith.constant 0 : i32
      %dma_wait3A_125 = arith.constant 0 : i32
      %dma_wait3A_126 = tpu.memref_slice %dma_wait3A_123[%dma_wait3A_124, %dma_wait3A_125] : memref<10240x128xf32, #tpu.memory_space<hbm>> -> memref<10240x128xf32, #tpu.memory_space<hbm>>
      tpu.wait_indirect_dma semaphore(%arg11 : memref<!tpu.dma_semaphore, #tpu.memory_space<semaphore_mem>>) src(%dma_wait3A_126 : memref<10240x128xf32, #tpu.memory_space<hbm>>) dst(%arg7 : memref<128x128xf32, #tpu.memory_space<vmem>>)
      %dma_start3A_127 = arith.constant 0 : i32
      %dma_start3A_128 = arith.constant 0 : i32
      %dma_start3A_129 = arith.constant 1 : i32
      %dma_start3A_130 = arith.constant 0 : i32
      %dma_start3A_131 = tpu.memref_slice %arg6[%dma_start3A_127, %dma_start3A_128, %dma_start3A_129, %dma_start3A_130] : memref<2x4x2x128xi32, #tpu.memory_space<vmem>> -> memref<1x1x1x128xi32, #tpu.memory_space<vmem>>
      %dma_start3A_132 = tpu.memref_squeeze %dma_start3A_131 : memref<1x1x1x128xi32, #tpu.memory_space<vmem>> -> memref<128xi32, #tpu.memory_space<vmem>>
      %dma_start3A_133 = arith.constant 0 : i32
      %dma_start3A_134 = arith.constant 0 : i32
      %dma_start3A_135 = tpu.memref_slice %arg15[%dma_start3A_133, %dma_start3A_134] : memref<10240x128xf32, #tpu.memory_space<vmem_shared>> -> memref<10240x128xf32, #tpu.memory_space<vmem_shared>>
      tpu.enqueue_indirect_dma source(%arg7 : memref<128x128xf32, #tpu.memory_space<vmem>>) target(%dma_start3A_135 : memref<10240x128xf32, #tpu.memory_space<vmem_shared>>) offsets(%dma_start3A_132 : memref<128xi32, #tpu.memory_space<vmem>>) semaphore(%arg13 : memref<!tpu.dma_semaphore, #tpu.memory_space<semaphore_mem>>) {add = true}
      %add3A_136 = arith.constant 1 : i32
      %add3A_137 = arith.addi %mul3A_97, %add3A_136 : i32
      %dma_wait3A_138 = arith.constant 0 : i32
      %dma_wait3A_139 = arith.constant 0 : i32
      %dma_wait3A_140 = arith.constant 1 : i32
      %dma_wait3A_141 = arith.constant 0 : i32
      %dma_wait3A_142 = tpu.memref_slice %arg6[%dma_wait3A_138, %dma_wait3A_139, %dma_wait3A_140, %dma_wait3A_141] : memref<2x4x2x128xi32, #tpu.memory_space<vmem>> -> memref<1x1x1x128xi32, #tpu.memory_space<vmem>>
      %dma_wait3A_143 = tpu.memref_squeeze %dma_wait3A_142 : memref<1x1x1x128xi32, #tpu.memory_space<vmem>> -> memref<128xi32, #tpu.memory_space<vmem>>
      %dma_wait3A_144 = arith.constant 0 : i32
      %dma_wait3A_145 = arith.constant 0 : i32
      %dma_wait3A_146 = tpu.memref_slice %arg15[%dma_wait3A_144, %dma_wait3A_145] : memref<10240x128xf32, #tpu.memory_space<vmem_shared>> -> memref<10240x128xf32, #tpu.memory_space<vmem_shared>>
      tpu.wait_indirect_dma semaphore(%arg13 : memref<!tpu.dma_semaphore, #tpu.memory_space<semaphore_mem>>) src(%arg7 : memref<128x128xf32, #tpu.memory_space<vmem>>) dst(%dma_wait3A_146 : memref<10240x128xf32, #tpu.memory_space<vmem_shared>>)
      %dma_start3A_147 = arith.constant 0 : i32
      %dma_start3A_148 = arith.constant 2 : i32
      %dma_start3A_149 = arith.constant 0 : i32
      %dma_start3A_150 = arith.constant 0 : i32
      %dma_start3A_151 = tpu.memref_slice %arg6[%dma_start3A_147, %dma_start3A_148, %dma_start3A_149, %dma_start3A_150] : memref<2x4x2x128xi32, #tpu.memory_space<vmem>> -> memref<1x1x1x128xi32, #tpu.memory_space<vmem>>
      %dma_start3A_152 = tpu.memref_squeeze %dma_start3A_151 : memref<1x1x1x128xi32, #tpu.memory_space<vmem>> -> memref<128xi32, #tpu.memory_space<vmem>>
      %dma_start3A_153 = arith.constant 0 : i32
      %dma_start3A_154 = arith.constant 0 : i32
      %dma_start3A_155 = tpu.memref_slice %arg2[%arg0, %dma_start3A_153, %dma_start3A_154] : memref<2x10240x128xf32, #tpu.memory_space<hbm>> -> memref<1x10240x128xf32, #tpu.memory_space<hbm>>
      %dma_start3A_156 = tpu.memref_squeeze %dma_start3A_155 : memref<1x10240x128xf32, #tpu.memory_space<hbm>> -> memref<10240x128xf32, #tpu.memory_space<hbm>>
      %dma_start3A_157 = arith.constant 0 : i32
      %dma_start3A_158 = arith.constant 0 : i32
      %dma_start3A_159 = tpu.memref_slice %dma_start3A_156[%dma_start3A_157, %dma_start3A_158] : memref<10240x128xf32, #tpu.memory_space<hbm>> -> memref<10240x128xf32, #tpu.memory_space<hbm>>
      tpu.enqueue_indirect_dma source(%dma_start3A_159 : memref<10240x128xf32, #tpu.memory_space<hbm>>) target(%arg7 : memref<128x128xf32, #tpu.memory_space<vmem>>) offsets(%dma_start3A_152 : memref<128xi32, #tpu.memory_space<vmem>>) semaphore(%arg11 : memref<!tpu.dma_semaphore, #tpu.memory_space<semaphore_mem>>)
      %dma_wait3A_160 = arith.constant 0 : i32
      %dma_wait3A_161 = arith.constant 0 : i32
      %dma_wait3A_162 = arith.constant 0 : i32
      %dma_wait3A_163 = arith.constant 0 : i32
      %dma_wait3A_164 = tpu.memref_slice %arg6[%dma_wait3A_160, %dma_wait3A_161, %dma_wait3A_162, %dma_wait3A_163] : memref<2x4x2x128xi32, #tpu.memory_space<vmem>> -> memref<1x1x1x128xi32, #tpu.memory_space<vmem>>
      %dma_wait3A_165 = tpu.memref_squeeze %dma_wait3A_164 : memref<1x1x1x128xi32, #tpu.memory_space<vmem>> -> memref<128xi32, #tpu.memory_space<vmem>>
      %dma_wait3A_166 = arith.constant 0 : i32
      %dma_wait3A_167 = arith.constant 0 : i32
      %dma_wait3A_168 = tpu.memref_slice %arg2[%arg0, %dma_wait3A_166, %dma_wait3A_167] : memref<2x10240x128xf32, #tpu.memory_space<hbm>> -> memref<1x10240x128xf32, #tpu.memory_space<hbm>>
      %dma_wait3A_169 = tpu.memref_squeeze %dma_wait3A_168 : memref<1x10240x128xf32, #tpu.memory_space<hbm>> -> memref<10240x128xf32, #tpu.memory_space<hbm>>
      %dma_wait3A_170 = arith.constant 0 : i32
      %dma_wait3A_171 = arith.constant 0 : i32
      %dma_wait3A_172 = tpu.memref_slice %dma_wait3A_169[%dma_wait3A_170, %dma_wait3A_171] : memref<10240x128xf32, #tpu.memory_space<hbm>> -> memref<10240x128xf32, #tpu.memory_space<hbm>>
      tpu.wait_indirect_dma semaphore(%arg12 : memref<!tpu.dma_semaphore, #tpu.memory_space<semaphore_mem>>) src(%dma_wait3A_172 : memref<10240x128xf32, #tpu.memory_space<hbm>>) dst(%arg8 : memref<128x128xf32, #tpu.memory_space<vmem>>)
      %dma_start3A_173 = arith.constant 0 : i32
      %dma_start3A_174 = arith.constant 1 : i32
      %dma_start3A_175 = arith.constant 1 : i32
      %dma_start3A_176 = arith.constant 0 : i32
      %dma_start3A_177 = tpu.memref_slice %arg6[%dma_start3A_173, %dma_start3A_174, %dma_start3A_175, %dma_start3A_176] : memref<2x4x2x128xi32, #tpu.memory_space<vmem>> -> memref<1x1x1x128xi32, #tpu.memory_space<vmem>>
      %dma_start3A_178 = tpu.memref_squeeze %dma_start3A_177 : memref<1x1x1x128xi32, #tpu.memory_space<vmem>> -> memref<128xi32, #tpu.memory_space<vmem>>
      %dma_start3A_179 = arith.constant 0 : i32
      %dma_start3A_180 = arith.constant 0 : i32
      %dma_start3A_181 = tpu.memref_slice %arg15[%dma_start3A_179, %dma_start3A_180] : memref<10240x128xf32, #tpu.memory_space<vmem_shared>> -> memref<10240x128xf32, #tpu.memory_space<vmem_shared>>
      tpu.enqueue_indirect_dma source(%arg8 : memref<128x128xf32, #tpu.memory_space<vmem>>) target(%dma_start3A_181 : memref<10240x128xf32, #tpu.memory_space<vmem_shared>>) offsets(%dma_start3A_178 : memref<128xi32, #tpu.memory_space<vmem>>) semaphore(%arg14 : memref<!tpu.dma_semaphore, #tpu.memory_space<semaphore_mem>>) {add = true}
      %add3A_182 = arith.constant 2 : i32
      %add3A_183 = arith.addi %mul3A_97, %add3A_182 : i32
      %dma_wait3A_184 = arith.constant 0 : i32
      %dma_wait3A_185 = arith.constant 0 : i32
      %dma_wait3A_186 = arith.constant 1 : i32
      %dma_wait3A_187 = arith.constant 0 : i32
      %dma_wait3A_188 = tpu.memref_slice %arg6[%dma_wait3A_184, %dma_wait3A_185, %dma_wait3A_186, %dma_wait3A_187] : memref<2x4x2x128xi32, #tpu.memory_space<vmem>> -> memref<1x1x1x128xi32, #tpu.memory_space<vmem>>
      %dma_wait3A_189 = tpu.memref_squeeze %dma_wait3A_188 : memref<1x1x1x128xi32, #tpu.memory_space<vmem>> -> memref<128xi32, #tpu.memory_space<vmem>>
      %dma_wait3A_190 = arith.constant 0 : i32
      %dma_wait3A_191 = arith.constant 0 : i32
      %dma_wait3A_192 = tpu.memref_slice %arg15[%dma_wait3A_190, %dma_wait3A_191] : memref<10240x128xf32, #tpu.memory_space<vmem_shared>> -> memref<10240x128xf32, #tpu.memory_space<vmem_shared>>
      tpu.wait_indirect_dma semaphore(%arg14 : memref<!tpu.dma_semaphore, #tpu.memory_space<semaphore_mem>>) src(%arg8 : memref<128x128xf32, #tpu.memory_space<vmem>>) dst(%dma_wait3A_192 : memref<10240x128xf32, #tpu.memory_space<vmem_shared>>)
      %dma_start3A_193 = arith.constant 0 : i32
      %dma_start3A_194 = arith.constant 3 : i32
      %dma_start3A_195 = arith.constant 0 : i32
      %dma_start3A_196 = arith.constant 0 : i32
      %dma_start3A_197 = tpu.memref_slice %arg6[%dma_start3A_193, %dma_start3A_194, %dma_start3A_195, %dma_start3A_196] : memref<2x4x2x128xi32, #tpu.memory_space<vmem>> -> memref<1x1x1x128xi32, #tpu.memory_space<vmem>>
      %dma_start3A_198 = tpu.memref_squeeze %dma_start3A_197 : memref<1x1x1x128xi32, #tpu.memory_space<vmem>> -> memref<128xi32, #tpu.memory_space<vmem>>
      %dma_start3A_199 = arith.constant 0 : i32
      %dma_start3A_200 = arith.constant 0 : i32
      %dma_start3A_201 = tpu.memref_slice %arg2[%arg0, %dma_start3A_199, %dma_start3A_200] : memref<2x10240x128xf32, #tpu.memory_space<hbm>> -> memref<1x10240x128xf32, #tpu.memory_space<hbm>>
      %dma_start3A_202 = tpu.memref_squeeze %dma_start3A_201 : memref<1x10240x128xf32, #tpu.memory_space<hbm>> -> memref<10240x128xf32, #tpu.memory_space<hbm>>
      %dma_start3A_203 = arith.constant 0 : i32
      %dma_start3A_204 = arith.constant 0 : i32
      %dma_start3A_205 = tpu.memref_slice %dma_start3A_202[%dma_start3A_203, %dma_start3A_204] : memref<10240x128xf32, #tpu.memory_space<hbm>> -> memref<10240x128xf32, #tpu.memory_space<hbm>>
      tpu.enqueue_indirect_dma source(%dma_start3A_205 : memref<10240x128xf32, #tpu.memory_space<hbm>>) target(%arg8 : memref<128x128xf32, #tpu.memory_space<vmem>>) offsets(%dma_start3A_198 : memref<128xi32, #tpu.memory_space<vmem>>) semaphore(%arg12 : memref<!tpu.dma_semaphore, #tpu.memory_space<semaphore_mem>>)
      %dma_wait3A_206 = arith.constant 0 : i32
      %dma_wait3A_207 = arith.constant 0 : i32
      %dma_wait3A_208 = arith.constant 0 : i32
      %dma_wait3A_209 = arith.constant 0 : i32
      %dma_wait3A_210 = tpu.memref_slice %arg6[%dma_wait3A_206, %dma_wait3A_207, %dma_wait3A_208, %dma_wait3A_209] : memref<2x4x2x128xi32, #tpu.memory_space<vmem>> -> memref<1x1x1x128xi32, #tpu.memory_space<vmem>>
      %dma_wait3A_211 = tpu.memref_squeeze %dma_wait3A_210 : memref<1x1x1x128xi32, #tpu.memory_space<vmem>> -> memref<128xi32, #tpu.memory_space<vmem>>
      %dma_wait3A_212 = arith.constant 0 : i32
      %dma_wait3A_213 = arith.constant 0 : i32
      %dma_wait3A_214 = tpu.memref_slice %arg2[%arg0, %dma_wait3A_212, %dma_wait3A_213] : memref<2x10240x128xf32, #tpu.memory_space<hbm>> -> memref<1x10240x128xf32, #tpu.memory_space<hbm>>
      %dma_wait3A_215 = tpu.memref_squeeze %dma_wait3A_214 : memref<1x10240x128xf32, #tpu.memory_space<hbm>> -> memref<10240x128xf32, #tpu.memory_space<hbm>>
      %dma_wait3A_216 = arith.constant 0 : i32
      %dma_wait3A_217 = arith.constant 0 : i32
      %dma_wait3A_218 = tpu.memref_slice %dma_wait3A_215[%dma_wait3A_216, %dma_wait3A_217] : memref<10240x128xf32, #tpu.memory_space<hbm>> -> memref<10240x128xf32, #tpu.memory_space<hbm>>
      tpu.wait_indirect_dma semaphore(%arg11 : memref<!tpu.dma_semaphore, #tpu.memory_space<semaphore_mem>>) src(%dma_wait3A_218 : memref<10240x128xf32, #tpu.memory_space<hbm>>) dst(%arg7 : memref<128x128xf32, #tpu.memory_space<vmem>>)
      %dma_start3A_219 = arith.constant 0 : i32
      %dma_start3A_220 = arith.constant 2 : i32
      %dma_start3A_221 = arith.constant 1 : i32
      %dma_start3A_222 = arith.constant 0 : i32
      %dma_start3A_223 = tpu.memref_slice %arg6[%dma_start3A_219, %dma_start3A_220, %dma_start3A_221, %dma_start3A_222] : memref<2x4x2x128xi32, #tpu.memory_space<vmem>> -> memref<1x1x1x128xi32, #tpu.memory_space<vmem>>
      %dma_start3A_224 = tpu.memref_squeeze %dma_start3A_223 : memref<1x1x1x128xi32, #tpu.memory_space<vmem>> -> memref<128xi32, #tpu.memory_space<vmem>>
      %dma_start3A_225 = arith.constant 0 : i32
      %dma_start3A_226 = arith.constant 0 : i32
      %dma_start3A_227 = tpu.memref_slice %arg15[%dma_start3A_225, %dma_start3A_226] : memref<10240x128xf32, #tpu.memory_space<vmem_shared>> -> memref<10240x128xf32, #tpu.memory_space<vmem_shared>>
      tpu.enqueue_indirect_dma source(%arg7 : memref<128x128xf32, #tpu.memory_space<vmem>>) target(%dma_start3A_227 : memref<10240x128xf32, #tpu.memory_space<vmem_shared>>) offsets(%dma_start3A_224 : memref<128xi32, #tpu.memory_space<vmem>>) semaphore(%arg13 : memref<!tpu.dma_semaphore, #tpu.memory_space<semaphore_mem>>) {add = true}
      %add3A_228 = arith.constant 3 : i32
      %add3A_229 = arith.addi %mul3A_97, %add3A_228 : i32
      %dma_wait3A_230 = arith.constant 0 : i32
      %dma_wait3A_231 = arith.constant 0 : i32
      %dma_wait3A_232 = arith.constant 1 : i32
      %dma_wait3A_233 = arith.constant 0 : i32
      %dma_wait3A_234 = tpu.memref_slice %arg6[%dma_wait3A_230, %dma_wait3A_231, %dma_wait3A_232, %dma_wait3A_233] : memref<2x4x2x128xi32, #tpu.memory_space<vmem>> -> memref<1x1x1x128xi32, #tpu.memory_space<vmem>>
      %dma_wait3A_235 = tpu.memref_squeeze %dma_wait3A_234 : memref<1x1x1x128xi32, #tpu.memory_space<vmem>> -> memref<128xi32, #tpu.memory_space<vmem>>
      %dma_wait3A_236 = arith.constant 0 : i32
      %dma_wait3A_237 = arith.constant 0 : i32
      %dma_wait3A_238 = tpu.memref_slice %arg15[%dma_wait3A_236, %dma_wait3A_237] : memref<10240x128xf32, #tpu.memory_space<vmem_shared>> -> memref<10240x128xf32, #tpu.memory_space<vmem_shared>>
      tpu.wait_indirect_dma semaphore(%arg13 : memref<!tpu.dma_semaphore, #tpu.memory_space<semaphore_mem>>) src(%arg7 : memref<128x128xf32, #tpu.memory_space<vmem>>) dst(%dma_wait3A_238 : memref<10240x128xf32, #tpu.memory_space<vmem_shared>>)
      %dma_wait3A_239 = arith.constant 1 : i32
      %dma_wait3A_240 = arith.constant 0 : i32
      %dma_wait3A_241 = arith.constant 0 : i32
      %dma_wait3A_242 = arith.constant 0 : i32
      %dma_wait3A_243 = tpu.memref_slice %arg6[%dma_wait3A_239, %dma_wait3A_240, %dma_wait3A_241, %dma_wait3A_242] : memref<2x4x2x128xi32, #tpu.memory_space<vmem>> -> memref<1x4x2x128xi32, #tpu.memory_space<vmem>>
      %dma_wait3A_244 = tpu.memref_squeeze %dma_wait3A_243 : memref<1x4x2x128xi32, #tpu.memory_space<vmem>> -> memref<4x2x128xi32, #tpu.memory_space<vmem>>
      %dma_wait3A_245 = arith.constant 0 : i32
      %dma_wait3A_246 = arith.constant 0 : i32
      %dma_wait3A_247 = arith.constant 0 : i32
      %dma_wait3A_248 = tpu.memref_slice %arg4[%arg1, %dma_wait3A_245, %dma_wait3A_246, %dma_wait3A_247] : memref<16x80x2x128xi32, #tpu.memory_space<hbm>> -> memref<1x4x2x128xi32, #tpu.memory_space<hbm>>
      %dma_wait3A_249 = tpu.memref_squeeze %dma_wait3A_248 : memref<1x4x2x128xi32, #tpu.memory_space<hbm>> -> memref<4x2x128xi32, #tpu.memory_space<hbm>>
      %dma_wait3A_250 = arith.constant 0 : i32
      %dma_wait3A_251 = arith.constant 0 : i32
      %dma_wait3A_252 = arith.constant 0 : i32
      %dma_wait3A_253 = tpu.memref_slice %arg6[%dma_wait3A_239, %dma_wait3A_250, %dma_wait3A_251, %dma_wait3A_252] : memref<2x4x2x128xi32, #tpu.memory_space<vmem>> -> memref<1x4x2x128xi32, #tpu.memory_space<vmem>>
      %dma_wait3A_254 = tpu.memref_squeeze %dma_wait3A_253 : memref<1x4x2x128xi32, #tpu.memory_space<vmem>> -> memref<4x2x128xi32, #tpu.memory_space<vmem>>
      %dma_wait3A_255 = arith.constant 0 : i32
      %dma_wait3A_256 = arith.constant 0 : i32
      %dma_wait3A_257 = arith.constant 0 : i32
      %dma_wait3A_258 = tpu.memref_slice %arg4[%arg1, %dma_wait3A_255, %dma_wait3A_256, %dma_wait3A_257] : memref<16x80x2x128xi32, #tpu.memory_space<hbm>> -> memref<1x4x2x128xi32, #tpu.memory_space<hbm>>
      %dma_wait3A_259 = tpu.memref_squeeze %dma_wait3A_258 : memref<1x4x2x128xi32, #tpu.memory_space<hbm>> -> memref<4x2x128xi32, #tpu.memory_space<hbm>>
      tpu.wait_dma2 semaphore(%arg10 : memref<!tpu.dma_semaphore, #tpu.memory_space<semaphore_mem>>) src(%dma_wait3A_259 : memref<4x2x128xi32, #tpu.memory_space<hbm>>) dst(%dma_wait3A_254 : memref<4x2x128xi32, #tpu.memory_space<vmem>>)
      %dma_start3A_260 = arith.constant 1 : i32
      %dma_start3A_261 = arith.constant 0 : i32
      %dma_start3A_262 = arith.constant 0 : i32
      %dma_start3A_263 = arith.constant 0 : i32
      %dma_start3A_264 = tpu.memref_slice %arg6[%dma_start3A_260, %dma_start3A_261, %dma_start3A_262, %dma_start3A_263] : memref<2x4x2x128xi32, #tpu.memory_space<vmem>> -> memref<1x1x1x128xi32, #tpu.memory_space<vmem>>
      %dma_start3A_265 = tpu.memref_squeeze %dma_start3A_264 : memref<1x1x1x128xi32, #tpu.memory_space<vmem>> -> memref<128xi32, #tpu.memory_space<vmem>>
      %dma_start3A_266 = arith.constant 0 : i32
      %dma_start3A_267 = arith.constant 0 : i32
      %dma_start3A_268 = tpu.memref_slice %arg2[%arg0, %dma_start3A_266, %dma_start3A_267] : memref<2x10240x128xf32, #tpu.memory_space<hbm>> -> memref<1x10240x128xf32, #tpu.memory_space<hbm>>
      %dma_start3A_269 = tpu.memref_squeeze %dma_start3A_268 : memref<1x10240x128xf32, #tpu.memory_space<hbm>> -> memref<10240x128xf32, #tpu.memory_space<hbm>>
      %dma_start3A_270 = arith.constant 0 : i32
      %dma_start3A_271 = arith.constant 0 : i32
      %dma_start3A_272 = tpu.memref_slice %dma_start3A_269[%dma_start3A_270, %dma_start3A_271] : memref<10240x128xf32, #tpu.memory_space<hbm>> -> memref<10240x128xf32, #tpu.memory_space<hbm>>
      tpu.enqueue_indirect_dma source(%dma_start3A_272 : memref<10240x128xf32, #tpu.memory_space<hbm>>) target(%arg7 : memref<128x128xf32, #tpu.memory_space<vmem>>) offsets(%dma_start3A_265 : memref<128xi32, #tpu.memory_space<vmem>>) semaphore(%arg11 : memref<!tpu.dma_semaphore, #tpu.memory_space<semaphore_mem>>)
      %dma_wait3A_273 = arith.constant 0 : i32
      %dma_wait3A_274 = arith.constant 0 : i32
      %dma_wait3A_275 = arith.constant 0 : i32
      %dma_wait3A_276 = arith.constant 0 : i32
      %dma_wait3A_277 = tpu.memref_slice %arg6[%dma_wait3A_273, %dma_wait3A_274, %dma_wait3A_275, %dma_wait3A_276] : memref<2x4x2x128xi32, #tpu.memory_space<vmem>> -> memref<1x1x1x128xi32, #tpu.memory_space<vmem>>
      %dma_wait3A_278 = tpu.memref_squeeze %dma_wait3A_277 : memref<1x1x1x128xi32, #tpu.memory_space<vmem>> -> memref<128xi32, #tpu.memory_space<vmem>>
      %dma_wait3A_279 = arith.constant 0 : i32
      %dma_wait3A_280 = arith.constant 0 : i32
      %dma_wait3A_281 = tpu.memref_slice %arg2[%arg0, %dma_wait3A_279, %dma_wait3A_280] : memref<2x10240x128xf32, #tpu.memory_space<hbm>> -> memref<1x10240x128xf32, #tpu.memory_space<hbm>>
      %dma_wait3A_282 = tpu.memref_squeeze %dma_wait3A_281 : memref<1x10240x128xf32, #tpu.memory_space<hbm>> -> memref<10240x128xf32, #tpu.memory_space<hbm>>
      %dma_wait3A_283 = arith.constant 0 : i32
      %dma_wait3A_284 = arith.constant 0 : i32
      %dma_wait3A_285 = tpu.memref_slice %dma_wait3A_282[%dma_wait3A_283, %dma_wait3A_284] : memref<10240x128xf32, #tpu.memory_space<hbm>> -> memref<10240x128xf32, #tpu.memory_space<hbm>>
      tpu.wait_indirect_dma semaphore(%arg12 : memref<!tpu.dma_semaphore, #tpu.memory_space<semaphore_mem>>) src(%dma_wait3A_285 : memref<10240x128xf32, #tpu.memory_space<hbm>>) dst(%arg8 : memref<128x128xf32, #tpu.memory_space<vmem>>)
      %dma_start3A_286 = arith.constant 0 : i32
      %dma_start3A_287 = arith.constant 3 : i32
      %dma_start3A_288 = arith.constant 1 : i32
      %dma_start3A_289 = arith.constant 0 : i32
      %dma_start3A_290 = tpu.memref_slice %arg6[%dma_start3A_286, %dma_start3A_287, %dma_start3A_288, %dma_start3A_289] : memref<2x4x2x128xi32, #tpu.memory_space<vmem>> -> memref<1x1x1x128xi32, #tpu.memory_space<vmem>>
      %dma_start3A_291 = tpu.memref_squeeze %dma_start3A_290 : memref<1x1x1x128xi32, #tpu.memory_space<vmem>> -> memref<128xi32, #tpu.memory_space<vmem>>
      %dma_start3A_292 = arith.constant 0 : i32
      %dma_start3A_293 = arith.constant 0 : i32
      %dma_start3A_294 = tpu.memref_slice %arg15[%dma_start3A_292, %dma_start3A_293] : memref<10240x128xf32, #tpu.memory_space<vmem_shared>> -> memref<10240x128xf32, #tpu.memory_space<vmem_shared>>
      tpu.enqueue_indirect_dma source(%arg8 : memref<128x128xf32, #tpu.memory_space<vmem>>) target(%dma_start3A_294 : memref<10240x128xf32, #tpu.memory_space<vmem_shared>>) offsets(%dma_start3A_291 : memref<128xi32, #tpu.memory_space<vmem>>) semaphore(%arg14 : memref<!tpu.dma_semaphore, #tpu.memory_space<semaphore_mem>>) {add = true}
      %add3A_295 = arith.constant 4 : i32
      %add3A_296 = arith.addi %mul3A_97, %add3A_295 : i32
      %dma_wait3A_297 = arith.constant 0 : i32
      %dma_wait3A_298 = arith.constant 0 : i32
      %dma_wait3A_299 = arith.constant 1 : i32
      %dma_wait3A_300 = arith.constant 0 : i32
      %dma_wait3A_301 = tpu.memref_slice %arg6[%dma_wait3A_297, %dma_wait3A_298, %dma_wait3A_299, %dma_wait3A_300] : memref<2x4x2x128xi32, #tpu.memory_space<vmem>> -> memref<1x1x1x128xi32, #tpu.memory_space<vmem>>
      %dma_wait3A_302 = tpu.memref_squeeze %dma_wait3A_301 : memref<1x1x1x128xi32, #tpu.memory_space<vmem>> -> memref<128xi32, #tpu.memory_space<vmem>>
      %dma_wait3A_303 = arith.constant 0 : i32
      %dma_wait3A_304 = arith.constant 0 : i32
      %dma_wait3A_305 = tpu.memref_slice %arg15[%dma_wait3A_303, %dma_wait3A_304] : memref<10240x128xf32, #tpu.memory_space<vmem_shared>> -> memref<10240x128xf32, #tpu.memory_space<vmem_shared>>
      tpu.wait_indirect_dma semaphore(%arg14 : memref<!tpu.dma_semaphore, #tpu.memory_space<semaphore_mem>>) src(%arg8 : memref<128x128xf32, #tpu.memory_space<vmem>>) dst(%dma_wait3A_305 : memref<10240x128xf32, #tpu.memory_space<vmem_shared>>)
      %add3A_306 = arith.constant 8 : i32
      %add3A_307 = arith.addi %mul3A_97, %add3A_306 : i32
      %lt3A = arith.constant 80 : i32
      %lt3A_308 = arith.cmpi slt, %add3A_307, %lt3A : i32
      %convert_element_type3A_309 = arith.extui %lt3A_308 : i1 to i32
      %cond3A_310 = arith.constant 0 : i32
      %cond3A_311 = arith.cmpi ne, %convert_element_type3A_309, %cond3A_310 : i32
      scf.if %cond3A_311 {
        %add3A_479 = arith.constant 8 : i32
        %add3A_480 = arith.addi %mul3A_97, %add3A_479 : i32
        %dma_start3A_481 = arith.constant 0 : i32
        %dma_start3A_482 = arith.constant 0 : i32
        %dma_start3A_483 = arith.constant 0 : i32
        %dma_start3A_484 = arith.constant 0 : i32
        %dma_start3A_485 = tpu.memref_slice %arg6[%dma_start3A_481, %dma_start3A_482, %dma_start3A_483, %dma_start3A_484] : memref<2x4x2x128xi32, #tpu.memory_space<vmem>> -> memref<1x4x2x128xi32, #tpu.memory_space<vmem>>
        %dma_start3A_486 = tpu.memref_squeeze %dma_start3A_485 : memref<1x4x2x128xi32, #tpu.memory_space<vmem>> -> memref<4x2x128xi32, #tpu.memory_space<vmem>>
        %dma_start3A_487 = arith.constant 0 : i32
        %dma_start3A_488 = arith.constant 0 : i32
        %dma_start3A_489 = tpu.memref_slice %arg4[%arg1, %add3A_480, %dma_start3A_487, %dma_start3A_488] : memref<16x80x2x128xi32, #tpu.memory_space<hbm>> -> memref<1x4x2x128xi32, #tpu.memory_space<hbm>>
        %dma_start3A_490 = tpu.memref_squeeze %dma_start3A_489 : memref<1x4x2x128xi32, #tpu.memory_space<hbm>> -> memref<4x2x128xi32, #tpu.memory_space<hbm>>
        %dma_start3A_491 = arith.constant 0 : i32
        %dma_start3A_492 = arith.constant 0 : i32
        %dma_start3A_493 = arith.constant 0 : i32
        %dma_start3A_494 = tpu.memref_slice %arg6[%dma_start3A_481, %dma_start3A_491, %dma_start3A_492, %dma_start3A_493] : memref<2x4x2x128xi32, #tpu.memory_space<vmem>> -> memref<1x4x2x128xi32, #tpu.memory_space<vmem>>
        %dma_start3A_495 = tpu.memref_squeeze %dma_start3A_494 : memref<1x4x2x128xi32, #tpu.memory_space<vmem>> -> memref<4x2x128xi32, #tpu.memory_space<vmem>>
        %dma_start3A_496 = arith.constant 0 : i32
        %dma_start3A_497 = arith.constant 0 : i32
        %dma_start3A_498 = tpu.memref_slice %arg4[%arg1, %add3A_480, %dma_start3A_496, %dma_start3A_497] : memref<16x80x2x128xi32, #tpu.memory_space<hbm>> -> memref<1x4x2x128xi32, #tpu.memory_space<hbm>>
        %dma_start3A_499 = tpu.memref_squeeze %dma_start3A_498 : memref<1x4x2x128xi32, #tpu.memory_space<hbm>> -> memref<4x2x128xi32, #tpu.memory_space<hbm>>
        tpu.enqueue_dma source(%dma_start3A_499 : memref<4x2x128xi32, #tpu.memory_space<hbm>>) target(%dma_start3A_495 : memref<4x2x128xi32, #tpu.memory_space<vmem>>) target_semaphore(%arg9 : memref<!tpu.dma_semaphore, #tpu.memory_space<semaphore_mem>>)
      } else {
      }
      %dma_start3A_312 = arith.constant 1 : i32
      %dma_start3A_313 = arith.constant 1 : i32
      %dma_start3A_314 = arith.constant 0 : i32
      %dma_start3A_315 = arith.constant 0 : i32
      %dma_start3A_316 = tpu.memref_slice %arg6[%dma_start3A_312, %dma_start3A_313, %dma_start3A_314, %dma_start3A_315] : memref<2x4x2x128xi32, #tpu.memory_space<vmem>> -> memref<1x1x1x128xi32, #tpu.memory_space<vmem>>
      %dma_start3A_317 = tpu.memref_squeeze %dma_start3A_316 : memref<1x1x1x128xi32, #tpu.memory_space<vmem>> -> memref<128xi32, #tpu.memory_space<vmem>>
      %dma_start3A_318 = arith.constant 0 : i32
      %dma_start3A_319 = arith.constant 0 : i32
      %dma_start3A_320 = tpu.memref_slice %arg2[%arg0, %dma_start3A_318, %dma_start3A_319] : memref<2x10240x128xf32, #tpu.memory_space<hbm>> -> memref<1x10240x128xf32, #tpu.memory_space<hbm>>
      %dma_start3A_321 = tpu.memref_squeeze %dma_start3A_320 : memref<1x10240x128xf32, #tpu.memory_space<hbm>> -> memref<10240x128xf32, #tpu.memory_space<hbm>>
      %dma_start3A_322 = arith.constant 0 : i32
      %dma_start3A_323 = arith.constant 0 : i32
      %dma_start3A_324 = tpu.memref_slice %dma_start3A_321[%dma_start3A_322, %dma_start3A_323] : memref<10240x128xf32, #tpu.memory_space<hbm>> -> memref<10240x128xf32, #tpu.memory_space<hbm>>
      tpu.enqueue_indirect_dma source(%dma_start3A_324 : memref<10240x128xf32, #tpu.memory_space<hbm>>) target(%arg8 : memref<128x128xf32, #tpu.memory_space<vmem>>) offsets(%dma_start3A_317 : memref<128xi32, #tpu.memory_space<vmem>>) semaphore(%arg12 : memref<!tpu.dma_semaphore, #tpu.memory_space<semaphore_mem>>)
      %dma_wait3A_325 = arith.constant 0 : i32
      %dma_wait3A_326 = arith.constant 0 : i32
      %dma_wait3A_327 = arith.constant 0 : i32
      %dma_wait3A_328 = arith.constant 0 : i32
      %dma_wait3A_329 = tpu.memref_slice %arg6[%dma_wait3A_325, %dma_wait3A_326, %dma_wait3A_327, %dma_wait3A_328] : memref<2x4x2x128xi32, #tpu.memory_space<vmem>> -> memref<1x1x1x128xi32, #tpu.memory_space<vmem>>
      %dma_wait3A_330 = tpu.memref_squeeze %dma_wait3A_329 : memref<1x1x1x128xi32, #tpu.memory_space<vmem>> -> memref<128xi32, #tpu.memory_space<vmem>>
      %dma_wait3A_331 = arith.constant 0 : i32
      %dma_wait3A_332 = arith.constant 0 : i32
      %dma_wait3A_333 = tpu.memref_slice %arg2[%arg0, %dma_wait3A_331, %dma_wait3A_332] : memref<2x10240x128xf32, #tpu.memory_space<hbm>> -> memref<1x10240x128xf32, #tpu.memory_space<hbm>>
      %dma_wait3A_334 = tpu.memref_squeeze %dma_wait3A_333 : memref<1x10240x128xf32, #tpu.memory_space<hbm>> -> memref<10240x128xf32, #tpu.memory_space<hbm>>
      %dma_wait3A_335 = arith.constant 0 : i32
      %dma_wait3A_336 = arith.constant 0 : i32
      %dma_wait3A_337 = tpu.memref_slice %dma_wait3A_334[%dma_wait3A_335, %dma_wait3A_336] : memref<10240x128xf32, #tpu.memory_space<hbm>> -> memref<10240x128xf32, #tpu.memory_space<hbm>>
      tpu.wait_indirect_dma semaphore(%arg11 : memref<!tpu.dma_semaphore, #tpu.memory_space<semaphore_mem>>) src(%dma_wait3A_337 : memref<10240x128xf32, #tpu.memory_space<hbm>>) dst(%arg7 : memref<128x128xf32, #tpu.memory_space<vmem>>)
      %dma_start3A_338 = arith.constant 1 : i32
      %dma_start3A_339 = arith.constant 0 : i32
      %dma_start3A_340 = arith.constant 1 : i32
      %dma_start3A_341 = arith.constant 0 : i32
      %dma_start3A_342 = tpu.memref_slice %arg6[%dma_start3A_338, %dma_start3A_339, %dma_start3A_340, %dma_start3A_341] : memref<2x4x2x128xi32, #tpu.memory_space<vmem>> -> memref<1x1x1x128xi32, #tpu.memory_space<vmem>>
      %dma_start3A_343 = tpu.memref_squeeze %dma_start3A_342 : memref<1x1x1x128xi32, #tpu.memory_space<vmem>> -> memref<128xi32, #tpu.memory_space<vmem>>
      %dma_start3A_344 = arith.constant 0 : i32
      %dma_start3A_345 = arith.constant 0 : i32
      %dma_start3A_346 = tpu.memref_slice %arg15[%dma_start3A_344, %dma_start3A_345] : memref<10240x128xf32, #tpu.memory_space<vmem_shared>> -> memref<10240x128xf32, #tpu.memory_space<vmem_shared>>
      tpu.enqueue_indirect_dma source(%arg7 : memref<128x128xf32, #tpu.memory_space<vmem>>) target(%dma_start3A_346 : memref<10240x128xf32, #tpu.memory_space<vmem_shared>>) offsets(%dma_start3A_343 : memref<128xi32, #tpu.memory_space<vmem>>) semaphore(%arg13 : memref<!tpu.dma_semaphore, #tpu.memory_space<semaphore_mem>>) {add = true}
      %add3A_347 = arith.constant 5 : i32
      %add3A_348 = arith.addi %mul3A_97, %add3A_347 : i32
      %dma_wait3A_349 = arith.constant 0 : i32
      %dma_wait3A_350 = arith.constant 0 : i32
      %dma_wait3A_351 = arith.constant 1 : i32
      %dma_wait3A_352 = arith.constant 0 : i32
      %dma_wait3A_353 = tpu.memref_slice %arg6[%dma_wait3A_349, %dma_wait3A_350, %dma_wait3A_351, %dma_wait3A_352] : memref<2x4x2x128xi32, #tpu.memory_space<vmem>> -> memref<1x1x1x128xi32, #tpu.memory_space<vmem>>
      %dma_wait3A_354 = tpu.memref_squeeze %dma_wait3A_353 : memref<1x1x1x128xi32, #tpu.memory_space<vmem>> -> memref<128xi32, #tpu.memory_space<vmem>>
      %dma_wait3A_355 = arith.constant 0 : i32
      %dma_wait3A_356 = arith.constant 0 : i32
      %dma_wait3A_357 = tpu.memref_slice %arg15[%dma_wait3A_355, %dma_wait3A_356] : memref<10240x128xf32, #tpu.memory_space<vmem_shared>> -> memref<10240x128xf32, #tpu.memory_space<vmem_shared>>
      tpu.wait_indirect_dma semaphore(%arg13 : memref<!tpu.dma_semaphore, #tpu.memory_space<semaphore_mem>>) src(%arg7 : memref<128x128xf32, #tpu.memory_space<vmem>>) dst(%dma_wait3A_357 : memref<10240x128xf32, #tpu.memory_space<vmem_shared>>)
      %dma_start3A_358 = arith.constant 1 : i32
      %dma_start3A_359 = arith.constant 2 : i32
      %dma_start3A_360 = arith.constant 0 : i32
      %dma_start3A_361 = arith.constant 0 : i32
      %dma_start3A_362 = tpu.memref_slice %arg6[%dma_start3A_358, %dma_start3A_359, %dma_start3A_360, %dma_start3A_361] : memref<2x4x2x128xi32, #tpu.memory_space<vmem>> -> memref<1x1x1x128xi32, #tpu.memory_space<vmem>>
      %dma_start3A_363 = tpu.memref_squeeze %dma_start3A_362 : memref<1x1x1x128xi32, #tpu.memory_space<vmem>> -> memref<128xi32, #tpu.memory_space<vmem>>
      %dma_start3A_364 = arith.constant 0 : i32
      %dma_start3A_365 = arith.constant 0 : i32
      %dma_start3A_366 = tpu.memref_slice %arg2[%arg0, %dma_start3A_364, %dma_start3A_365] : memref<2x10240x128xf32, #tpu.memory_space<hbm>> -> memref<1x10240x128xf32, #tpu.memory_space<hbm>>
      %dma_start3A_367 = tpu.memref_squeeze %dma_start3A_366 : memref<1x10240x128xf32, #tpu.memory_space<hbm>> -> memref<10240x128xf32, #tpu.memory_space<hbm>>
      %dma_start3A_368 = arith.constant 0 : i32
      %dma_start3A_369 = arith.constant 0 : i32
      %dma_start3A_370 = tpu.memref_slice %dma_start3A_367[%dma_start3A_368, %dma_start3A_369] : memref<10240x128xf32, #tpu.memory_space<hbm>> -> memref<10240x128xf32, #tpu.memory_space<hbm>>
      tpu.enqueue_indirect_dma source(%dma_start3A_370 : memref<10240x128xf32, #tpu.memory_space<hbm>>) target(%arg7 : memref<128x128xf32, #tpu.memory_space<vmem>>) offsets(%dma_start3A_363 : memref<128xi32, #tpu.memory_space<vmem>>) semaphore(%arg11 : memref<!tpu.dma_semaphore, #tpu.memory_space<semaphore_mem>>)
      %dma_wait3A_371 = arith.constant 0 : i32
      %dma_wait3A_372 = arith.constant 0 : i32
      %dma_wait3A_373 = arith.constant 0 : i32
      %dma_wait3A_374 = arith.constant 0 : i32
      %dma_wait3A_375 = tpu.memref_slice %arg6[%dma_wait3A_371, %dma_wait3A_372, %dma_wait3A_373, %dma_wait3A_374] : memref<2x4x2x128xi32, #tpu.memory_space<vmem>> -> memref<1x1x1x128xi32, #tpu.memory_space<vmem>>
      %dma_wait3A_376 = tpu.memref_squeeze %dma_wait3A_375 : memref<1x1x1x128xi32, #tpu.memory_space<vmem>> -> memref<128xi32, #tpu.memory_space<vmem>>
      %dma_wait3A_377 = arith.constant 0 : i32
      %dma_wait3A_378 = arith.constant 0 : i32
      %dma_wait3A_379 = tpu.memref_slice %arg2[%arg0, %dma_wait3A_377, %dma_wait3A_378] : memref<2x10240x128xf32, #tpu.memory_space<hbm>> -> memref<1x10240x128xf32, #tpu.memory_space<hbm>>
      %dma_wait3A_380 = tpu.memref_squeeze %dma_wait3A_379 : memref<1x10240x128xf32, #tpu.memory_space<hbm>> -> memref<10240x128xf32, #tpu.memory_space<hbm>>
      %dma_wait3A_381 = arith.constant 0 : i32
      %dma_wait3A_382 = arith.constant 0 : i32
      %dma_wait3A_383 = tpu.memref_slice %dma_wait3A_380[%dma_wait3A_381, %dma_wait3A_382] : memref<10240x128xf32, #tpu.memory_space<hbm>> -> memref<10240x128xf32, #tpu.memory_space<hbm>>
      tpu.wait_indirect_dma semaphore(%arg12 : memref<!tpu.dma_semaphore, #tpu.memory_space<semaphore_mem>>) src(%dma_wait3A_383 : memref<10240x128xf32, #tpu.memory_space<hbm>>) dst(%arg8 : memref<128x128xf32, #tpu.memory_space<vmem>>)
      %dma_start3A_384 = arith.constant 1 : i32
      %dma_start3A_385 = arith.constant 1 : i32
      %dma_start3A_386 = arith.constant 1 : i32
      %dma_start3A_387 = arith.constant 0 : i32
      %dma_start3A_388 = tpu.memref_slice %arg6[%dma_start3A_384, %dma_start3A_385, %dma_start3A_386, %dma_start3A_387] : memref<2x4x2x128xi32, #tpu.memory_space<vmem>> -> memref<1x1x1x128xi32, #tpu.memory_space<vmem>>
      %dma_start3A_389 = tpu.memref_squeeze %dma_start3A_388 : memref<1x1x1x128xi32, #tpu.memory_space<vmem>> -> memref<128xi32, #tpu.memory_space<vmem>>
      %dma_start3A_390 = arith.constant 0 : i32
      %dma_start3A_391 = arith.constant 0 : i32
      %dma_start3A_392 = tpu.memref_slice %arg15[%dma_start3A_390, %dma_start3A_391] : memref<10240x128xf32, #tpu.memory_space<vmem_shared>> -> memref<10240x128xf32, #tpu.memory_space<vmem_shared>>
      tpu.enqueue_indirect_dma source(%arg8 : memref<128x128xf32, #tpu.memory_space<vmem>>) target(%dma_start3A_392 : memref<10240x128xf32, #tpu.memory_space<vmem_shared>>) offsets(%dma_start3A_389 : memref<128xi32, #tpu.memory_space<vmem>>) semaphore(%arg14 : memref<!tpu.dma_semaphore, #tpu.memory_space<semaphore_mem>>) {add = true}
      %add3A_393 = arith.constant 6 : i32
      %add3A_394 = arith.addi %mul3A_97, %add3A_393 : i32
      %dma_wait3A_395 = arith.constant 0 : i32
      %dma_wait3A_396 = arith.constant 0 : i32
      %dma_wait3A_397 = arith.constant 1 : i32
      %dma_wait3A_398 = arith.constant 0 : i32
      %dma_wait3A_399 = tpu.memref_slice %arg6[%dma_wait3A_395, %dma_wait3A_396, %dma_wait3A_397, %dma_wait3A_398] : memref<2x4x2x128xi32, #tpu.memory_space<vmem>> -> memref<1x1x1x128xi32, #tpu.memory_space<vmem>>
      %dma_wait3A_400 = tpu.memref_squeeze %dma_wait3A_399 : memref<1x1x1x128xi32, #tpu.memory_space<vmem>> -> memref<128xi32, #tpu.memory_space<vmem>>
      %dma_wait3A_401 = arith.constant 0 : i32
      %dma_wait3A_402 = arith.constant 0 : i32
      %dma_wait3A_403 = tpu.memref_slice %arg15[%dma_wait3A_401, %dma_wait3A_402] : memref<10240x128xf32, #tpu.memory_space<vmem_shared>> -> memref<10240x128xf32, #tpu.memory_space<vmem_shared>>
      tpu.wait_indirect_dma semaphore(%arg14 : memref<!tpu.dma_semaphore, #tpu.memory_space<semaphore_mem>>) src(%arg8 : memref<128x128xf32, #tpu.memory_space<vmem>>) dst(%dma_wait3A_403 : memref<10240x128xf32, #tpu.memory_space<vmem_shared>>)
      %dma_start3A_404 = arith.constant 1 : i32
      %dma_start3A_405 = arith.constant 3 : i32
      %dma_start3A_406 = arith.constant 0 : i32
      %dma_start3A_407 = arith.constant 0 : i32
      %dma_start3A_408 = tpu.memref_slice %arg6[%dma_start3A_404, %dma_start3A_405, %dma_start3A_406, %dma_start3A_407] : memref<2x4x2x128xi32, #tpu.memory_space<vmem>> -> memref<1x1x1x128xi32, #tpu.memory_space<vmem>>
      %dma_start3A_409 = tpu.memref_squeeze %dma_start3A_408 : memref<1x1x1x128xi32, #tpu.memory_space<vmem>> -> memref<128xi32, #tpu.memory_space<vmem>>
      %dma_start3A_410 = arith.constant 0 : i32
      %dma_start3A_411 = arith.constant 0 : i32
      %dma_start3A_412 = tpu.memref_slice %arg2[%arg0, %dma_start3A_410, %dma_start3A_411] : memref<2x10240x128xf32, #tpu.memory_space<hbm>> -> memref<1x10240x128xf32, #tpu.memory_space<hbm>>
      %dma_start3A_413 = tpu.memref_squeeze %dma_start3A_412 : memref<1x10240x128xf32, #tpu.memory_space<hbm>> -> memref<10240x128xf32, #tpu.memory_space<hbm>>
      %dma_start3A_414 = arith.constant 0 : i32
      %dma_start3A_415 = arith.constant 0 : i32
      %dma_start3A_416 = tpu.memref_slice %dma_start3A_413[%dma_start3A_414, %dma_start3A_415] : memref<10240x128xf32, #tpu.memory_space<hbm>> -> memref<10240x128xf32, #tpu.memory_space<hbm>>
      tpu.enqueue_indirect_dma source(%dma_start3A_416 : memref<10240x128xf32, #tpu.memory_space<hbm>>) target(%arg8 : memref<128x128xf32, #tpu.memory_space<vmem>>) offsets(%dma_start3A_409 : memref<128xi32, #tpu.memory_space<vmem>>) semaphore(%arg12 : memref<!tpu.dma_semaphore, #tpu.memory_space<semaphore_mem>>)
      %dma_wait3A_417 = arith.constant 0 : i32
      %dma_wait3A_418 = arith.constant 0 : i32
      %dma_wait3A_419 = arith.constant 0 : i32
      %dma_wait3A_420 = arith.constant 0 : i32
      %dma_wait3A_421 = tpu.memref_slice %arg6[%dma_wait3A_417, %dma_wait3A_418, %dma_wait3A_419, %dma_wait3A_420] : memref<2x4x2x128xi32, #tpu.memory_space<vmem>> -> memref<1x1x1x128xi32, #tpu.memory_space<vmem>>
      %dma_wait3A_422 = tpu.memref_squeeze %dma_wait3A_421 : memref<1x1x1x128xi32, #tpu.memory_space<vmem>> -> memref<128xi32, #tpu.memory_space<vmem>>
      %dma_wait3A_423 = arith.constant 0 : i32
      %dma_wait3A_424 = arith.constant 0 : i32
      %dma_wait3A_425 = tpu.memref_slice %arg2[%arg0, %dma_wait3A_423, %dma_wait3A_424] : memref<2x10240x128xf32, #tpu.memory_space<hbm>> -> memref<1x10240x128xf32, #tpu.memory_space<hbm>>
      %dma_wait3A_426 = tpu.memref_squeeze %dma_wait3A_425 : memref<1x10240x128xf32, #tpu.memory_space<hbm>> -> memref<10240x128xf32, #tpu.memory_space<hbm>>
      %dma_wait3A_427 = arith.constant 0 : i32
      %dma_wait3A_428 = arith.constant 0 : i32
      %dma_wait3A_429 = tpu.memref_slice %dma_wait3A_426[%dma_wait3A_427, %dma_wait3A_428] : memref<10240x128xf32, #tpu.memory_space<hbm>> -> memref<10240x128xf32, #tpu.memory_space<hbm>>
      tpu.wait_indirect_dma semaphore(%arg11 : memref<!tpu.dma_semaphore, #tpu.memory_space<semaphore_mem>>) src(%dma_wait3A_429 : memref<10240x128xf32, #tpu.memory_space<hbm>>) dst(%arg7 : memref<128x128xf32, #tpu.memory_space<vmem>>)
      %dma_start3A_430 = arith.constant 1 : i32
      %dma_start3A_431 = arith.constant 2 : i32
      %dma_start3A_432 = arith.constant 1 : i32
      %dma_start3A_433 = arith.constant 0 : i32
      %dma_start3A_434 = tpu.memref_slice %arg6[%dma_start3A_430, %dma_start3A_431, %dma_start3A_432, %dma_start3A_433] : memref<2x4x2x128xi32, #tpu.memory_space<vmem>> -> memref<1x1x1x128xi32, #tpu.memory_space<vmem>>
      %dma_start3A_435 = tpu.memref_squeeze %dma_start3A_434 : memref<1x1x1x128xi32, #tpu.memory_space<vmem>> -> memref<128xi32, #tpu.memory_space<vmem>>
      %dma_start3A_436 = arith.constant 0 : i32
      %dma_start3A_437 = arith.constant 0 : i32
      %dma_start3A_438 = tpu.memref_slice %arg15[%dma_start3A_436, %dma_start3A_437] : memref<10240x128xf32, #tpu.memory_space<vmem_shared>> -> memref<10240x128xf32, #tpu.memory_space<vmem_shared>>
      tpu.enqueue_indirect_dma source(%arg7 : memref<128x128xf32, #tpu.memory_space<vmem>>) target(%dma_start3A_438 : memref<10240x128xf32, #tpu.memory_space<vmem_shared>>) offsets(%dma_start3A_435 : memref<128xi32, #tpu.memory_space<vmem>>) semaphore(%arg13 : memref<!tpu.dma_semaphore, #tpu.memory_space<semaphore_mem>>) {add = true}
      %add3A_439 = arith.constant 7 : i32
      %add3A_440 = arith.addi %mul3A_97, %add3A_439 : i32
      %dma_wait3A_441 = arith.constant 0 : i32
      %dma_wait3A_442 = arith.constant 0 : i32
      %dma_wait3A_443 = arith.constant 1 : i32
      %dma_wait3A_444 = arith.constant 0 : i32
      %dma_wait3A_445 = tpu.memref_slice %arg6[%dma_wait3A_441, %dma_wait3A_442, %dma_wait3A_443, %dma_wait3A_444] : memref<2x4x2x128xi32, #tpu.memory_space<vmem>> -> memref<1x1x1x128xi32, #tpu.memory_space<vmem>>
      %dma_wait3A_446 = tpu.memref_squeeze %dma_wait3A_445 : memref<1x1x1x128xi32, #tpu.memory_space<vmem>> -> memref<128xi32, #tpu.memory_space<vmem>>
      %dma_wait3A_447 = arith.constant 0 : i32
      %dma_wait3A_448 = arith.constant 0 : i32
      %dma_wait3A_449 = tpu.memref_slice %arg15[%dma_wait3A_447, %dma_wait3A_448] : memref<10240x128xf32, #tpu.memory_space<vmem_shared>> -> memref<10240x128xf32, #tpu.memory_space<vmem_shared>>
      tpu.wait_indirect_dma semaphore(%arg13 : memref<!tpu.dma_semaphore, #tpu.memory_space<semaphore_mem>>) src(%arg7 : memref<128x128xf32, #tpu.memory_space<vmem>>) dst(%dma_wait3A_449 : memref<10240x128xf32, #tpu.memory_space<vmem_shared>>)
      %add3A_450 = arith.constant 8 : i32
      %add3A_451 = arith.addi %mul3A_97, %add3A_450 : i32
      %lt3A_452 = arith.constant 80 : i32
      %lt3A_453 = arith.cmpi slt, %add3A_451, %lt3A_452 : i32
      %convert_element_type3A_454 = arith.extui %lt3A_453 : i1 to i32
      %cond3A_455 = arith.constant 0 : i32
      %cond3A_456 = arith.cmpi ne, %convert_element_type3A_454, %cond3A_455 : i32
      scf.if %cond3A_456 {
        %dma_wait3A_479 = arith.constant 0 : i32
        %dma_wait3A_480 = arith.constant 0 : i32
        %dma_wait3A_481 = arith.constant 0 : i32
        %dma_wait3A_482 = arith.constant 0 : i32
        %dma_wait3A_483 = tpu.memref_slice %arg6[%dma_wait3A_479, %dma_wait3A_480, %dma_wait3A_481, %dma_wait3A_482] : memref<2x4x2x128xi32, #tpu.memory_space<vmem>> -> memref<1x4x2x128xi32, #tpu.memory_space<vmem>>
        %dma_wait3A_484 = tpu.memref_squeeze %dma_wait3A_483 : memref<1x4x2x128xi32, #tpu.memory_space<vmem>> -> memref<4x2x128xi32, #tpu.memory_space<vmem>>
        %dma_wait3A_485 = arith.constant 0 : i32
        %dma_wait3A_486 = arith.constant 0 : i32
        %dma_wait3A_487 = arith.constant 0 : i32
        %dma_wait3A_488 = tpu.memref_slice %arg4[%arg1, %dma_wait3A_485, %dma_wait3A_486, %dma_wait3A_487] : memref<16x80x2x128xi32, #tpu.memory_space<hbm>> -> memref<1x4x2x128xi32, #tpu.memory_space<hbm>>
        %dma_wait3A_489 = tpu.memref_squeeze %dma_wait3A_488 : memref<1x4x2x128xi32, #tpu.memory_space<hbm>> -> memref<4x2x128xi32, #tpu.memory_space<hbm>>
        %dma_wait3A_490 = arith.constant 0 : i32
        %dma_wait3A_491 = arith.constant 0 : i32
        %dma_wait3A_492 = arith.constant 0 : i32
        %dma_wait3A_493 = tpu.memref_slice %arg6[%dma_wait3A_479, %dma_wait3A_490, %dma_wait3A_491, %dma_wait3A_492] : memref<2x4x2x128xi32, #tpu.memory_space<vmem>> -> memref<1x4x2x128xi32, #tpu.memory_space<vmem>>
        %dma_wait3A_494 = tpu.memref_squeeze %dma_wait3A_493 : memref<1x4x2x128xi32, #tpu.memory_space<vmem>> -> memref<4x2x128xi32, #tpu.memory_space<vmem>>
        %dma_wait3A_495 = arith.constant 0 : i32
        %dma_wait3A_496 = arith.constant 0 : i32
        %dma_wait3A_497 = arith.constant 0 : i32
        %dma_wait3A_498 = tpu.memref_slice %arg4[%arg1, %dma_wait3A_495, %dma_wait3A_496, %dma_wait3A_497] : memref<16x80x2x128xi32, #tpu.memory_space<hbm>> -> memref<1x4x2x128xi32, #tpu.memory_space<hbm>>
        %dma_wait3A_499 = tpu.memref_squeeze %dma_wait3A_498 : memref<1x4x2x128xi32, #tpu.memory_space<hbm>> -> memref<4x2x128xi32, #tpu.memory_space<hbm>>
        tpu.wait_dma2 semaphore(%arg9 : memref<!tpu.dma_semaphore, #tpu.memory_space<semaphore_mem>>) src(%dma_wait3A_499 : memref<4x2x128xi32, #tpu.memory_space<hbm>>) dst(%dma_wait3A_494 : memref<4x2x128xi32, #tpu.memory_space<vmem>>)
        %dma_start3A_500 = arith.constant 0 : i32
        %dma_start3A_501 = arith.constant 0 : i32
        %dma_start3A_502 = arith.constant 0 : i32
        %dma_start3A_503 = arith.constant 0 : i32
        %dma_start3A_504 = tpu.memref_slice %arg6[%dma_start3A_500, %dma_start3A_501, %dma_start3A_502, %dma_start3A_503] : memref<2x4x2x128xi32, #tpu.memory_space<vmem>> -> memref<1x1x1x128xi32, #tpu.memory_space<vmem>>
        %dma_start3A_505 = tpu.memref_squeeze %dma_start3A_504 : memref<1x1x1x128xi32, #tpu.memory_space<vmem>> -> memref<128xi32, #tpu.memory_space<vmem>>
        %dma_start3A_506 = arith.constant 0 : i32
        %dma_start3A_507 = arith.constant 0 : i32
        %dma_start3A_508 = tpu.memref_slice %arg2[%arg0, %dma_start3A_506, %dma_start3A_507] : memref<2x10240x128xf32, #tpu.memory_space<hbm>> -> memref<1x10240x128xf32, #tpu.memory_space<hbm>>
        %dma_start3A_509 = tpu.memref_squeeze %dma_start3A_508 : memref<1x10240x128xf32, #tpu.memory_space<hbm>> -> memref<10240x128xf32, #tpu.memory_space<hbm>>
        %dma_start3A_510 = arith.constant 0 : i32
        %dma_start3A_511 = arith.constant 0 : i32
        %dma_start3A_512 = tpu.memref_slice %dma_start3A_509[%dma_start3A_510, %dma_start3A_511] : memref<10240x128xf32, #tpu.memory_space<hbm>> -> memref<10240x128xf32, #tpu.memory_space<hbm>>
        tpu.enqueue_indirect_dma source(%dma_start3A_512 : memref<10240x128xf32, #tpu.memory_space<hbm>>) target(%arg7 : memref<128x128xf32, #tpu.memory_space<vmem>>) offsets(%dma_start3A_505 : memref<128xi32, #tpu.memory_space<vmem>>) semaphore(%arg11 : memref<!tpu.dma_semaphore, #tpu.memory_space<semaphore_mem>>)
      } else {
      }
      %dma_wait3A_457 = arith.constant 0 : i32
      %dma_wait3A_458 = arith.constant 0 : i32
      %dma_wait3A_459 = arith.constant 0 : i32
      %dma_wait3A_460 = arith.constant 0 : i32
      %dma_wait3A_461 = tpu.memref_slice %arg6[%dma_wait3A_457, %dma_wait3A_458, %dma_wait3A_459, %dma_wait3A_460] : memref<2x4x2x128xi32, #tpu.memory_space<vmem>> -> memref<1x1x1x128xi32, #tpu.memory_space<vmem>>
      %dma_wait3A_462 = tpu.memref_squeeze %dma_wait3A_461 : memref<1x1x1x128xi32, #tpu.memory_space<vmem>> -> memref<128xi32, #tpu.memory_space<vmem>>
      %dma_wait3A_463 = arith.constant 0 : i32
      %dma_wait3A_464 = arith.constant 0 : i32
      %dma_wait3A_465 = tpu.memref_slice %arg2[%arg0, %dma_wait3A_463, %dma_wait3A_464] : memref<2x10240x128xf32, #tpu.memory_space<hbm>> -> memref<1x10240x128xf32, #tpu.memory_space<hbm>>
      %dma_wait3A_466 = tpu.memref_squeeze %dma_wait3A_465 : memref<1x10240x128xf32, #tpu.memory_space<hbm>> -> memref<10240x128xf32, #tpu.memory_space<hbm>>
      %dma_wait3A_467 = arith.constant 0 : i32
      %dma_wait3A_468 = arith.constant 0 : i32
      %dma_wait3A_469 = tpu.memref_slice %dma_wait3A_466[%dma_wait3A_467, %dma_wait3A_468] : memref<10240x128xf32, #tpu.memory_space<hbm>> -> memref<10240x128xf32, #tpu.memory_space<hbm>>
      tpu.wait_indirect_dma semaphore(%arg12 : memref<!tpu.dma_semaphore, #tpu.memory_space<semaphore_mem>>) src(%dma_wait3A_469 : memref<10240x128xf32, #tpu.memory_space<hbm>>) dst(%arg8 : memref<128x128xf32, #tpu.memory_space<vmem>>)
      %dma_start3A_470 = arith.constant 1 : i32
      %dma_start3A_471 = arith.constant 3 : i32
      %dma_start3A_472 = arith.constant 1 : i32
      %dma_start3A_473 = arith.constant 0 : i32
      %dma_start3A_474 = tpu.memref_slice %arg6[%dma_start3A_470, %dma_start3A_471, %dma_start3A_472, %dma_start3A_473] : memref<2x4x2x128xi32, #tpu.memory_space<vmem>> -> memref<1x1x1x128xi32, #tpu.memory_space<vmem>>
      %dma_start3A_475 = tpu.memref_squeeze %dma_start3A_474 : memref<1x1x1x128xi32, #tpu.memory_space<vmem>> -> memref<128xi32, #tpu.memory_space<vmem>>
      %dma_start3A_476 = arith.constant 0 : i32
      %dma_start3A_477 = arith.constant 0 : i32
      %dma_start3A_478 = tpu.memref_slice %arg15[%dma_start3A_476, %dma_start3A_477] : memref<10240x128xf32, #tpu.memory_space<vmem_shared>> -> memref<10240x128xf32, #tpu.memory_space<vmem_shared>>
      tpu.enqueue_indirect_dma source(%arg8 : memref<128x128xf32, #tpu.memory_space<vmem>>) target(%dma_start3A_478 : memref<10240x128xf32, #tpu.memory_space<vmem_shared>>) offsets(%dma_start3A_475 : memref<128xi32, #tpu.memory_space<vmem>>) semaphore(%arg14 : memref<!tpu.dma_semaphore, #tpu.memory_space<semaphore_mem>>) {add = true}
    }
    %scan3A_80 = arith.constant 10 : i32
    %dma_wait3A_81 = arith.constant 0 : i32
    %dma_wait3A_82 = arith.constant 0 : i32
    %dma_wait3A_83 = arith.constant 1 : i32
    %dma_wait3A_84 = arith.constant 0 : i32
    %dma_wait3A_85 = tpu.memref_slice %arg6[%dma_wait3A_81, %dma_wait3A_82, %dma_wait3A_83, %dma_wait3A_84] : memref<2x4x2x128xi32, #tpu.memory_space<vmem>> -> memref<1x1x1x128xi32, #tpu.memory_space<vmem>>
    %dma_wait3A_86 = tpu.memref_squeeze %dma_wait3A_85 : memref<1x1x1x128xi32, #tpu.memory_space<vmem>> -> memref<128xi32, #tpu.memory_space<vmem>>
    %dma_wait3A_87 = arith.constant 0 : i32
    %dma_wait3A_88 = arith.constant 0 : i32
    %dma_wait3A_89 = tpu.memref_slice %arg15[%dma_wait3A_87, %dma_wait3A_88] : memref<10240x128xf32, #tpu.memory_space<vmem_shared>> -> memref<10240x128xf32, #tpu.memory_space<vmem_shared>>
    tpu.wait_indirect_dma semaphore(%arg14 : memref<!tpu.dma_semaphore, #tpu.memory_space<semaphore_mem>>) src(%arg8 : memref<128x128xf32, #tpu.memory_space<vmem>>) dst(%dma_wait3A_89 : memref<10240x128xf32, #tpu.memory_space<vmem_shared>>)
    %barrier3A_90 = arith.constant 0 : index
    tpu.barrier barrier_id(%barrier3A_90)
    %mul3A_91 = arith.constant 640 : i32
    %mul3A_92 = arith.muli %arg1, %mul3A_91 : i32
    %mul3A_93 = arith.constant 640 : i32
    %mul3A_94 = arith.muli %arg1, %mul3A_93 : i32
    "tpu.region"() ({
      %run_scoped3A = tpu.sem_alloc : memref<!tpu.dma_semaphore, #tpu.memory_space<semaphore_mem>>
      %dma_start3A_95 = arith.constant 0 : i32
      %dma_start3A_96 = arith.constant 0 : i32
      %dma_start3A_97 = tpu.memref_slice %arg5[%arg0, %dma_start3A_95, %dma_start3A_96] : memref<2x10240x128xf32, #tpu.memory_space<hbm>> -> memref<1x10240x128xf32, #tpu.memory_space<hbm>>
      %dma_start3A_98 = tpu.memref_squeeze %dma_start3A_97 : memref<1x10240x128xf32, #tpu.memory_space<hbm>> -> memref<10240x128xf32, #tpu.memory_space<hbm>>
      %dma_start3A_99 = arith.constant 0 : i32
      %dma_start3A_100 = tpu.memref_slice %dma_start3A_98[%mul3A_94, %dma_start3A_99] : memref<10240x128xf32, #tpu.memory_space<hbm>> -> memref<640x128xf32, #tpu.memory_space<hbm>>
      %dma_start3A_101 = arith.constant 0 : i32
      %dma_start3A_102 = tpu.memref_slice %arg15[%mul3A_92, %dma_start3A_101] : memref<10240x128xf32, #tpu.memory_space<vmem_shared>> -> memref<640x128xf32, #tpu.memory_space<vmem_shared>>
      tpu.enqueue_dma source(%dma_start3A_102 : memref<640x128xf32, #tpu.memory_space<vmem_shared>>) target(%dma_start3A_100 : memref<640x128xf32, #tpu.memory_space<hbm>>) target_semaphore(%run_scoped3A : memref<!tpu.dma_semaphore, #tpu.memory_space<semaphore_mem>>)
      %dma_wait3A_103 = arith.constant 0 : i32
      %dma_wait3A_104 = arith.constant 0 : i32
      %dma_wait3A_105 = tpu.memref_slice %arg5[%arg0, %dma_wait3A_103, %dma_wait3A_104] : memref<2x10240x128xf32, #tpu.memory_space<hbm>> -> memref<1x10240x128xf32, #tpu.memory_space<hbm>>
      %dma_wait3A_106 = tpu.memref_squeeze %dma_wait3A_105 : memref<1x10240x128xf32, #tpu.memory_space<hbm>> -> memref<10240x128xf32, #tpu.memory_space<hbm>>
      %dma_wait3A_107 = arith.constant 0 : i32
      %dma_wait3A_108 = tpu.memref_slice %dma_wait3A_106[%mul3A_94, %dma_wait3A_107] : memref<10240x128xf32, #tpu.memory_space<hbm>> -> memref<640x128xf32, #tpu.memory_space<hbm>>
      %dma_wait3A_109 = arith.constant 0 : i32
      %dma_wait3A_110 = tpu.memref_slice %arg15[%mul3A_92, %dma_wait3A_109] : memref<10240x128xf32, #tpu.memory_space<vmem_shared>> -> memref<640x128xf32, #tpu.memory_space<vmem_shared>>
      tpu.wait_dma2 semaphore(%run_scoped3A : memref<!tpu.dma_semaphore, #tpu.memory_space<semaphore_mem>>) src(%dma_wait3A_110 : memref<640x128xf32, #tpu.memory_space<vmem_shared>>) dst(%dma_wait3A_108 : memref<640x128xf32, #tpu.memory_space<hbm>>)
      tpu.yield
    }) : () -> ()
    return
  }
}

module attributes {stable_mosaic.version = 14 : i64} {
  func.func @_tc1_body(%arg0: i32, %arg1: memref<2048x256xf32, #tpu.memory_space<vmem>>, %arg2: memref<256x256xf32, #tpu.memory_space<vmem>>, %arg3: memref<1x256xf32, #tpu.memory_space<vmem>>, %arg4: memref<2048x1xf32, #tpu.memory_space<vmem>>, %arg5: memref<2x2048x128xf32, #tpu.memory_space<vmem>>) attributes {dimension_semantics = [#tpu.dimension_semantics<arbitrary>], iteration_bounds = array<i64: 5>, scalar_prefetch = 0 : i64, scratch_operands = 0 : i64, tpu.core_type = #tpu.core_type<tc>, window_params = [{transform_indices = @transform_0, window_bounds = array<i64: 2048, 256>}, {pipeline_mode = #tpu.pipeline_mode<synchronous>, transform_indices = @transform_1, window_bounds = array<i64: 256, 256>}, {pipeline_mode = #tpu.pipeline_mode<synchronous>, transform_indices = @transform_2, window_bounds = array<i64: 1, 256>}, {transform_indices = @transform_3, window_bounds = array<i64: 2048, 1>}, {transform_indices = @transform_4, window_bounds = array<i64: 2, 2048, 128>}]} {
    %get3A = arith.constant 0 : index
    %get3A_0 = arith.constant 0 : index
    %get3A_1 = vector.load %arg1[%get3A, %get3A_0] : memref<2048x256xf32, #tpu.memory_space<vmem>>, vector<2048x256xf32>
    %get3A_2 = arith.constant 0 : index
    %get3A_3 = arith.constant 0 : index
    %get3A_4 = vector.load %arg2[%get3A_2, %get3A_3] : memref<256x256xf32, #tpu.memory_space<vmem>>, vector<256x256xf32>
    %dot_general3A = arith.constant dense<0.000000e+00> : vector<2048x256xf32>
    %dot_general3A_5 = tpu.matmul %get3A_1, %get3A_4, %dot_general3A {dimension_numbers = #tpu.dot_dimension_numbers<[1], [0], [0], [1], [0, 0, 1, 1], [], []>, transpose_lhs_hint = false} : vector<2048x256xf32>, vector<256x256xf32>, vector<2048x256xf32> -> vector<2048x256xf32>
    %get3A_6 = arith.constant 0 : index
    %get3A_7 = arith.constant 0 : index
    %get3A_8 = vector.load %arg3[%get3A_6, %get3A_7] : memref<1x256xf32, #tpu.memory_space<vmem>>, vector<1x256xf32>
    %add3A = vector.broadcast %get3A_8 : vector<1x256xf32> to vector<2048x256xf32>
    %add3A_9 = arith.addf %dot_general3A_5, %add3A : vector<2048x256xf32>
    %get3A_10 = arith.constant 0 : index
    %get3A_11 = arith.constant 0 : index
    %get3A_12 = vector.load %arg4[%get3A_10, %get3A_11] : memref<2048x1xf32, #tpu.memory_space<vmem>>, vector<2048x1xf32>
    %add3A_13 = arith.constant 1.000000e+00 : f32
    %add3A_14 = vector.broadcast %add3A_13 : f32 to vector<2048x1xf32>
    %add3A_15 = arith.addf %get3A_12, %add3A_14 : vector<2048x1xf32>
    %max3A = arith.constant 1.000000e+00 : f32
    %max3A_16 = vector.broadcast %max3A : f32 to vector<2048x1xf32>
    %max3A_17 = arith.maximumf %add3A_15, %max3A_16 : vector<2048x1xf32>
    %rsqrt3A = math.rsqrt %max3A_17 : vector<2048x1xf32>
    %mul3A = vector.broadcast %rsqrt3A : vector<2048x1xf32> to vector<2048x256xf32>
    %mul3A_18 = arith.mulf %add3A_9, %mul3A : vector<2048x256xf32>
    %slice3A = vector.extract_strided_slice %mul3A_18 {offsets = [0, 0], sizes = [2048, 128], strides = [1, 1]} : vector<2048x256xf32> to vector<2048x128xf32>
    %swap3A = arith.constant 0 : index
    %swap3A_19 = arith.constant 0 : index
    %swap3A_20 = arith.constant 0 : index
    %swap3A_21 = vector.load %arg5[%swap3A, %swap3A_19, %swap3A_20] : memref<2x2048x128xf32, #tpu.memory_space<vmem>>, vector<1x2048x128xf32>
    %swap3A_22 = vector.shape_cast %swap3A_21 : vector<1x2048x128xf32> to vector<2048x128xf32>
    %swap3A_23 = vector.shape_cast %slice3A : vector<2048x128xf32> to vector<1x2048x128xf32>
    tpu.vector_store %arg5[%swap3A, %swap3A_19, %swap3A_20], %swap3A_23 {strides = array<i32>} : memref<2x2048x128xf32, #tpu.memory_space<vmem>>, vector<1x2048x128xf32>,
    %slice3A_24 = vector.extract_strided_slice %mul3A_18 {offsets = [0, 128], sizes = [2048, 128], strides = [1, 1]} : vector<2048x256xf32> to vector<2048x128xf32>
    %swap3A_25 = arith.constant 1 : index
    %swap3A_26 = arith.constant 0 : index
    %swap3A_27 = arith.constant 0 : index
    %swap3A_28 = vector.load %arg5[%swap3A_25, %swap3A_26, %swap3A_27] : memref<2x2048x128xf32, #tpu.memory_space<vmem>>, vector<1x2048x128xf32>
    %swap3A_29 = vector.shape_cast %swap3A_28 : vector<1x2048x128xf32> to vector<2048x128xf32>
    %swap3A_30 = vector.shape_cast %slice3A_24 : vector<2048x128xf32> to vector<1x2048x128xf32>
    tpu.vector_store %arg5[%swap3A_25, %swap3A_26, %swap3A_27], %swap3A_30 {strides = array<i32>} : memref<2x2048x128xf32, #tpu.memory_space<vmem>>, vector<1x2048x128xf32>,
    return
  }
  func.func @transform_0(%arg0: i32) -> (i32, i32) {
    %c0_i32 = arith.constant 0 : i32
    %c0_i32_0 = arith.constant 0 : i32
    return %arg0, %c0_i32 : i32, i32
  }
  func.func @transform_1(%arg0: i32) -> (i32, i32) {
    %c0_i32 = arith.constant 0 : i32
    %c0_i32_0 = arith.constant 0 : i32
    %c0_i32_1 = arith.constant 0 : i32
    return %c0_i32, %c0_i32_0 : i32, i32
  }
  func.func @transform_2(%arg0: i32) -> (i32, i32) {
    %c0_i32 = arith.constant 0 : i32
    %c0_i32_0 = arith.constant 0 : i32
    %c0_i32_1 = arith.constant 0 : i32
    return %c0_i32, %c0_i32_0 : i32, i32
  }
  func.func @transform_3(%arg0: i32) -> (i32, i32) {
    %c0_i32 = arith.constant 0 : i32
    %c0_i32_0 = arith.constant 0 : i32
    return %arg0, %c0_i32 : i32, i32
  }
  func.func @transform_4(%arg0: i32) -> (i32, i32, i32) {
    %c0_i32 = arith.constant 0 : i32
    %c0_i32_0 = arith.constant 0 : i32
    %c0_i32_1 = arith.constant 0 : i32
    return %c0_i32, %arg0, %c0_i32_0 : i32, i32, i32
  }
}

module attributes {stable_mosaic.version = 14 : i64} {
  func.func @_tc2_body(%arg0: i32, %arg1: memref<2x2048x128xf32, #tpu.memory_space<vmem>>, %arg2: memref<256x256xf32, #tpu.memory_space<vmem>>, %arg3: memref<1x256xf32, #tpu.memory_space<vmem>>, %arg4: memref<2048x1xf32, #tpu.memory_space<vmem>>, %arg5: memref<2048x1xf32, #tpu.memory_space<vmem>>, %arg6: memref<2x2048x128xf32, #tpu.memory_space<vmem>>) attributes {dimension_semantics = [#tpu.dimension_semantics<arbitrary>], iteration_bounds = array<i64: 5>, scalar_prefetch = 0 : i64, scratch_operands = 0 : i64, tpu.core_type = #tpu.core_type<tc>, window_params = [{transform_indices = @transform_0, window_bounds = array<i64: 2, 2048, 128>}, {pipeline_mode = #tpu.pipeline_mode<synchronous>, transform_indices = @transform_1, window_bounds = array<i64: 256, 256>}, {pipeline_mode = #tpu.pipeline_mode<synchronous>, transform_indices = @transform_2, window_bounds = array<i64: 1, 256>}, {transform_indices = @transform_3, window_bounds = array<i64: 2048, 1>}, {transform_indices = @transform_4, window_bounds = array<i64: 2048, 1>}, {transform_indices = @transform_5, window_bounds = array<i64: 2, 2048, 128>}]} {
    %get3A = arith.constant 0 : index
    %get3A_0 = arith.constant 0 : index
    %get3A_1 = arith.constant 0 : index
    %get3A_2 = vector.load %arg1[%get3A, %get3A_0, %get3A_1] : memref<2x2048x128xf32, #tpu.memory_space<vmem>>, vector<1x2048x128xf32>
    %get3A_3 = vector.shape_cast %get3A_2 : vector<1x2048x128xf32> to vector<2048x128xf32>
    %get3A_4 = arith.constant 1 : index
    %get3A_5 = arith.constant 0 : index
    %get3A_6 = arith.constant 0 : index
    %get3A_7 = vector.load %arg1[%get3A_4, %get3A_5, %get3A_6] : memref<2x2048x128xf32, #tpu.memory_space<vmem>>, vector<1x2048x128xf32>
    %get3A_8 = vector.shape_cast %get3A_7 : vector<1x2048x128xf32> to vector<2048x128xf32>
    %concatenate3A = tpu.concatenate %get3A_3, %get3A_8 in 1 : vector<2048x128xf32>, vector<2048x128xf32> -> vector<2048x256xf32>
    %get3A_9 = arith.constant 0 : index
    %get3A_10 = arith.constant 0 : index
    %get3A_11 = vector.load %arg4[%get3A_9, %get3A_10] : memref<2048x1xf32, #tpu.memory_space<vmem>>, vector<2048x1xf32>
    %add3A = arith.constant 1.000000e+00 : f32
    %add3A_12 = vector.broadcast %add3A : f32 to vector<2048x1xf32>
    %add3A_13 = arith.addf %get3A_11, %add3A_12 : vector<2048x1xf32>
    %max3A = arith.constant 1.000000e+00 : f32
    %max3A_14 = vector.broadcast %max3A : f32 to vector<2048x1xf32>
    %max3A_15 = arith.maximumf %add3A_13, %max3A_14 : vector<2048x1xf32>
    %rsqrt3A = math.rsqrt %max3A_15 : vector<2048x1xf32>
    %mul3A = vector.broadcast %rsqrt3A : vector<2048x1xf32> to vector<2048x256xf32>
    %mul3A_16 = arith.mulf %concatenate3A, %mul3A : vector<2048x256xf32>
    %get3A_17 = arith.constant 0 : index
    %get3A_18 = arith.constant 0 : index
    %get3A_19 = vector.load %arg2[%get3A_17, %get3A_18] : memref<256x256xf32, #tpu.memory_space<vmem>>, vector<256x256xf32>
    %dot_general3A = arith.constant dense<0.000000e+00> : vector<2048x256xf32>
    %dot_general3A_20 = tpu.matmul %mul3A_16, %get3A_19, %dot_general3A {dimension_numbers = #tpu.dot_dimension_numbers<[1], [0], [0], [1], [0, 0, 1, 1], [], []>, transpose_lhs_hint = false} : vector<2048x256xf32>, vector<256x256xf32>, vector<2048x256xf32> -> vector<2048x256xf32>
    %get3A_21 = arith.constant 0 : index
    %get3A_22 = arith.constant 0 : index
    %get3A_23 = vector.load %arg3[%get3A_21, %get3A_22] : memref<1x256xf32, #tpu.memory_space<vmem>>, vector<1x256xf32>
    %add3A_24 = vector.broadcast %get3A_23 : vector<1x256xf32> to vector<2048x256xf32>
    %add3A_25 = arith.addf %dot_general3A_20, %add3A_24 : vector<2048x256xf32>
    %get3A_26 = arith.constant 0 : index
    %get3A_27 = arith.constant 0 : index
    %get3A_28 = vector.load %arg5[%get3A_26, %get3A_27] : memref<2048x1xf32, #tpu.memory_space<vmem>>, vector<2048x1xf32>
    %max3A_29 = arith.constant 1.000000e+00 : f32
    %max3A_30 = vector.broadcast %max3A_29 : f32 to vector<2048x1xf32>
    %max3A_31 = arith.maximumf %get3A_28, %max3A_30 : vector<2048x1xf32>
    %rsqrt3A_32 = math.rsqrt %max3A_31 : vector<2048x1xf32>
    %mul3A_33 = vector.broadcast %rsqrt3A_32 : vector<2048x1xf32> to vector<2048x256xf32>
    %mul3A_34 = arith.mulf %add3A_25, %mul3A_33 : vector<2048x256xf32>
    %slice3A = vector.extract_strided_slice %mul3A_34 {offsets = [0, 0], sizes = [2048, 128], strides = [1, 1]} : vector<2048x256xf32> to vector<2048x128xf32>
    %swap3A = arith.constant 0 : index
    %swap3A_35 = arith.constant 0 : index
    %swap3A_36 = arith.constant 0 : index
    %swap3A_37 = vector.load %arg6[%swap3A, %swap3A_35, %swap3A_36] : memref<2x2048x128xf32, #tpu.memory_space<vmem>>, vector<1x2048x128xf32>
    %swap3A_38 = vector.shape_cast %swap3A_37 : vector<1x2048x128xf32> to vector<2048x128xf32>
    %swap3A_39 = vector.shape_cast %slice3A : vector<2048x128xf32> to vector<1x2048x128xf32>
    tpu.vector_store %arg6[%swap3A, %swap3A_35, %swap3A_36], %swap3A_39 {strides = array<i32>} : memref<2x2048x128xf32, #tpu.memory_space<vmem>>, vector<1x2048x128xf32>,
    %slice3A_40 = vector.extract_strided_slice %mul3A_34 {offsets = [0, 128], sizes = [2048, 128], strides = [1, 1]} : vector<2048x256xf32> to vector<2048x128xf32>
    %swap3A_41 = arith.constant 1 : index
    %swap3A_42 = arith.constant 0 : index
    %swap3A_43 = arith.constant 0 : index
    %swap3A_44 = vector.load %arg6[%swap3A_41, %swap3A_42, %swap3A_43] : memref<2x2048x128xf32, #tpu.memory_space<vmem>>, vector<1x2048x128xf32>
    %swap3A_45 = vector.shape_cast %swap3A_44 : vector<1x2048x128xf32> to vector<2048x128xf32>
    %swap3A_46 = vector.shape_cast %slice3A_40 : vector<2048x128xf32> to vector<1x2048x128xf32>
    tpu.vector_store %arg6[%swap3A_41, %swap3A_42, %swap3A_43], %swap3A_46 {strides = array<i32>} : memref<2x2048x128xf32, #tpu.memory_space<vmem>>, vector<1x2048x128xf32>,
    return
  }
  func.func @transform_0(%arg0: i32) -> (i32, i32, i32) {
    %c0_i32 = arith.constant 0 : i32
    %c0_i32_0 = arith.constant 0 : i32
    %c0_i32_1 = arith.constant 0 : i32
    return %c0_i32, %arg0, %c0_i32_0 : i32, i32, i32
  }
  func.func @transform_1(%arg0: i32) -> (i32, i32) {
    %c0_i32 = arith.constant 0 : i32
    %c0_i32_0 = arith.constant 0 : i32
    %c0_i32_1 = arith.constant 0 : i32
    return %c0_i32, %c0_i32_0 : i32, i32
  }
  func.func @transform_2(%arg0: i32) -> (i32, i32) {
    %c0_i32 = arith.constant 0 : i32
    %c0_i32_0 = arith.constant 0 : i32
    %c0_i32_1 = arith.constant 0 : i32
    return %c0_i32, %c0_i32_0 : i32, i32
  }
  func.func @transform_3(%arg0: i32) -> (i32, i32) {
    %c0_i32 = arith.constant 0 : i32
    %c0_i32_0 = arith.constant 0 : i32
    return %arg0, %c0_i32 : i32, i32
  }
  func.func @transform_4(%arg0: i32) -> (i32, i32) {
    %c0_i32 = arith.constant 0 : i32
    %c0_i32_0 = arith.constant 0 : i32
    return %arg0, %c0_i32 : i32, i32
  }
  func.func @transform_5(%arg0: i32) -> (i32, i32, i32) {
    %c0_i32 = arith.constant 0 : i32
    %c0_i32_0 = arith.constant 0 : i32
    %c0_i32_1 = arith.constant 0 : i32
    return %c0_i32, %arg0, %c0_i32_0 : i32, i32, i32
  }
}

module attributes {stable_mosaic.version = 14 : i64} {
  func.func @_tc3_body(%arg0: i32, %arg1: memref<2x2048x128xf32, #tpu.memory_space<vmem>>, %arg2: memref<2048x1xf32, #tpu.memory_space<vmem>>, %arg3: memref<2048x256xf32, #tpu.memory_space<vmem>>) attributes {dimension_semantics = [#tpu.dimension_semantics<arbitrary>], iteration_bounds = array<i64: 5>, scalar_prefetch = 0 : i64, scratch_operands = 0 : i64, tpu.core_type = #tpu.core_type<tc>, window_params = [{transform_indices = @transform_0, window_bounds = array<i64: 2, 2048, 128>}, {transform_indices = @transform_1, window_bounds = array<i64: 2048, 1>}, {transform_indices = @transform_2, window_bounds = array<i64: 2048, 256>}]} {
    %get3A = arith.constant 0 : index
    %get3A_0 = arith.constant 0 : index
    %get3A_1 = arith.constant 0 : index
    %get3A_2 = vector.load %arg1[%get3A, %get3A_0, %get3A_1] : memref<2x2048x128xf32, #tpu.memory_space<vmem>>, vector<1x2048x128xf32>
    %get3A_3 = vector.shape_cast %get3A_2 : vector<1x2048x128xf32> to vector<2048x128xf32>
    %get3A_4 = arith.constant 1 : index
    %get3A_5 = arith.constant 0 : index
    %get3A_6 = arith.constant 0 : index
    %get3A_7 = vector.load %arg1[%get3A_4, %get3A_5, %get3A_6] : memref<2x2048x128xf32, #tpu.memory_space<vmem>>, vector<1x2048x128xf32>
    %get3A_8 = vector.shape_cast %get3A_7 : vector<1x2048x128xf32> to vector<2048x128xf32>
    %concatenate3A = tpu.concatenate %get3A_3, %get3A_8 in 1 : vector<2048x128xf32>, vector<2048x128xf32> -> vector<2048x256xf32>
    %get3A_9 = arith.constant 0 : index
    %get3A_10 = arith.constant 0 : index
    %get3A_11 = vector.load %arg2[%get3A_9, %get3A_10] : memref<2048x1xf32, #tpu.memory_space<vmem>>, vector<2048x1xf32>
    %max3A = arith.constant 1.000000e+00 : f32
    %max3A_12 = vector.broadcast %max3A : f32 to vector<2048x1xf32>
    %max3A_13 = arith.maximumf %get3A_11, %max3A_12 : vector<2048x1xf32>
    %rsqrt3A = math.rsqrt %max3A_13 : vector<2048x1xf32>
    %mul3A = vector.broadcast %rsqrt3A : vector<2048x1xf32> to vector<2048x256xf32>
    %mul3A_14 = arith.mulf %concatenate3A, %mul3A : vector<2048x256xf32>
    %swap3A = arith.constant 0 : index
    %swap3A_15 = arith.constant 0 : index
    %swap3A_16 = vector.load %arg3[%swap3A, %swap3A_15] : memref<2048x256xf32, #tpu.memory_space<vmem>>, vector<2048x256xf32>
    tpu.vector_store %arg3[%swap3A, %swap3A_15], %mul3A_14 {strides = array<i32>} : memref<2048x256xf32, #tpu.memory_space<vmem>>, vector<2048x256xf32>,
    return
  }
  func.func @transform_0(%arg0: i32) -> (i32, i32, i32) {
    %c0_i32 = arith.constant 0 : i32
    %c0_i32_0 = arith.constant 0 : i32
    %c0_i32_1 = arith.constant 0 : i32
    return %c0_i32, %arg0, %c0_i32_0 : i32, i32, i32
  }
  func.func @transform_1(%arg0: i32) -> (i32, i32) {
    %c0_i32 = arith.constant 0 : i32
    %c0_i32_0 = arith.constant 0 : i32
    return %arg0, %c0_i32 : i32, i32
  }
  func.func @transform_2(%arg0: i32) -> (i32, i32) {
    %c0_i32 = arith.constant 0 : i32
    %c0_i32_0 = arith.constant 0 : i32
    return %arg0, %c0_i32 : i32, i32
  }
}

</mosaic_0001>

<sc_bundles>
// kernel: kernel.11.cloned.1.call-start
scs
__scs_entry_jumppad:
0x0: {  	(pc) =	sbr.rel $0x88, $3  }
0x1: {  	(tag) =	ssettag $0x0;
	lr =	simm.s32 $0x1  }
0x2: {  	[smem:$0x3F9B] =	sst lr;
	_ =	strace $0xD0000000  }
0x3: {  	_ = 	snop  }
0x4: {  	_ = 	snop  }
0x5: {  	_ = 	snop  }
0x6: {  	_ = 	snop  }
0x7: {  	_ = 	snop  }
__scs_overlays_trampoline_lowered:
0x8: {  	[smem:$0x3FAA] =	sst s0  }
0x9: {  	[smem:$0x3FAB] =	sst s1  }
0xa: {  	[smem:$0x3FAC] =	sst s2  }
0xb: {  	[smem:$0x3FAD] =	sst s3  }
0xc: {  	[smem:$0x3FAE] =	sst s4  }
0xd: {  	[smem:$0x3FAF] =	sst s5  }
0xe: {  	[smem:$0x3FB0] =	sst s6  }
0xf: {  	[smem:$0x3FB1] =	sst s7  }
0x10: {  	[smem:$0x3FB2] =	sst s8  }
0x11: {  	[smem:$0x3FB3] =	sst s9;
	s0 =	simm.s32 @!p0 $0x0  }
0x12: {  	s1 =	sld [smem:$0x3F99];
	s0 =	simm.s32 @p0 $0x1  }
0x13: {  	[smem:$0x3FB4] =	sst s0;
	s0 =	simm.s32 @!p1 $0x0  }
0x14: {  	s2 =	sld [smem:$0x3F98];
	s0 =	simm.s32 @p1 $0x1  }
0x15: {  	[smem:$0x3FB5] =	sst s0;
	s0 =	simm.s32 @!p2 $0x0  }
0x16: {  	s3 =	sld [smem:$0x3FDB];
	s0 =	simm.s32 @p2 $0x1  }
0x17: {  	s4 =	simm.s32 $0x1BF5;
	[smem:$0x3FB7] =	sst s0  }
0x18: {  	s0 =	sld [smem:$0x3F9A];
	_ =	swait.ge [sflag:s4], $0x0  }
0x19: {  	s7 =	sld [smem:$0x3F9B]  }
0x1a: {  	s8 =	sadd.s32 $0xFFFFE003, lr  }
0x1b: {  	s9 =	sadd.s32 $0xFFFFFEF7, lr;
	s5 =	simm.s32 $0xFFFFFFFF;
	p2 =	slt.u32 s8, $0xFFFFF086  }
0x1c: {  	p1 =	slt.u32 s9, $0xF7A;
	s5 =	simm.s32 @!p2 $0x0  }
0x1d: {  	s5 =	simm.s32 @p1 $0x1;
	p0 =	seq.s32 s7, s2  }
0x1e: {  	s7 =	smul.u32 @!p0 $0xF7A, s2;
	p2 =	seq.s32 @!p0 s5, $0x0  }
0x1f: {  	s9 =	smul.u32 $0xF7A, s1;
	s8 =	simm.s32 @!p0 $0x1BF5;
	p2 =	por !p2, p0  }
0x20: {  	[sflag:s8] =	ssyncset.s32 @!p0 $0xFFFFF086;
	s6 =	sadd.s32 @!p0 s3, s7;
	s7 =	simm.s32 @!p0 $0x108  }
0x21: {  	s3 =	sadd.s32 s3, s9;
	s6 =	sadd.s32 @!p0 $0x88, s6;
	s7 =	simm.s32 @p2 $0x1082  }
0x22: {  	[simem:s7], [sflag:s8] =	dma.local @!p0 [hbm:s6], $0xF7A  }
0x23: {  	s9 =	sor.u32 $0xD0000000, s2;
	s6 =	simm.s32 $0x108;
	_ =	swait.ge @!p0 [sflag:s8], $0x0  }
0x24: {  	s3 =	sadd.s32 $0x88, s3;
	s6 =	simm.s32 @!p1 $0x1082;
	[sflag:s4] =	ssyncset.s32 $0xFFFFF086  }
0x25: {  	[simem:s6], [sflag:s4] =	dma.local [hbm:s3], $0xF7A  }
0x26: {  	[smem:$0x3F9B] =	sst s1;
	(tag) =	ssettag s2;
	_ =	strace s9  }
0x27: {  	s1 =	sld [smem:$0x3FAB]  }
0x28: {  	s2 =	sld [smem:$0x3FAC]  }
0x29: {  	s4 =	sld [smem:$0x3FAE]  }
0x2a: {  	p0 =	seq.s32 s5, $0x0;
	s5 =	sld [smem:$0x3FAF]  }
0x2b: {  	s6 =	sld [smem:$0x3FB0]  }
0x2c: {  	s7 =	sld [smem:$0x3FB1]  }
0x2d: {  	s3 =	simm.s32 $0x108;
	s8 =	sld [smem:$0x3FB2]  }
0x2e: {  	s3 =	simm.s32 @!p0 $0x1082;
	s9 =	sld [smem:$0x3FB3]  }
0x2f: {  	lr =	sadd.s32 s0, s3;
	s0 =	sld [smem:$0x3FAA]  }
0x30: {  	s3 =	sld [smem:$0x3FAD]  }
0x31: {  	[smem:$0x3FB6] =	sst s10  }
0x32: {  	s10 =	sld [smem:$0x3FB4];
	_ =	sdelay $0x3  }
0x33: {  	p0 =	seq.s32 s10, $0x1;
	s10 =	sld [smem:$0x3FB6];
	_ =	sdelay $0x3  }
0x34: {  	[smem:$0x3FB6] =	sst s10  }
0x35: {  	s10 =	sld [smem:$0x3FB5];
	_ =	sdelay $0x3  }
0x36: {  	p1 =	seq.s32 s10, $0x1;
	s10 =	sld [smem:$0x3FB6];
	_ =	sdelay $0x3  }
0x37: {  	[smem:$0x3FB6] =	sst s10  }
0x38: {  	s10 =	sld [smem:$0x3FB7]  }
0x39: {  	_ = 	snop;
	(pc) =	sbr.ind lr, $3  }
0x3a: {  	_ = 	snop  }
0x3b: {  	_ = 	snop  }
0x3c: {  	p2 =	seq.s32 s10, $0x1;
	s10 =	sld [smem:$0x3FB6]  }
0x3d: {  	_ =	shalt  }
0x3e: {  	_ =	shalt  }
0x3f: {  	_ =	shalt  }
0x40: {  	_ =	shalt  }
0x41: {  	_ =	shalt  }
0x42: {  	_ =	shalt  }
0x43: {  	_ =	shalt  }
0x44: {  	_ =	shalt  }
0x45: {  	_ =	shalt  }
0x46: {  	_ =	shalt  }
0x47: {  	_ =	shalt  }
0x48: {  	_ =	shalt  }
0x49: {  	_ =	shalt  }
0x4a: {  	_ =	shalt  }
0x4b: {  	_ =	shalt  }
0x4c: {  	_ =	shalt  }
0x4d: {  	_ =	shalt  }
0x4e: {  	_ =	shalt  }
0x4f: {  	_ =	shalt  }
0x50: {  	_ =	shalt  }
0x51: {  	_ =	shalt  }
0x52: {  	_ =	shalt  }
0x53: {  	_ =	shalt  }
0x54: {  	_ =	shalt  }
0x55: {  	_ =	shalt  }
0x56: {  	_ =	shalt  }
0x57: {  	_ =	shalt  }
0x58: {  	_ =	shalt  }
0x59: {  	_ =	shalt  }
0x5a: {  	_ =	shalt  }
0x5b: {  	_ =	shalt  }
0x5c: {  	_ =	shalt  }
0x5d: {  	_ =	shalt  }
0x5e: {  	_ =	shalt  }
0x5f: {  	_ =	shalt  }
0x60: {  	_ =	shalt  }
0x61: {  	_ =	shalt  }
0x62: {  	_ =	shalt  }
0x63: {  	_ =	shalt  }
0x64: {  	_ =	shalt  }
0x65: {  	_ =	shalt  }
0x66: {  	_ =	shalt  }
0x67: {  	_ =	shalt  }
0x68: {  	_ =	shalt  }
0x69: {  	_ =	shalt  }
0x6a: {  	_ =	shalt  }
0x6b: {  	_ =	shalt  }
0x6c: {  	_ =	shalt  }
0x6d: {  	_ =	shalt  }
0x6e: {  	_ =	shalt  }
0x6f: {  	_ =	shalt  }
0x70: {  	_ =	shalt  }
0x71: {  	_ =	shalt  }
0x72: {  	_ =	shalt  }
0x73: {  	_ =	shalt  }
0x74: {  	_ =	shalt  }
0x75: {  	_ =	shalt  }
0x76: {  	_ =	shalt  }
0x77: {  	_ =	shalt  }
0x78: {  	_ =	shalt  }
0x79: {  	_ =	shalt  }
0x7a: {  	_ =	shalt  }
0x7b: {  	_ =	shalt  }
0x7c: {  	_ =	shalt  }
0x7d: {  	_ =	shalt  }
0x7e: {  	_ =	shalt  }
0x7f: {  	_ =	shalt  }
0x80: {  	_ =	shalt  }
0x81: {  	_ =	shalt  }
0x82: {  	_ =	shalt  }
0x83: {  	_ =	shalt  }
0x84: {  	_ =	shalt  }
0x85: {  	_ =	shalt  }
0x86: {  	_ =	shalt  }
0x87: {  	_ =	shalt  }
.Lfunc_end0:
.L_simem_size_0:
called_computation.1_lowered:
.L_overlay_start_0:
0x88: {  	s2 =	sld [smem:$0x3FD9]  }
0x89: {  	s3 =	sld [smem:$0x3FFE];
	_ =	sdelay $0x1  }
0x8a: {  	s1 =	srdreg.scid  }
0x8b: {  	s0 =	sand.u32 $0x1, s1  }
0x8c: {  	s16 =	sshll.u32 s0, $0xA;
	s2 =	sadd.s32 s3, s2  }
0x8d: {  	s2 =	sadd.s32 s2, s16  }
0x8e: {  	[smem:$0x3FC2] =	sst s2  }
0x8f: {  	_ = 	snop  }
0x90: {  	(tm) =	ssettm $0x1  }
0x91: {  	s17 =	sld [smem:$0x3FFB];
	_ =	sdelay $0x3  }
0x92: {  	_ =	strace s17  }
0x93: {  	s2 =	sld [smem:$0x3FFC];
	_ =	sdelay $0x3  }
0x94: {  	_ =	strace s2  }
0x95: {  	s2 =	sld [smem:$0x3FFD];
	_ =	sdelay $0x3  }
0x96: {  	_ =	strace s2  }
0x97: {  	_ =	strace $0x8FFFFFFF  }
0x98: {  	s18 =	sld [smem:$0x3FDB];
	_ =	sdelay $0x1  }
0x99: {  	s19 =	simm.s32 $_scs_section_size  }
0x9a: {  	s4 =	simm.s32 $_size__tile_overlayer_lowered;
	s5 =	simm.s32 $_tile_overlayer_lowered  }
0x9b: {  	s22 =	simm.s32 $0x1BFF;
	s21 =	sshll.u32 s5, $0x1;
	s2 =	sadd.s32 s19, s18  }
0x9c: {  	s6 =	simm.s32 $0x0;
	s20 =	sshll.u32 s4, $0x1;
	s4 =	sadd.s32 s21, s2  }
0x9d: {  	[timem:s6], [sflag:s22] =	dma.local [hbm:s4], s20  }
0x9e: {  	_ =	swait.ge [sflag:s22], s20  }
0x9f: {  	s3 =	ssub.s32 $0x0, s20;
	[sflag:s22] =	ssyncset.done $0x0  }
0xa0: {  	[sflag:s22] =	ssyncadd.s32 s3;
	_ =	sdelay $0x1  }
0xa1: {  	s23 =	simm.s32 $0x1B8B  }
0xa2: {  	_ =	swait.ge [sflag:s23], $0x1  }
0xa3: {  	[sflag:s23] =	ssyncset.done $0x0  }
0xa4: {  	s25 =	simm.s32 $0x1B8E;
	s24 =	sld [smem:$0x3FFE];
	[sflag:s23] =	ssyncadd.s32 $0xFFFFFFFF  }
0xa5: {  	s26 =	simm.s32 $execute0_lowered;
	[smem:$0x3FD2] =	sst s25  }
0xa6: {  	s4 =	sshll.u32 s26, $0x1;
	_ =	strace $0x80000049;
	[dreg:$0x1] =	wrdreg $0xFFFFFFFF  }
0xa7: {  	s28 =	simm.s32 $_size_execute0_lowered;
	s2 =	sadd.s32 s2, s4;
	[dreg:$0x0] =	wrdreg $0x0  }
0xa8: {  	s4 =	sshll.u32 s28, $0x1;
	[dreg:$0x2] =	wrdreg s2  }
0xa9: {  	[dreg:$0x3] =	wrdreg s4  }
0xaa: {  	[dreg:$0x4] =	wrdreg $0xC0  }
0xab: {  	_ =	task [dreg:s6], $0x5FFFF  }
0xac: {  	[dreg:$0x1] =	wrdreg $0xFFFFFFFF  }
0xad: {  	[dreg:$0x0] =	wrdreg $0x60  }
0xae: {  	[dreg:$0x2] =	wrdreg s24  }
0xaf: {  	[dreg:$0x3] =	wrdreg $0x88000  }
0xb0: {  	[dreg:$0x4] =	wrdreg $0x9  }
0xb1: {  	_ =	task.clear_ibuf [dreg:s6], $0x5FFFF;
	_ =	strace $0x90000049  }
0xb2: {  	s29 =	simm.s32 $0x9;
	_ =	strace $0x8000004B  }
0xb3: {  	_ =	swait.ge [sflag:s29], $0x1  }
0xb4: {  	[sflag:s29] =	ssyncadd.s32 $0xFFFFFFFF  }
0xb5: {  	_ =	strace $0x9000004B  }
0xb6: {  	_ =	sfence  }
0xb7: {  	s30 =	sld [smem:$0x0];
	_ =	sdelay $0x2  }
0xb8: {  	s31 =	sshll.u32 s1, $0xD;
	s1 =	sshrl.u32 s1, $0x2  }
0xb9: {  	s3 =	sand.u32 $0x4000, s31;
	s1 =	sadd.s32 s1, s30  }
0xba: {  	s0 =	sor.u32 s3, s0;
	s1 =	sshll.u32 s1, $0x11  }
0xbb: {  	s0 =	sor.u32 s1, s0  }
0xbc: {  	s0 =	sadd.s32 $0x8F2B, s0  }
0xbd: {  	[sflag:s0] =	ssyncadd.remote.s32 $0x1  }
0xbe: {  	_ =	sfence.sel $0xFFFF  }
0xbf: {  	[dreg:$0x0] =	wrdreg $0xFFFFFFFF;
	(pc) =	sbr.abs _section_cstart, $3  }
0xc0: {  	[dreg:$0x1] =	wrdreg $0xFFFFFFFF  }
0xc1: {  	_ =	task.clear_ibuf [dreg:s6], $0x2FFFF;
	_ =	strace $0x9FFFFFFF  }
0xc2: {  	(tm) =	ssettm $0x7FFFFFFF  }
0xc3: {  	_ =	shalt  }
tec
execute0_lowered:
.L_overlay_start_1:
0x0: {  	(tag) =	ssettag $0x1  }
0x1: {  	s0 =	rddreg [dreg:$0x0]  }
0x2: {  	s1 =	rddreg [dreg:$0x1];
	s2 =	simm.s32 $0x0  }
0x3: {  	s3 =	srdreg.scid;
	s16 =	stileid.u32;
	s12 =	simm.s32 $0x7  }
0x4: {  	s13 =	simm.s32 $0x400;
	s22 =	simm.s32 $0x100;
	s15 =	simm.s32 $0x80  }
0x5: {  	s23 =	simm.s32 $0x200;
	s24 =	simm.s32 $0x180;
	s25 =	simm.s32 $0x300  }
0x6: {  	s26 =	simm.s32 $0x280;
	s28 =	simm.s32 $0x600;
	s29 =	simm.s32 $0x580  }
0x7: {  	s30 =	simm.s32 $0x700;
	s31 =	simm.s32 $0x680;
	[smem:$0x7FF] =	sst s2  }
0x8: {  	s3 =	sand.u32 $0x1, s3;
	s5 =	sadd.s32 $0x52000, s0;
	s6 =	smul.u32 $0x50000, s16  }
0x9: {  	s8 =	smul.u32 $0x2800, s16;
	_ =	strace $0x8000004A;
	[dreg:$0x3] =	wrdreg s22  }
0xa: {  	s7 =	smul.u32 $0x5000, s16;
	s19 =	sshll.u32 s16, $0x6;
	[dreg:$0x4] =	wrdreg s23  }
0xb: {  	s10 =	smul.u32 $0xA00, s16;
	s16 =	simm.s32 $0x800;
	[dreg:$0x5] =	wrdreg s24  }
0xc: {  	s4 =	smul.u32 $0x28000, s3;
	s3 =	ssub.s32 $0x2, s3;
	[dreg:$0x6] =	wrdreg s25  }
0xd: {  	[dreg:$0x7] =	wrdreg s26;
	s22 =	simm.s32 $0x2;
	s23 =	simm.s32 $0x380  }
0xe: {  	s25 =	simm.s32 $0x500;
	s26 =	simm.s32 $0x480;
	s17 =	sshrl.u32 s3, $0x1  }
0xf: {  	s6 =	sshrl.u32 s6, $0x2;
	s7 =	sshrl.u32 s7, $0x3;
	s10 =	sadd.s32 s10, s5  }
0x10: {  	s0 =	sadd.s32 s4, s0;
	s3 =	ssub.s32 s3, s17;
	s9 =	sadd.s32 s6, s1  }
0x11: {  	s6 =	sor.u32 $0x1C07, s19;
	s7 =	sadd.s32 s5, s7;
	s17 =	simm.s32 $0x4800  }
0x12: {  	s19 =	simm.s32 $0x5;
	s4 =	sadd.s32 $0x1600, s0;
	[dreg:$0x9] =	wrdreg s7  }
0x13: {  	s20 =	sadd.s32 $0x80, s7;
	s0 =	sadd.s32 $0x5C000, s0;
	s21 =	smax.u32 s3, $0x1  }
0x14: {  	s11 =	sshrl.u32 s9, $0x3;
	s3 =	simm.s32 $0x0;
	[dreg:$0xa] =	wrdreg s20  }
0x15: {  	s18 =	sadd.s32 s8, s4;
	[dreg:$0xb] =	wrdreg s21;
	s20 =	simm.s32 $0x4  }
0x16: {  	s21 =	simm.s32 $0x6;
	s0 =	sadd.s32 s8, s0;
	[dreg:$0x8] =	wrdreg s18  }
0x17: {  	s18 =	simm.s32 $0x3;
	[dreg:$0xc] =	wrdreg s0;
	s0 =	simm.s32 $0x780  }
.LBB2_1:
0x18: {  	s2 =	rddreg [dreg:$0x8]  }
0x19: {  	[spmem:s11], [sflag:s6] =	dma.local [hbm:s2], $0x2800  }
0x1a: {  	_ =	swait.ge [sflag:s12], $0x2800  }
0x1b: {  	[sflag:s12] =	ssyncset.done $0x0  }
0x1c: {  	s9 =	simm.s32 $0x0;
	s5 =	rddreg [dreg:$0x9];
	[sflag:s12] =	ssyncadd.s32 $0xFFFFD800  }
0x1d: {  	[tilespmem:s9], [sflag:$0x1] =	stream.linear.gather [hbm4b:s5+s9], $0x400, $0x38;
	[tilespmem:$0x1C800] =	vst v63  }
0x1e: {  	s14 =	rddreg [dreg:$0xa]  }
0x1f: {  	[tilespmem:s13], [sflag:$0x2] =	stream.linear.gather [hbm4b:s14+s9], $0x400, $0x38;
	[tilespmem:$0x1C800] =	vst v63  }
0x20: {  	s24 =	simm.s32 $0x1;
	[bflag:$0x0] =	sbarrier.arrive $0xFFFF  }
0x21: {  	_ =	swait.ge [sflag:s24], $0x400  }
0x22: {  	p0 =	por $0x1, $0x1;
	[sflag:s24] =	ssyncset.done $0x0  }
0x23: {  	s5 =	simm.s32 @!p0 $0x6;
	[sflag:s24] =	ssyncadd.s32 $0xFFFFFC00  }
0x24: {  	[tilespmem:s16], [sflag:$0x3] =	stream.indirect.gather [hbm4b:s4+s15], $0x80, s9, s15, $0xb8;
	[tilespmem:$0x1C800] =	vst v63  }
0x25: {  	_ =	swait.ge @!p0 [sflag:s5], $0x4000  }
0x26: {  	s8 =	simm.s32 @!p0 $0x400;
	s9 =	sadd.s32 @!p0 $0x0, s10;
	[sflag:s5] =	ssyncset.done @!p0 $0x0  }
0x27: {  	s7 =	simm.s32 @!p0 $0x0;
	[sflag:s5] =	ssyncadd.s32 @!p0 $0xFFFFC000;
	s5 =	sadd.s32 @!p0 $0x80, s9  }
0x28: {  	[tilespmem:s8], [sflag:$0x2] =	stream.linear.gather @!p0 [hbm4b:s5+s7], $0x400, $0x38;
	[tilespmem:$0x1C800] =	vst v63  }
0x29: {  	s2 =	rddreg [dreg:$0x3]  }
0x2a: {  	[tilespmem:s17], [sflag:$0x4] =	stream.indirect.gather [hbm4b:s4+s15], $0x80, s2, s15, $0xb8;
	[tilespmem:$0x1C800] =	vst v63  }
0x2b: {  	_ =	swait.ge [sflag:s18], $0x4000  }
0x2c: {  	[sflag:s18] =	ssyncset.done $0x0  }
0x2d: {  	[sflag:s18] =	ssyncadd.s32 $0xFFFFC000  }
0x2e: {  	[spmem:s1] =	stream.indirect.scatter.add.f32 [tilespmem:s16], [sflag:$0x5], $0x80, s15, s15, $0xb8;
	[tilespmem:$0x1C800] =	vst v63  }
0x2f: {  	_ =	swait.ge [sflag:s19], $0x4000  }
0x30: {  	[sflag:s19] =	ssyncset.done $0x0  }
0x31: {  	s8 =	rddreg [dreg:$0x4];
	[sflag:s19] =	ssyncadd.s32 $0xFFFFC000  }
0x32: {  	[tilespmem:s16], [sflag:$0x3] =	stream.indirect.gather [hbm4b:s4+s15], $0x80, s8, s15, $0xb8;
	[tilespmem:$0x1C800] =	vst v63  }
0x33: {  	_ =	swait.ge [sflag:s20], $0x4000  }
0x34: {  	[sflag:s20] =	ssyncset.done $0x0  }
0x35: {  	s9 =	rddreg [dreg:$0x5];
	[sflag:s20] =	ssyncadd.s32 $0xFFFFC000  }
0x36: {  	[spmem:s1] =	stream.indirect.scatter.add.f32 [tilespmem:s17], [sflag:$0x6], $0x80, s9, s15, $0xb8;
	[tilespmem:$0x1C800] =	vst v63  }
0x37: {  	_ =	swait.ge [sflag:s21], $0x4000  }
0x38: {  	[sflag:s21] =	ssyncset.done $0x0  }
0x39: {  	s14 =	rddreg [dreg:$0x6];
	[sflag:s21] =	ssyncadd.s32 $0xFFFFC000  }
0x3a: {  	[tilespmem:s17], [sflag:$0x4] =	stream.indirect.gather [hbm4b:s4+s15], $0x80, s14, s15, $0xb8;
	[tilespmem:$0x1C800] =	vst v63  }
0x3b: {  	_ =	swait.ge [sflag:s18], $0x4000  }
0x3c: {  	[sflag:s18] =	ssyncset.done $0x0  }
0x3d: {  	s24 =	rddreg [dreg:$0x7];
	[sflag:s18] =	ssyncadd.s32 $0xFFFFC000  }
0x3e: {  	[spmem:s1] =	stream.indirect.scatter.add.f32 [tilespmem:s16], [sflag:$0x5], $0x80, s24, s15, $0xb8;
	[tilespmem:$0x1C800] =	vst v63  }
0x3f: {  	_ =	swait.ge [sflag:s19], $0x4000  }
0x40: {  	[sflag:s19] =	ssyncset.done $0x0  }
0x41: {  	[sflag:s19] =	ssyncadd.s32 $0xFFFFC000  }
0x42: {  	_ =	swait.ge [sflag:s22], $0x400  }
0x43: {  	[sflag:s22] =	ssyncset.done $0x0  }
0x44: {  	[sflag:s22] =	ssyncadd.s32 $0xFFFFFC00  }
0x45: {  	[tilespmem:s16], [sflag:$0x3] =	stream.indirect.gather [hbm4b:s4+s15], $0x80, s13, s15, $0xb8;
	[tilespmem:$0x1C800] =	vst v63  }
0x46: {  	_ =	swait.ge [sflag:s20], $0x4000  }
0x47: {  	[sflag:s20] =	ssyncset.done $0x0  }
0x48: {  	[sflag:s20] =	ssyncadd.s32 $0xFFFFC000  }
0x49: {  	[spmem:s1] =	stream.indirect.scatter.add.f32 [tilespmem:s17], [sflag:$0x6], $0x80, s23, s15, $0xb8;
	[tilespmem:$0x1C800] =	vst v63  }
0x4a: {  	p0 =	por $0x0, $0x0;
	_ =	swait.ge [sflag:s21], $0x4000  }
0x4b: {  	s5 =	sadd.s32 @!p0 $0x0, s10;
	[sflag:s21] =	ssyncset.done $0x0  }
0x4c: {  	s7 =	simm.s32 @!p0 $0x0;
	s5 =	sadd.s32 @!p0 $0x100, s5;
	[sflag:s21] =	ssyncadd.s32 $0xFFFFC000  }
0x4d: {  	[tilespmem:s7], [sflag:$0x1] =	stream.linear.gather @!p0 [hbm4b:s5+s7], $0x400, $0x38;
	[tilespmem:$0x1C800] =	vst v63  }
0x4e: {  	_ = 	snop  }
0x4f: {  	[tilespmem:s17], [sflag:$0x4] =	stream.indirect.gather [hbm4b:s4+s15], $0x80, s25, s15, $0xb8;
	[tilespmem:$0x1C800] =	vst v63  }
0x50: {  	_ =	swait.ge [sflag:s18], $0x4000  }
0x51: {  	[sflag:s18] =	ssyncset.done $0x0  }
0x52: {  	[sflag:s18] =	ssyncadd.s32 $0xFFFFC000  }
0x53: {  	[spmem:s1] =	stream.indirect.scatter.add.f32 [tilespmem:s16], [sflag:$0x5], $0x80, s26, s15, $0xb8;
	[tilespmem:$0x1C800] =	vst v63  }
0x54: {  	_ =	swait.ge [sflag:s19], $0x4000  }
0x55: {  	[sflag:s19] =	ssyncset.done $0x0  }
0x56: {  	[sflag:s19] =	ssyncadd.s32 $0xFFFFC000  }
0x57: {  	[tilespmem:s16], [sflag:$0x3] =	stream.indirect.gather [hbm4b:s4+s15], $0x80, s28, s15, $0xb8;
	[tilespmem:$0x1C800] =	vst v63  }
0x58: {  	_ =	swait.ge [sflag:s20], $0x4000  }
0x59: {  	[sflag:s20] =	ssyncset.done $0x0  }
0x5a: {  	[sflag:s20] =	ssyncadd.s32 $0xFFFFC000  }
0x5b: {  	[spmem:s1] =	stream.indirect.scatter.add.f32 [tilespmem:s17], [sflag:$0x6], $0x80, s29, s15, $0xb8;
	[tilespmem:$0x1C800] =	vst v63  }
0x5c: {  	_ =	swait.ge [sflag:s21], $0x4000  }
0x5d: {  	[sflag:s21] =	ssyncset.done $0x0  }
0x5e: {  	[sflag:s21] =	ssyncadd.s32 $0xFFFFC000  }
0x5f: {  	[tilespmem:s17], [sflag:$0x4] =	stream.indirect.gather [hbm4b:s4+s15], $0x80, s30, s15, $0xb8;
	[tilespmem:$0x1C800] =	vst v63  }
0x60: {  	_ =	swait.ge [sflag:s18], $0x4000  }
0x61: {  	[sflag:s18] =	ssyncset.done $0x0  }
0x62: {  	[sflag:s18] =	ssyncadd.s32 $0xFFFFC000  }
0x63: {  	[spmem:s1] =	stream.indirect.scatter.add.f32 [tilespmem:s16], [sflag:$0x5], $0x80, s31, s15, $0xb8;
	[tilespmem:$0x1C800] =	vst v63  }
0x64: {  	_ =	swait.ge [sflag:s19], $0x4000  }
0x65: {  	[sflag:s19] =	ssyncset.done $0x0  }
0x66: {  	s5 =	simm.s32 @!p0 $0x1;
	[sflag:s19] =	ssyncadd.s32 $0xFFFFC000  }
0x67: {  	_ =	swait.ge @!p0 [sflag:s5], $0x400  }
0x68: {  	[sflag:s5] =	ssyncset.done @!p0 $0x0  }
0x69: {  	s8 =	simm.s32 @!p0 $0x800;
	[sflag:s5] =	ssyncadd.s32 @!p0 $0xFFFFFC00;
	s5 =	simm.s32 @!p0 $0x80  }
0x6a: {  	[tilespmem:s8], [sflag:$0x3] =	stream.indirect.gather @!p0 [hbm4b:s4+s5], $0x80, s7, s5, $0xb8;
	[tilespmem:$0x1C800] =	vst v63  }
0x6b: {  	p1 =	por $0x0, $0x0;
	_ =	swait.ge [sflag:s20], $0x4000  }
0x6c: {  	s5 =	simm.s32 $0x100;
	s8 =	simm.s32 $0x200;
	[sflag:s20] =	ssyncset.done $0x0  }
.LBB2_2:
0x6d: {  	s7 =	simm.s32 @!p1 $0x6;
	[sflag:s20] =	ssyncadd.s32 $0xFFFFC000  }
0x6e: {  	[spmem:s1] =	stream.indirect.scatter.add.f32 [tilespmem:s17], [sflag:$0x6], $0x80, s0, s15, $0xb8;
	[tilespmem:$0x1C800] =	vst v63  }
0x6f: {  	_ =	swait.ge @!p1 [sflag:s7], $0x4000  }
0x70: {  	s24 =	simm.s32 @!p1 $0x400;
	s2 =	sadd.s32 @!p1 s5, s10;
	[sflag:s7] =	ssyncset.done @!p1 $0x0  }
0x71: {  	s14 =	simm.s32 @!p1 $0x0;
	s2 =	sadd.s32 @!p1 $0x80, s2;
	[sflag:s7] =	ssyncadd.s32 @!p1 $0xFFFFC000  }
0x72: {  	[tilespmem:s24], [sflag:$0x2] =	stream.linear.gather @!p1 [hbm4b:s2+s14], $0x400, $0x38;
	[tilespmem:$0x1C800] =	vst v63  }
0x73: {  	s7 =	rddreg [dreg:$0x3]  }
0x74: {  	[tilespmem:s17], [sflag:$0x4] =	stream.indirect.gather [hbm4b:s4+s15], $0x80, s7, s15, $0xb8;
	[tilespmem:$0x1C800] =	vst v63  }
0x75: {  	_ =	swait.ge [sflag:s18], $0x4000  }
0x76: {  	[sflag:s18] =	ssyncset.done $0x0  }
0x77: {  	[sflag:s18] =	ssyncadd.s32 $0xFFFFC000  }
0x78: {  	[spmem:s1] =	stream.indirect.scatter.add.f32 [tilespmem:s16], [sflag:$0x5], $0x80, s15, s15, $0xb8;
	[tilespmem:$0x1C800] =	vst v63  }
0x79: {  	_ =	swait.ge [sflag:s19], $0x4000  }
0x7a: {  	[sflag:s19] =	ssyncset.done $0x0  }
0x7b: {  	s24 =	rddreg [dreg:$0x4];
	[sflag:s19] =	ssyncadd.s32 $0xFFFFC000  }
0x7c: {  	[tilespmem:s16], [sflag:$0x3] =	stream.indirect.gather [hbm4b:s4+s15], $0x80, s24, s15, $0xb8;
	[tilespmem:$0x1C800] =	vst v63  }
0x7d: {  	_ =	swait.ge [sflag:s20], $0x4000  }
0x7e: {  	[sflag:s20] =	ssyncset.done $0x0  }
0x7f: {  	s7 =	rddreg [dreg:$0x5];
	[sflag:s20] =	ssyncadd.s32 $0xFFFFC000  }
0x80: {  	[spmem:s1] =	stream.indirect.scatter.add.f32 [tilespmem:s17], [sflag:$0x6], $0x80, s7, s15, $0xb8;
	[tilespmem:$0x1C800] =	vst v63  }
0x81: {  	_ =	swait.ge [sflag:s21], $0x4000  }
0x82: {  	[sflag:s21] =	ssyncset.done $0x0  }
0x83: {  	s14 =	rddreg [dreg:$0x6];
	[sflag:s21] =	ssyncadd.s32 $0xFFFFC000  }
0x84: {  	[tilespmem:s17], [sflag:$0x4] =	stream.indirect.gather [hbm4b:s4+s15], $0x80, s14, s15, $0xb8;
	[tilespmem:$0x1C800] =	vst v63  }
0x85: {  	_ =	swait.ge [sflag:s18], $0x4000  }
0x86: {  	[sflag:s18] =	ssyncset.done $0x0  }
0x87: {  	s24 =	rddreg [dreg:$0x7];
	[sflag:s18] =	ssyncadd.s32 $0xFFFFC000  }
0x88: {  	[spmem:s1] =	stream.indirect.scatter.add.f32 [tilespmem:s16], [sflag:$0x5], $0x80, s24, s15, $0xb8;
	[tilespmem:$0x1C800] =	vst v63  }
0x89: {  	_ =	swait.ge [sflag:s19], $0x4000  }
0x8a: {  	[sflag:s19] =	ssyncset.done $0x0  }
0x8b: {  	[sflag:s19] =	ssyncadd.s32 $0xFFFFC000  }
0x8c: {  	_ =	swait.ge [sflag:s22], $0x400  }
0x8d: {  	[sflag:s22] =	ssyncset.done $0x0  }
0x8e: {  	[sflag:s22] =	ssyncadd.s32 $0xFFFFFC00  }
0x8f: {  	[tilespmem:s16], [sflag:$0x3] =	stream.indirect.gather [hbm4b:s4+s15], $0x80, s13, s15, $0xb8;
	[tilespmem:$0x1C800] =	vst v63  }
0x90: {  	_ =	swait.ge [sflag:s20], $0x4000  }
0x91: {  	[sflag:s20] =	ssyncset.done $0x0  }
0x92: {  	[sflag:s20] =	ssyncadd.s32 $0xFFFFC000  }
0x93: {  	[spmem:s1] =	stream.indirect.scatter.add.f32 [tilespmem:s17], [sflag:$0x6], $0x80, s23, s15, $0xb8;
	[tilespmem:$0x1C800] =	vst v63  }
0x94: {  	p1 =	seq.s32 s5, $0x900;
	_ =	swait.ge [sflag:s21], $0x4000  }
0x95: {  	s2 =	sadd.s32 @!p1 s5, s10;
	[sflag:s21] =	ssyncset.done $0x0  }
0x96: {  	s2 =	sadd.s32 @!p1 $0x100, s2;
	s7 =	simm.s32 @!p1 $0x0;
	[sflag:s21] =	ssyncadd.s32 $0xFFFFC000  }
0x97: {  	[tilespmem:s7], [sflag:$0x1] =	stream.linear.gather @!p1 [hbm4b:s2+s7], $0x400, $0x38;
	[tilespmem:$0x1C800] =	vst v63  }
0x98: {  	_ = 	snop  }
0x99: {  	[tilespmem:s17], [sflag:$0x4] =	stream.indirect.gather [hbm4b:s4+s15], $0x80, s25, s15, $0xb8;
	[tilespmem:$0x1C800] =	vst v63  }
0x9a: {  	_ =	swait.ge [sflag:s18], $0x4000  }
0x9b: {  	[sflag:s18] =	ssyncset.done $0x0  }
0x9c: {  	[sflag:s18] =	ssyncadd.s32 $0xFFFFC000  }
0x9d: {  	[spmem:s1] =	stream.indirect.scatter.add.f32 [tilespmem:s16], [sflag:$0x5], $0x80, s26, s15, $0xb8;
	[tilespmem:$0x1C800] =	vst v63  }
0x9e: {  	_ =	swait.ge [sflag:s19], $0x4000  }
0x9f: {  	[sflag:s19] =	ssyncset.done $0x0  }
0xa0: {  	[sflag:s19] =	ssyncadd.s32 $0xFFFFC000  }
0xa1: {  	[tilespmem:s16], [sflag:$0x3] =	stream.indirect.gather [hbm4b:s4+s15], $0x80, s28, s15, $0xb8;
	[tilespmem:$0x1C800] =	vst v63  }
0xa2: {  	_ =	swait.ge [sflag:s20], $0x4000  }
0xa3: {  	[sflag:s20] =	ssyncset.done $0x0  }
0xa4: {  	[sflag:s20] =	ssyncadd.s32 $0xFFFFC000  }
0xa5: {  	[spmem:s1] =	stream.indirect.scatter.add.f32 [tilespmem:s17], [sflag:$0x6], $0x80, s29, s15, $0xb8;
	[tilespmem:$0x1C800] =	vst v63  }
0xa6: {  	_ =	swait.ge [sflag:s21], $0x4000  }
0xa7: {  	[sflag:s21] =	ssyncset.done $0x0  }
0xa8: {  	[sflag:s21] =	ssyncadd.s32 $0xFFFFC000  }
0xa9: {  	[tilespmem:s17], [sflag:$0x4] =	stream.indirect.gather [hbm4b:s4+s15], $0x80, s30, s15, $0xb8;
	[tilespmem:$0x1C800] =	vst v63  }
0xaa: {  	_ =	swait.ge [sflag:s18], $0x4000  }
0xab: {  	[sflag:s18] =	ssyncset.done $0x0  }
0xac: {  	[sflag:s18] =	ssyncadd.s32 $0xFFFFC000  }
0xad: {  	[spmem:s1] =	stream.indirect.scatter.add.f32 [tilespmem:s16], [sflag:$0x5], $0x80, s31, s15, $0xb8;
	[tilespmem:$0x1C800] =	vst v63  }
0xae: {  	_ =	swait.ge [sflag:s19], $0x4000  }
0xaf: {  	s9 =	smov.u32 s8;
	[sflag:s19] =	ssyncset.done $0x0  }
0xb0: {  	s8 =	sadd.s32 $0x100, s8;
	s2 =	simm.s32 @!p1 $0x1;
	[sflag:s19] =	ssyncadd.s32 $0xFFFFC000  }
0xb1: {  	p0 =	sne.s32 s8, $0xA00;
	_ =	swait.ge @!p1 [sflag:s2], $0x400  }
.Ltmp0:
0xb2: {  	s5 =	smov.u32 s9;
	[sflag:s2] =	ssyncset.done @!p1 $0x0;
	(pc) =	sbr.rel @p0 .LBB2_2-.Ltmp0, $4  }
0xb3: {  	s9 =	simm.s32 @!p1 $0x800;
	[sflag:s2] =	ssyncadd.s32 @!p1 $0xFFFFFC00;
	s2 =	simm.s32 @!p1 $0x80  }
0xb4: {  	[tilespmem:s9], [sflag:$0x3] =	stream.indirect.gather @!p1 [hbm4b:s4+s2], $0x80, s7, s2, $0xb8;
	[tilespmem:$0x1C800] =	vst v63  }
0xb5: {  	_ =	swait.ge [sflag:s20], $0x4000  }
0xb6: {  	p1 =	seq.s32 s5, $0x0;
	[sflag:s20] =	ssyncset.done $0x0  }
0xb7: {  	s2 =	simm.s32 @!p1 $0x6;
	[sflag:s20] =	ssyncadd.s32 $0xFFFFC000  }
0xb8: {  	[spmem:s1] =	stream.indirect.scatter.add.f32 [tilespmem:s17], [sflag:$0x6], $0x80, s0, s15, $0xb8;
	[tilespmem:$0x1C800] =	vst v63  }
0xb9: {  	_ =	swait.ge @!p1 [sflag:s2], $0x4000  }
0xba: {  	s7 =	simm.s32 @!p1 $0x400;
	s8 =	sadd.s32 @!p1 s5, s10;
	[sflag:s2] =	ssyncset.done @!p1 $0x0  }
0xbb: {  	s9 =	simm.s32 @!p1 $0x0;
	[sflag:s2] =	ssyncadd.s32 @!p1 $0xFFFFC000;
	s2 =	sadd.s32 @!p1 $0x80, s8  }
0xbc: {  	[tilespmem:s7], [sflag:$0x2] =	stream.linear.gather @!p1 [hbm4b:s2+s9], $0x400, $0x38;
	[tilespmem:$0x1C800] =	vst v63  }
0xbd: {  	s14 =	rddreg [dreg:$0x3]  }
0xbe: {  	[tilespmem:s17], [sflag:$0x4] =	stream.indirect.gather [hbm4b:s4+s15], $0x80, s14, s15, $0xb8;
	[tilespmem:$0x1C800] =	vst v63  }
0xbf: {  	_ =	swait.ge [sflag:s18], $0x4000  }
0xc0: {  	[sflag:s18] =	ssyncset.done $0x0  }
0xc1: {  	[sflag:s18] =	ssyncadd.s32 $0xFFFFC000  }
0xc2: {  	[spmem:s1] =	stream.indirect.scatter.add.f32 [tilespmem:s16], [sflag:$0x5], $0x80, s15, s15, $0xb8;
	[tilespmem:$0x1C800] =	vst v63  }
0xc3: {  	_ =	swait.ge [sflag:s19], $0x4000  }
0xc4: {  	[sflag:s19] =	ssyncset.done $0x0  }
0xc5: {  	s24 =	rddreg [dreg:$0x4];
	[sflag:s19] =	ssyncadd.s32 $0xFFFFC000  }
0xc6: {  	[tilespmem:s16], [sflag:$0x3] =	stream.indirect.gather [hbm4b:s4+s15], $0x80, s24, s15, $0xb8;
	[tilespmem:$0x1C800] =	vst v63  }
0xc7: {  	_ =	swait.ge [sflag:s20], $0x4000  }
0xc8: {  	[sflag:s20] =	ssyncset.done $0x0  }
0xc9: {  	s7 =	rddreg [dreg:$0x5];
	[sflag:s20] =	ssyncadd.s32 $0xFFFFC000  }
0xca: {  	[spmem:s1] =	stream.indirect.scatter.add.f32 [tilespmem:s17], [sflag:$0x6], $0x80, s7, s15, $0xb8;
	[tilespmem:$0x1C800] =	vst v63  }
0xcb: {  	_ =	swait.ge [sflag:s21], $0x4000  }
0xcc: {  	[sflag:s21] =	ssyncset.done $0x0  }
0xcd: {  	s8 =	rddreg [dreg:$0x6];
	[sflag:s21] =	ssyncadd.s32 $0xFFFFC000  }
0xce: {  	[tilespmem:s17], [sflag:$0x4] =	stream.indirect.gather [hbm4b:s4+s15], $0x80, s8, s15, $0xb8;
	[tilespmem:$0x1C800] =	vst v63  }
0xcf: {  	_ =	swait.ge [sflag:s18], $0x4000  }
0xd0: {  	[sflag:s18] =	ssyncset.done $0x0  }
0xd1: {  	s9 =	rddreg [dreg:$0x7];
	[sflag:s18] =	ssyncadd.s32 $0xFFFFC000  }
0xd2: {  	[spmem:s1] =	stream.indirect.scatter.add.f32 [tilespmem:s16], [sflag:$0x5], $0x80, s9, s15, $0xb8;
	[tilespmem:$0x1C800] =	vst v63  }
0xd3: {  	_ =	swait.ge [sflag:s19], $0x4000  }
0xd4: {  	[sflag:s19] =	ssyncset.done $0x0  }
0xd5: {  	[sflag:s19] =	ssyncadd.s32 $0xFFFFC000  }
0xd6: {  	_ =	swait.ge [sflag:s22], $0x400  }
0xd7: {  	[sflag:s22] =	ssyncset.done $0x0  }
0xd8: {  	[sflag:s22] =	ssyncadd.s32 $0xFFFFFC00  }
0xd9: {  	[tilespmem:s16], [sflag:$0x3] =	stream.indirect.gather [hbm4b:s4+s15], $0x80, s13, s15, $0xb8;
	[tilespmem:$0x1C800] =	vst v63  }
0xda: {  	_ =	swait.ge [sflag:s20], $0x4000  }
0xdb: {  	[sflag:s20] =	ssyncset.done $0x0  }
0xdc: {  	[sflag:s20] =	ssyncadd.s32 $0xFFFFC000  }
0xdd: {  	[spmem:s1] =	stream.indirect.scatter.add.f32 [tilespmem:s17], [sflag:$0x6], $0x80, s23, s15, $0xb8;
	[tilespmem:$0x1C800] =	vst v63  }
0xde: {  	p0 =	seq.s32 s5, $0x900;
	_ =	swait.ge [sflag:s21], $0x4000  }
0xdf: {  	s2 =	sadd.s32 @!p0 s5, s10;
	[sflag:s21] =	ssyncset.done $0x0  }
0xe0: {  	s5 =	simm.s32 @!p0 $0x0;
	s2 =	sadd.s32 @!p0 $0x100, s2;
	[sflag:s21] =	ssyncadd.s32 $0xFFFFC000  }
0xe1: {  	[tilespmem:s5], [sflag:$0x1] =	stream.linear.gather @!p0 [hbm4b:s2+s5], $0x400, $0x38;
	[tilespmem:$0x1C800] =	vst v63  }
0xe2: {  	_ = 	snop  }
0xe3: {  	[tilespmem:s17], [sflag:$0x4] =	stream.indirect.gather [hbm4b:s4+s15], $0x80, s25, s15, $0xb8;
	[tilespmem:$0x1C800] =	vst v63  }
0xe4: {  	_ =	swait.ge [sflag:s18], $0x4000  }
0xe5: {  	[sflag:s18] =	ssyncset.done $0x0  }
0xe6: {  	[sflag:s18] =	ssyncadd.s32 $0xFFFFC000  }
0xe7: {  	[spmem:s1] =	stream.indirect.scatter.add.f32 [tilespmem:s16], [sflag:$0x5], $0x80, s26, s15, $0xb8;
	[tilespmem:$0x1C800] =	vst v63  }
0xe8: {  	_ =	swait.ge [sflag:s19], $0x4000  }
0xe9: {  	[sflag:s19] =	ssyncset.done $0x0  }
0xea: {  	[sflag:s19] =	ssyncadd.s32 $0xFFFFC000  }
0xeb: {  	[tilespmem:s16], [sflag:$0x3] =	stream.indirect.gather [hbm4b:s4+s15], $0x80, s28, s15, $0xb8;
	[tilespmem:$0x1C800] =	vst v63  }
0xec: {  	_ =	swait.ge [sflag:s20], $0x4000  }
0xed: {  	[sflag:s20] =	ssyncset.done $0x0  }
0xee: {  	[sflag:s20] =	ssyncadd.s32 $0xFFFFC000  }
0xef: {  	[spmem:s1] =	stream.indirect.scatter.add.f32 [tilespmem:s17], [sflag:$0x6], $0x80, s29, s15, $0xb8;
	[tilespmem:$0x1C800] =	vst v63  }
0xf0: {  	_ =	swait.ge [sflag:s21], $0x4000  }
0xf1: {  	[sflag:s21] =	ssyncset.done $0x0  }
0xf2: {  	[sflag:s21] =	ssyncadd.s32 $0xFFFFC000  }
0xf3: {  	[tilespmem:s17], [sflag:$0x4] =	stream.indirect.gather [hbm4b:s4+s15], $0x80, s30, s15, $0xb8;
	[tilespmem:$0x1C800] =	vst v63  }
0xf4: {  	_ =	swait.ge [sflag:s18], $0x4000  }
0xf5: {  	[sflag:s18] =	ssyncset.done $0x0  }
0xf6: {  	[sflag:s18] =	ssyncadd.s32 $0xFFFFC000  }
0xf7: {  	[spmem:s1] =	stream.indirect.scatter.add.f32 [tilespmem:s16], [sflag:$0x5], $0x80, s31, s15, $0xb8;
	[tilespmem:$0x1C800] =	vst v63  }
0xf8: {  	_ =	swait.ge [sflag:s19], $0x4000  }
0xf9: {  	[sflag:s19] =	ssyncset.done $0x0  }
0xfa: {  	s2 =	simm.s32 @!p0 $0x1;
	[sflag:s19] =	ssyncadd.s32 $0xFFFFC000  }
0xfb: {  	_ =	swait.ge @!p0 [sflag:s2], $0x400  }
0xfc: {  	[sflag:s2] =	ssyncset.done @!p0 $0x0  }
0xfd: {  	s7 =	simm.s32 @!p0 $0x800;
	[sflag:s2] =	ssyncadd.s32 @!p0 $0xFFFFFC00;
	s2 =	simm.s32 @!p0 $0x80  }
0xfe: {  	[tilespmem:s7], [sflag:$0x3] =	stream.indirect.gather @!p0 [hbm4b:s4+s2], $0x80, s5, s2, $0xb8;
	[tilespmem:$0x1C800] =	vst v63  }
0xff: {  	_ =	swait.ge [sflag:s20], $0x4000  }
0x100: {  	[sflag:s20] =	ssyncset.done $0x0  }
0x101: {  	[sflag:s20] =	ssyncadd.s32 $0xFFFFC000  }
0x102: {  	[spmem:s1] =	stream.indirect.scatter.add.f32 [tilespmem:s17], [sflag:$0x6], $0x80, s0, s15, $0xb8;
	[tilespmem:$0x1C800] =	vst v63  }
0x103: {  	_ =	swait.ge [sflag:s21], $0x4000  }
0x104: {  	[sflag:s21] =	ssyncset.done $0x0  }
0x105: {  	[sflag:s21] =	ssyncadd.s32 $0xFFFFC000  }
0x106: {  	[bflag:$0x0] =	sbarrier.arrive $0xFFFF  }
0x107: {  	s14 =	rddreg [dreg:$0xc]  }
0x108: {  	[hbm:s14], [sflag:s6] =	dma.local [spmem:s11], $0x2800  }
0x109: {  	_ =	swait.ge [sflag:s12], $0x2800  }
0x10a: {  	s3 =	sadd.s32 $0x1, s3;
	s24 =	rddreg [dreg:$0xb]  }
0x10b: {  	p0 =	sne.s32 s3, s24  }
.Ltmp1:
0x10c: {  	_ = 	snop;
	(pc) =	sbr.rel @p0 .LBB2_1-.Ltmp1, $3  }
0x10d: {  	_ =	sdelay $0x1  }
0x10e: {  	[sflag:s12] =	ssyncset.done $0x0  }
0x10f: {  	[sflag:s12] =	ssyncadd.s32 $0xFFFFD800  }
0x110: {  	_ =	sfence.sel $0x180000  }
0x111: {  	[bflag:$0x0] =	sbarrier.arrive $0xFFFF  }
0x112: {  	_ =	strace $0x9000004A  }
0x113: {  	s0 =	stileid.u32;
	[bflag:$0x2] =	sbarrier.arrive $0xFFFF  }
0x114: {  	p0 =	sne.s32 s0, $0x0;
	s0 =	rddreg [dreg:$0x2]  }
0x115: {  	s0 =	sadd.s32 @!p0 $0x100000, s0  }
0x116: {  	[sflag:s0] =	ssyncadd.tile.s32 @!p0 $0x1;
	_ =	shalt  }
.Lfunc_end2:
_tile_overlayer_lowered:
.L_overlay_start_2:
0x117: {  	(tag) =	ssettag $0x2  }
0x118: {  	s0 =	rddreg [dreg:$0x0];
	s2 =	stileid.u32  }
0x119: {  	s1 =	rddreg [dreg:$0x1];
	p0 =	sne.s32 s2, $0x0  }
0x11a: {  	s3 =	rddreg [dreg:$0x2];
	[bflag:$0x3] =	sbarrier.arrive $0xFFFF;
	s2 =	simm.s32 @!p0 $0x1C07  }
0x11b: {  	[timem:s3], [sflag:s2] =	dma.local @!p0 [hbm:s0], s1  }
0x11c: {  	s0 =	simm.s32 @!p0 $0x7  }
0x11d: {  	_ =	swait.ge @!p0 [sflag:s0], s1  }
0x11e: {  	s1 =	ssub.s32 @!p0 $0x0, s1;
	[sflag:s0] =	ssyncset.done @!p0 $0x0  }
0x11f: {  	[sflag:s0] =	ssyncadd.s32 @!p0 s1  }
0x120: {  	[bflag:$0x3] =	sbarrier.arrive $0xFFFF  }
0x121: {  	_ =	shalt  }

// kernel: kernel.14.cloned.1.call-start
scs
__scs_entry_jumppad:
0x0: {  	(pc) =	sbr.rel $0x88, $3  }
0x1: {  	(tag) =	ssettag $0x0;
	lr =	simm.s32 $0x1  }
0x2: {  	[smem:$0x3F9B] =	sst lr;
	_ =	strace $0xD0000000  }
0x3: {  	_ = 	snop  }
0x4: {  	_ = 	snop  }
0x5: {  	_ = 	snop  }
0x6: {  	_ = 	snop  }
0x7: {  	_ = 	snop  }
__scs_overlays_trampoline_lowered:
0x8: {  	[smem:$0x3FAA] =	sst s0  }
0x9: {  	[smem:$0x3FAB] =	sst s1  }
0xa: {  	[smem:$0x3FAC] =	sst s2  }
0xb: {  	[smem:$0x3FAD] =	sst s3  }
0xc: {  	[smem:$0x3FAE] =	sst s4  }
0xd: {  	[smem:$0x3FAF] =	sst s5  }
0xe: {  	[smem:$0x3FB0] =	sst s6  }
0xf: {  	[smem:$0x3FB1] =	sst s7  }
0x10: {  	[smem:$0x3FB2] =	sst s8  }
0x11: {  	[smem:$0x3FB3] =	sst s9;
	s0 =	simm.s32 @!p0 $0x0  }
0x12: {  	s1 =	sld [smem:$0x3F99];
	s0 =	simm.s32 @p0 $0x1  }
0x13: {  	[smem:$0x3FB4] =	sst s0;
	s0 =	simm.s32 @!p1 $0x0  }
0x14: {  	s2 =	sld [smem:$0x3F98];
	s0 =	simm.s32 @p1 $0x1  }
0x15: {  	[smem:$0x3FB5] =	sst s0;
	s0 =	simm.s32 @!p2 $0x0  }
0x16: {  	s3 =	sld [smem:$0x3FDB];
	s0 =	simm.s32 @p2 $0x1  }
0x17: {  	s4 =	simm.s32 $0x1BF5;
	[smem:$0x3FB7] =	sst s0  }
0x18: {  	s0 =	sld [smem:$0x3F9A];
	_ =	swait.ge [sflag:s4], $0x0  }
0x19: {  	s7 =	sld [smem:$0x3F9B]  }
0x1a: {  	s8 =	sadd.s32 $0xFFFFE003, lr  }
0x1b: {  	s9 =	sadd.s32 $0xFFFFFEF7, lr;
	s5 =	simm.s32 $0xFFFFFFFF;
	p2 =	slt.u32 s8, $0xFFFFF086  }
0x1c: {  	p1 =	slt.u32 s9, $0xF7A;
	s5 =	simm.s32 @!p2 $0x0  }
0x1d: {  	s5 =	simm.s32 @p1 $0x1;
	p0 =	seq.s32 s7, s2  }
0x1e: {  	s7 =	smul.u32 @!p0 $0xF7A, s2;
	p2 =	seq.s32 @!p0 s5, $0x0  }
0x1f: {  	s9 =	smul.u32 $0xF7A, s1;
	s8 =	simm.s32 @!p0 $0x1BF5;
	p2 =	por !p2, p0  }
0x20: {  	[sflag:s8] =	ssyncset.s32 @!p0 $0xFFFFF086;
	s6 =	sadd.s32 @!p0 s3, s7;
	s7 =	simm.s32 @!p0 $0x108  }
0x21: {  	s3 =	sadd.s32 s3, s9;
	s6 =	sadd.s32 @!p0 $0x88, s6;
	s7 =	simm.s32 @p2 $0x1082  }
0x22: {  	[simem:s7], [sflag:s8] =	dma.local @!p0 [hbm:s6], $0xF7A  }
0x23: {  	s9 =	sor.u32 $0xD0000000, s2;
	s6 =	simm.s32 $0x108;
	_ =	swait.ge @!p0 [sflag:s8], $0x0  }
0x24: {  	s3 =	sadd.s32 $0x88, s3;
	s6 =	simm.s32 @!p1 $0x1082;
	[sflag:s4] =	ssyncset.s32 $0xFFFFF086  }
0x25: {  	[simem:s6], [sflag:s4] =	dma.local [hbm:s3], $0xF7A  }
0x26: {  	[smem:$0x3F9B] =	sst s1;
	(tag) =	ssettag s2;
	_ =	strace s9  }
0x27: {  	s1 =	sld [smem:$0x3FAB]  }
0x28: {  	s2 =	sld [smem:$0x3FAC]  }
0x29: {  	s4 =	sld [smem:$0x3FAE]  }
0x2a: {  	p0 =	seq.s32 s5, $0x0;
	s5 =	sld [smem:$0x3FAF]  }
0x2b: {  	s6 =	sld [smem:$0x3FB0]  }
0x2c: {  	s7 =	sld [smem:$0x3FB1]  }
0x2d: {  	s3 =	simm.s32 $0x108;
	s8 =	sld [smem:$0x3FB2]  }
0x2e: {  	s3 =	simm.s32 @!p0 $0x1082;
	s9 =	sld [smem:$0x3FB3]  }
0x2f: {  	lr =	sadd.s32 s0, s3;
	s0 =	sld [smem:$0x3FAA]  }
0x30: {  	s3 =	sld [smem:$0x3FAD]  }
0x31: {  	[smem:$0x3FB6] =	sst s10  }
0x32: {  	s10 =	sld [smem:$0x3FB4];
	_ =	sdelay $0x3  }
0x33: {  	p0 =	seq.s32 s10, $0x1;
	s10 =	sld [smem:$0x3FB6];
	_ =	sdelay $0x3  }
0x34: {  	[smem:$0x3FB6] =	sst s10  }
0x35: {  	s10 =	sld [smem:$0x3FB5];
	_ =	sdelay $0x3  }
0x36: {  	p1 =	seq.s32 s10, $0x1;
	s10 =	sld [smem:$0x3FB6];
	_ =	sdelay $0x3  }
0x37: {  	[smem:$0x3FB6] =	sst s10  }
0x38: {  	s10 =	sld [smem:$0x3FB7]  }
0x39: {  	_ = 	snop;
	(pc) =	sbr.ind lr, $3  }
0x3a: {  	_ = 	snop  }
0x3b: {  	_ = 	snop  }
0x3c: {  	p2 =	seq.s32 s10, $0x1;
	s10 =	sld [smem:$0x3FB6]  }
0x3d: {  	_ =	shalt  }
0x3e: {  	_ =	shalt  }
0x3f: {  	_ =	shalt  }
0x40: {  	_ =	shalt  }
0x41: {  	_ =	shalt  }
0x42: {  	_ =	shalt  }
0x43: {  	_ =	shalt  }
0x44: {  	_ =	shalt  }
0x45: {  	_ =	shalt  }
0x46: {  	_ =	shalt  }
0x47: {  	_ =	shalt  }
0x48: {  	_ =	shalt  }
0x49: {  	_ =	shalt  }
0x4a: {  	_ =	shalt  }
0x4b: {  	_ =	shalt  }
0x4c: {  	_ =	shalt  }
0x4d: {  	_ =	shalt  }
0x4e: {  	_ =	shalt  }
0x4f: {  	_ =	shalt  }
0x50: {  	_ =	shalt  }
0x51: {  	_ =	shalt  }
0x52: {  	_ =	shalt  }
0x53: {  	_ =	shalt  }
0x54: {  	_ =	shalt  }
0x55: {  	_ =	shalt  }
0x56: {  	_ =	shalt  }
0x57: {  	_ =	shalt  }
0x58: {  	_ =	shalt  }
0x59: {  	_ =	shalt  }
0x5a: {  	_ =	shalt  }
0x5b: {  	_ =	shalt  }
0x5c: {  	_ =	shalt  }
0x5d: {  	_ =	shalt  }
0x5e: {  	_ =	shalt  }
0x5f: {  	_ =	shalt  }
0x60: {  	_ =	shalt  }
0x61: {  	_ =	shalt  }
0x62: {  	_ =	shalt  }
0x63: {  	_ =	shalt  }
0x64: {  	_ =	shalt  }
0x65: {  	_ =	shalt  }
0x66: {  	_ =	shalt  }
0x67: {  	_ =	shalt  }
0x68: {  	_ =	shalt  }
0x69: {  	_ =	shalt  }
0x6a: {  	_ =	shalt  }
0x6b: {  	_ =	shalt  }
0x6c: {  	_ =	shalt  }
0x6d: {  	_ =	shalt  }
0x6e: {  	_ =	shalt  }
0x6f: {  	_ =	shalt  }
0x70: {  	_ =	shalt  }
0x71: {  	_ =	shalt  }
0x72: {  	_ =	shalt  }
0x73: {  	_ =	shalt  }
0x74: {  	_ =	shalt  }
0x75: {  	_ =	shalt  }
0x76: {  	_ =	shalt  }
0x77: {  	_ =	shalt  }
0x78: {  	_ =	shalt  }
0x79: {  	_ =	shalt  }
0x7a: {  	_ =	shalt  }
0x7b: {  	_ =	shalt  }
0x7c: {  	_ =	shalt  }
0x7d: {  	_ =	shalt  }
0x7e: {  	_ =	shalt  }
0x7f: {  	_ =	shalt  }
0x80: {  	_ =	shalt  }
0x81: {  	_ =	shalt  }
0x82: {  	_ =	shalt  }
0x83: {  	_ =	shalt  }
0x84: {  	_ =	shalt  }
0x85: {  	_ =	shalt  }
0x86: {  	_ =	shalt  }
0x87: {  	_ =	shalt  }
.Lfunc_end0:
.L_simem_size_0:
called_computation.2_lowered:
.L_overlay_start_0:
0x88: {  	s2 =	sld [smem:$0x3FD9]  }
0x89: {  	s3 =	sld [smem:$0x3FFE];
	_ =	sdelay $0x1  }
0x8a: {  	s1 =	srdreg.scid  }
0x8b: {  	s0 =	sand.u32 $0x1, s1  }
0x8c: {  	s16 =	sshll.u32 s0, $0xA;
	s2 =	sadd.s32 s3, s2  }
0x8d: {  	s2 =	sadd.s32 s2, s16  }
0x8e: {  	[smem:$0x3FC2] =	sst s2  }
0x8f: {  	_ = 	snop  }
0x90: {  	(tm) =	ssettm $0x1  }
0x91: {  	s17 =	sld [smem:$0x3FFB];
	_ =	sdelay $0x3  }
0x92: {  	_ =	strace s17  }
0x93: {  	s2 =	sld [smem:$0x3FFC];
	_ =	sdelay $0x3  }
0x94: {  	_ =	strace s2  }
0x95: {  	s2 =	sld [smem:$0x3FFD];
	_ =	sdelay $0x3  }
0x96: {  	_ =	strace s2  }
0x97: {  	_ =	strace $0x8FFFFFFF  }
0x98: {  	s18 =	sld [smem:$0x3FDB];
	_ =	sdelay $0x1  }
0x99: {  	s19 =	simm.s32 $_scs_section_size  }
0x9a: {  	s4 =	simm.s32 $_size__tile_overlayer_lowered;
	s5 =	simm.s32 $_tile_overlayer_lowered  }
0x9b: {  	s22 =	simm.s32 $0x1BFF;
	s21 =	sshll.u32 s5, $0x1;
	s2 =	sadd.s32 s19, s18  }
0x9c: {  	s6 =	simm.s32 $0x0;
	s20 =	sshll.u32 s4, $0x1;
	s4 =	sadd.s32 s21, s2  }
0x9d: {  	[timem:s6], [sflag:s22] =	dma.local [hbm:s4], s20  }
0x9e: {  	_ =	swait.ge [sflag:s22], s20  }
0x9f: {  	s3 =	ssub.s32 $0x0, s20;
	[sflag:s22] =	ssyncset.done $0x0  }
0xa0: {  	[sflag:s22] =	ssyncadd.s32 s3;
	_ =	sdelay $0x1  }
0xa1: {  	s23 =	simm.s32 $0x1B8B  }
0xa2: {  	_ =	swait.ge [sflag:s23], $0x1  }
0xa3: {  	[sflag:s23] =	ssyncset.done $0x0  }
0xa4: {  	s25 =	simm.s32 $0x1B8E;
	s24 =	sld [smem:$0x3FFE];
	[sflag:s23] =	ssyncadd.s32 $0xFFFFFFFF  }
0xa5: {  	s26 =	simm.s32 $execute0_lowered;
	[smem:$0x3FD2] =	sst s25  }
0xa6: {  	s4 =	sshll.u32 s26, $0x1;
	_ =	strace $0x8000004C;
	[dreg:$0x1] =	wrdreg $0xFFFFFFFF  }
0xa7: {  	s28 =	simm.s32 $_size_execute0_lowered;
	s2 =	sadd.s32 s2, s4;
	[dreg:$0x0] =	wrdreg $0x0  }
0xa8: {  	s4 =	sshll.u32 s28, $0x1;
	[dreg:$0x2] =	wrdreg s2  }
0xa9: {  	[dreg:$0x3] =	wrdreg s4  }
0xaa: {  	[dreg:$0x4] =	wrdreg $0xC0  }
0xab: {  	_ =	task [dreg:s6], $0x5FFFF  }
0xac: {  	[dreg:$0x1] =	wrdreg $0xFFFFFFFF  }
0xad: {  	[dreg:$0x0] =	wrdreg $0x60  }
0xae: {  	[dreg:$0x2] =	wrdreg s24  }
0xaf: {  	[dreg:$0x3] =	wrdreg $0x88000  }
0xb0: {  	[dreg:$0x4] =	wrdreg $0x9  }
0xb1: {  	_ =	task.clear_ibuf [dreg:s6], $0x5FFFF;
	_ =	strace $0x9000004C  }
0xb2: {  	s29 =	simm.s32 $0x9;
	_ =	strace $0x8000004E  }
0xb3: {  	_ =	swait.ge [sflag:s29], $0x1  }
0xb4: {  	[sflag:s29] =	ssyncadd.s32 $0xFFFFFFFF  }
0xb5: {  	_ =	strace $0x9000004E  }
0xb6: {  	_ =	sfence  }
0xb7: {  	s30 =	sld [smem:$0x0];
	_ =	sdelay $0x2  }
0xb8: {  	s31 =	sshll.u32 s1, $0xD;
	s1 =	sshrl.u32 s1, $0x2  }
0xb9: {  	s3 =	sand.u32 $0x4000, s31;
	s1 =	sadd.s32 s1, s30  }
0xba: {  	s0 =	sor.u32 s3, s0;
	s1 =	sshll.u32 s1, $0x11  }
0xbb: {  	s0 =	sor.u32 s1, s0  }
0xbc: {  	s0 =	sadd.s32 $0x8F2B, s0  }
0xbd: {  	[sflag:s0] =	ssyncadd.remote.s32 $0x1  }
0xbe: {  	_ =	sfence.sel $0xFFFF  }
0xbf: {  	[dreg:$0x0] =	wrdreg $0xFFFFFFFF;
	(pc) =	sbr.abs _section_cstart, $3  }
0xc0: {  	[dreg:$0x1] =	wrdreg $0xFFFFFFFF  }
0xc1: {  	_ =	task.clear_ibuf [dreg:s6], $0x2FFFF;
	_ =	strace $0x9FFFFFFF  }
0xc2: {  	(tm) =	ssettm $0x7FFFFFFF  }
0xc3: {  	_ =	shalt  }
tec
execute0_lowered:
.L_overlay_start_1:
0x0: {  	(tag) =	ssettag $0x1  }
0x1: {  	s0 =	rddreg [dreg:$0x0]  }
0x2: {  	s1 =	rddreg [dreg:$0x1];
	s2 =	srdreg.scid;
	s5 =	simm.s32 $0x0  }
0x3: {  	s3 =	stileid.u32;
	s12 =	simm.s32 $0x7;
	s13 =	simm.s32 $0x400  }
0x4: {  	s22 =	simm.s32 $0x100;
	s15 =	simm.s32 $0x80;
	s23 =	simm.s32 $0x200  }
0x5: {  	s24 =	simm.s32 $0x180;
	s25 =	simm.s32 $0x300;
	s26 =	simm.s32 $0x280  }
0x6: {  	s28 =	simm.s32 $0x600;
	s29 =	simm.s32 $0x580;
	s30 =	simm.s32 $0x700  }
0x7: {  	s31 =	simm.s32 $0x680;
	[smem:$0x7FF] =	sst s5;
	s16 =	smul.u32 $0x50000, s3  }
0x8: {  	s7 =	smul.u32 $0x2800, s3;
	_ =	strace $0x8000004D;
	[dreg:$0x3] =	wrdreg s22  }
0x9: {  	s2 =	sand.u32 $0x1, s2;
	s8 =	smul.u32 $0x5000, s3;
	[dreg:$0x4] =	wrdreg s23  }
0xa: {  	s9 =	sadd.s32 $0x52000, s0;
	s10 =	smul.u32 $0xA00, s3;
	[dreg:$0x5] =	wrdreg s24  }
0xb: {  	s20 =	sshll.u32 s3, $0x6;
	s4 =	smul.u32 $0x28000, s2;
	[dreg:$0x6] =	wrdreg s25  }
0xc: {  	s2 =	ssub.s32 $0x2, s2;
	[dreg:$0x7] =	wrdreg s26;
	s22 =	simm.s32 $0x2  }
0xd: {  	s23 =	simm.s32 $0x380;
	s25 =	simm.s32 $0x500;
	s26 =	simm.s32 $0x480  }
0xe: {  	s6 =	sshrl.u32 s2, $0x1;
	s17 =	sshrl.u32 s16, $0x2;
	s19 =	sshrl.u32 s8, $0x3  }
0xf: {  	s10 =	sadd.s32 s10, s9;
	s16 =	simm.s32 $0x800;
	s0 =	sadd.s32 s4, s0  }
0x10: {  	s2 =	ssub.s32 s2, s6;
	s4 =	sadd.s32 s17, s1;
	s21 =	sadd.s32 s9, s19  }
0x11: {  	s6 =	sor.u32 $0x1C07, s20;
	s17 =	simm.s32 $0x4800;
	s19 =	simm.s32 $0x5  }
0x12: {  	s20 =	simm.s32 $0x4;
	s18 =	sadd.s32 s7, s0;
	[dreg:$0x9] =	wrdreg s21  }
0x13: {  	s8 =	sadd.s32 $0x1600, s0;
	s0 =	sadd.s32 $0xAC000, s0;
	s2 =	smax.u32 s2, $0x1  }
0x14: {  	s11 =	sshrl.u32 s4, $0x3;
	s5 =	sadd.s32 $0x5C000, s18;
	[dreg:$0xb] =	wrdreg s2  }
0x15: {  	s18 =	simm.s32 $0x3;
	s0 =	sadd.s32 s7, s0;
	[dreg:$0x8] =	wrdreg s5  }
0x16: {  	s2 =	simm.s32 $0x0;
	s5 =	sadd.s32 $0x80, s21;
	[dreg:$0xc] =	wrdreg s0  }
0x17: {  	s21 =	simm.s32 $0x6;
	s0 =	simm.s32 $0x780;
	[dreg:$0xa] =	wrdreg s5  }
.LBB2_1:
0x18: {  	s3 =	rddreg [dreg:$0x8]  }
0x19: {  	[spmem:s11], [sflag:s6] =	dma.local [hbm:s3], $0x2800  }
0x1a: {  	_ =	swait.ge [sflag:s12], $0x2800  }
0x1b: {  	[sflag:s12] =	ssyncset.done $0x0  }
0x1c: {  	s9 =	simm.s32 $0x0;
	s4 =	rddreg [dreg:$0x9];
	[sflag:s12] =	ssyncadd.s32 $0xFFFFD800  }
0x1d: {  	[tilespmem:s9], [sflag:$0x1] =	stream.linear.gather [hbm4b:s4+s9], $0x400, $0x38;
	[tilespmem:$0x1C800] =	vst v63  }
0x1e: {  	s14 =	rddreg [dreg:$0xa]  }
0x1f: {  	[tilespmem:s13], [sflag:$0x2] =	stream.linear.gather [hbm4b:s14+s9], $0x400, $0x38;
	[tilespmem:$0x1C800] =	vst v63  }
0x20: {  	s24 =	simm.s32 $0x1;
	[bflag:$0x0] =	sbarrier.arrive $0xFFFF  }
0x21: {  	_ =	swait.ge [sflag:s24], $0x400  }
0x22: {  	p0 =	por $0x1, $0x1;
	[sflag:s24] =	ssyncset.done $0x0  }
0x23: {  	s4 =	simm.s32 @!p0 $0x6;
	[sflag:s24] =	ssyncadd.s32 $0xFFFFFC00  }
0x24: {  	[tilespmem:s16], [sflag:$0x3] =	stream.indirect.gather [hbm4b:s8+s15], $0x80, s9, s15, $0xb8;
	[tilespmem:$0x1C800] =	vst v63  }
0x25: {  	_ =	swait.ge @!p0 [sflag:s4], $0x4000  }
0x26: {  	s7 =	simm.s32 @!p0 $0x400;
	s9 =	sadd.s32 @!p0 $0x0, s10;
	[sflag:s4] =	ssyncset.done @!p0 $0x0  }
0x27: {  	s5 =	simm.s32 @!p0 $0x0;
	[sflag:s4] =	ssyncadd.s32 @!p0 $0xFFFFC000;
	s4 =	sadd.s32 @!p0 $0x80, s9  }
0x28: {  	[tilespmem:s7], [sflag:$0x2] =	stream.linear.gather @!p0 [hbm4b:s4+s5], $0x400, $0x38;
	[tilespmem:$0x1C800] =	vst v63  }
0x29: {  	s3 =	rddreg [dreg:$0x3]  }
0x2a: {  	[tilespmem:s17], [sflag:$0x4] =	stream.indirect.gather [hbm4b:s8+s15], $0x80, s3, s15, $0xb8;
	[tilespmem:$0x1C800] =	vst v63  }
0x2b: {  	_ =	swait.ge [sflag:s18], $0x4000  }
0x2c: {  	[sflag:s18] =	ssyncset.done $0x0  }
0x2d: {  	[sflag:s18] =	ssyncadd.s32 $0xFFFFC000  }
0x2e: {  	[spmem:s1] =	stream.indirect.scatter.add.f32 [tilespmem:s16], [sflag:$0x5], $0x80, s15, s15, $0xb8;
	[tilespmem:$0x1C800] =	vst v63  }
0x2f: {  	_ =	swait.ge [sflag:s19], $0x4000  }
0x30: {  	[sflag:s19] =	ssyncset.done $0x0  }
0x31: {  	s7 =	rddreg [dreg:$0x4];
	[sflag:s19] =	ssyncadd.s32 $0xFFFFC000  }
0x32: {  	[tilespmem:s16], [sflag:$0x3] =	stream.indirect.gather [hbm4b:s8+s15], $0x80, s7, s15, $0xb8;
	[tilespmem:$0x1C800] =	vst v63  }
0x33: {  	_ =	swait.ge [sflag:s20], $0x4000  }
0x34: {  	[sflag:s20] =	ssyncset.done $0x0  }
0x35: {  	s9 =	rddreg [dreg:$0x5];
	[sflag:s20] =	ssyncadd.s32 $0xFFFFC000  }
0x36: {  	[spmem:s1] =	stream.indirect.scatter.add.f32 [tilespmem:s17], [sflag:$0x6], $0x80, s9, s15, $0xb8;
	[tilespmem:$0x1C800] =	vst v63  }
0x37: {  	_ =	swait.ge [sflag:s21], $0x4000  }
0x38: {  	[sflag:s21] =	ssyncset.done $0x0  }
0x39: {  	s14 =	rddreg [dreg:$0x6];
	[sflag:s21] =	ssyncadd.s32 $0xFFFFC000  }
0x3a: {  	[tilespmem:s17], [sflag:$0x4] =	stream.indirect.gather [hbm4b:s8+s15], $0x80, s14, s15, $0xb8;
	[tilespmem:$0x1C800] =	vst v63  }
0x3b: {  	_ =	swait.ge [sflag:s18], $0x4000  }
0x3c: {  	[sflag:s18] =	ssyncset.done $0x0  }
0x3d: {  	s24 =	rddreg [dreg:$0x7];
	[sflag:s18] =	ssyncadd.s32 $0xFFFFC000  }
0x3e: {  	[spmem:s1] =	stream.indirect.scatter.add.f32 [tilespmem:s16], [sflag:$0x5], $0x80, s24, s15, $0xb8;
	[tilespmem:$0x1C800] =	vst v63  }
0x3f: {  	_ =	swait.ge [sflag:s19], $0x4000  }
0x40: {  	[sflag:s19] =	ssyncset.done $0x0  }
0x41: {  	[sflag:s19] =	ssyncadd.s32 $0xFFFFC000  }
0x42: {  	_ =	swait.ge [sflag:s22], $0x400  }
0x43: {  	[sflag:s22] =	ssyncset.done $0x0  }
0x44: {  	[sflag:s22] =	ssyncadd.s32 $0xFFFFFC00  }
0x45: {  	[tilespmem:s16], [sflag:$0x3] =	stream.indirect.gather [hbm4b:s8+s15], $0x80, s13, s15, $0xb8;
	[tilespmem:$0x1C800] =	vst v63  }
0x46: {  	_ =	swait.ge [sflag:s20], $0x4000  }
0x47: {  	[sflag:s20] =	ssyncset.done $0x0  }
0x48: {  	[sflag:s20] =	ssyncadd.s32 $0xFFFFC000  }
0x49: {  	[spmem:s1] =	stream.indirect.scatter.add.f32 [tilespmem:s17], [sflag:$0x6], $0x80, s23, s15, $0xb8;
	[tilespmem:$0x1C800] =	vst v63  }
0x4a: {  	p0 =	por $0x0, $0x0;
	_ =	swait.ge [sflag:s21], $0x4000  }
0x4b: {  	s4 =	sadd.s32 @!p0 $0x0, s10;
	[sflag:s21] =	ssyncset.done $0x0  }
0x4c: {  	s5 =	simm.s32 @!p0 $0x0;
	s4 =	sadd.s32 @!p0 $0x100, s4;
	[sflag:s21] =	ssyncadd.s32 $0xFFFFC000  }
0x4d: {  	[tilespmem:s5], [sflag:$0x1] =	stream.linear.gather @!p0 [hbm4b:s4+s5], $0x400, $0x38;
	[tilespmem:$0x1C800] =	vst v63  }
0x4e: {  	_ = 	snop  }
0x4f: {  	[tilespmem:s17], [sflag:$0x4] =	stream.indirect.gather [hbm4b:s8+s15], $0x80, s25, s15, $0xb8;
	[tilespmem:$0x1C800] =	vst v63  }
0x50: {  	_ =	swait.ge [sflag:s18], $0x4000  }
0x51: {  	[sflag:s18] =	ssyncset.done $0x0  }
0x52: {  	[sflag:s18] =	ssyncadd.s32 $0xFFFFC000  }
0x53: {  	[spmem:s1] =	stream.indirect.scatter.add.f32 [tilespmem:s16], [sflag:$0x5], $0x80, s26, s15, $0xb8;
	[tilespmem:$0x1C800] =	vst v63  }
0x54: {  	_ =	swait.ge [sflag:s19], $0x4000  }
0x55: {  	[sflag:s19] =	ssyncset.done $0x0  }
0x56: {  	[sflag:s19] =	ssyncadd.s32 $0xFFFFC000  }
0x57: {  	[tilespmem:s16], [sflag:$0x3] =	stream.indirect.gather [hbm4b:s8+s15], $0x80, s28, s15, $0xb8;
	[tilespmem:$0x1C800] =	vst v63  }
0x58: {  	_ =	swait.ge [sflag:s20], $0x4000  }
0x59: {  	[sflag:s20] =	ssyncset.done $0x0  }
0x5a: {  	[sflag:s20] =	ssyncadd.s32 $0xFFFFC000  }
0x5b: {  	[spmem:s1] =	stream.indirect.scatter.add.f32 [tilespmem:s17], [sflag:$0x6], $0x80, s29, s15, $0xb8;
	[tilespmem:$0x1C800] =	vst v63  }
0x5c: {  	_ =	swait.ge [sflag:s21], $0x4000  }
0x5d: {  	[sflag:s21] =	ssyncset.done $0x0  }
0x5e: {  	[sflag:s21] =	ssyncadd.s32 $0xFFFFC000  }
0x5f: {  	[tilespmem:s17], [sflag:$0x4] =	stream.indirect.gather [hbm4b:s8+s15], $0x80, s30, s15, $0xb8;
	[tilespmem:$0x1C800] =	vst v63  }
0x60: {  	_ =	swait.ge [sflag:s18], $0x4000  }
0x61: {  	[sflag:s18] =	ssyncset.done $0x0  }
0x62: {  	[sflag:s18] =	ssyncadd.s32 $0xFFFFC000  }
0x63: {  	[spmem:s1] =	stream.indirect.scatter.add.f32 [tilespmem:s16], [sflag:$0x5], $0x80, s31, s15, $0xb8;
	[tilespmem:$0x1C800] =	vst v63  }
0x64: {  	_ =	swait.ge [sflag:s19], $0x4000  }
0x65: {  	[sflag:s19] =	ssyncset.done $0x0  }
0x66: {  	s4 =	simm.s32 @!p0 $0x1;
	[sflag:s19] =	ssyncadd.s32 $0xFFFFC000  }
0x67: {  	_ =	swait.ge @!p0 [sflag:s4], $0x400  }
0x68: {  	[sflag:s4] =	ssyncset.done @!p0 $0x0  }
0x69: {  	s7 =	simm.s32 @!p0 $0x800;
	[sflag:s4] =	ssyncadd.s32 @!p0 $0xFFFFFC00;
	s4 =	simm.s32 @!p0 $0x80  }
0x6a: {  	[tilespmem:s7], [sflag:$0x3] =	stream.indirect.gather @!p0 [hbm4b:s8+s4], $0x80, s5, s4, $0xb8;
	[tilespmem:$0x1C800] =	vst v63  }
0x6b: {  	p1 =	por $0x0, $0x0;
	_ =	swait.ge [sflag:s20], $0x4000  }
0x6c: {  	s4 =	simm.s32 $0x100;
	s7 =	simm.s32 $0x200;
	[sflag:s20] =	ssyncset.done $0x0  }
.LBB2_2:
0x6d: {  	s5 =	simm.s32 @!p1 $0x6;
	[sflag:s20] =	ssyncadd.s32 $0xFFFFC000  }
0x6e: {  	[spmem:s1] =	stream.indirect.scatter.add.f32 [tilespmem:s17], [sflag:$0x6], $0x80, s0, s15, $0xb8;
	[tilespmem:$0x1C800] =	vst v63  }
0x6f: {  	_ =	swait.ge @!p1 [sflag:s5], $0x4000  }
0x70: {  	s24 =	simm.s32 @!p1 $0x400;
	s3 =	sadd.s32 @!p1 s4, s10;
	[sflag:s5] =	ssyncset.done @!p1 $0x0  }
0x71: {  	s14 =	simm.s32 @!p1 $0x0;
	s3 =	sadd.s32 @!p1 $0x80, s3;
	[sflag:s5] =	ssyncadd.s32 @!p1 $0xFFFFC000  }
0x72: {  	[tilespmem:s24], [sflag:$0x2] =	stream.linear.gather @!p1 [hbm4b:s3+s14], $0x400, $0x38;
	[tilespmem:$0x1C800] =	vst v63  }
0x73: {  	s5 =	rddreg [dreg:$0x3]  }
0x74: {  	[tilespmem:s17], [sflag:$0x4] =	stream.indirect.gather [hbm4b:s8+s15], $0x80, s5, s15, $0xb8;
	[tilespmem:$0x1C800] =	vst v63  }
0x75: {  	_ =	swait.ge [sflag:s18], $0x4000  }
0x76: {  	[sflag:s18] =	ssyncset.done $0x0  }
0x77: {  	[sflag:s18] =	ssyncadd.s32 $0xFFFFC000  }
0x78: {  	[spmem:s1] =	stream.indirect.scatter.add.f32 [tilespmem:s16], [sflag:$0x5], $0x80, s15, s15, $0xb8;
	[tilespmem:$0x1C800] =	vst v63  }
0x79: {  	_ =	swait.ge [sflag:s19], $0x4000  }
0x7a: {  	[sflag:s19] =	ssyncset.done $0x0  }
0x7b: {  	s24 =	rddreg [dreg:$0x4];
	[sflag:s19] =	ssyncadd.s32 $0xFFFFC000  }
0x7c: {  	[tilespmem:s16], [sflag:$0x3] =	stream.indirect.gather [hbm4b:s8+s15], $0x80, s24, s15, $0xb8;
	[tilespmem:$0x1C800] =	vst v63  }
0x7d: {  	_ =	swait.ge [sflag:s20], $0x4000  }
0x7e: {  	[sflag:s20] =	ssyncset.done $0x0  }
0x7f: {  	s5 =	rddreg [dreg:$0x5];
	[sflag:s20] =	ssyncadd.s32 $0xFFFFC000  }
0x80: {  	[spmem:s1] =	stream.indirect.scatter.add.f32 [tilespmem:s17], [sflag:$0x6], $0x80, s5, s15, $0xb8;
	[tilespmem:$0x1C800] =	vst v63  }
0x81: {  	_ =	swait.ge [sflag:s21], $0x4000  }
0x82: {  	[sflag:s21] =	ssyncset.done $0x0  }
0x83: {  	s14 =	rddreg [dreg:$0x6];
	[sflag:s21] =	ssyncadd.s32 $0xFFFFC000  }
0x84: {  	[tilespmem:s17], [sflag:$0x4] =	stream.indirect.gather [hbm4b:s8+s15], $0x80, s14, s15, $0xb8;
	[tilespmem:$0x1C800] =	vst v63  }
0x85: {  	_ =	swait.ge [sflag:s18], $0x4000  }
0x86: {  	[sflag:s18] =	ssyncset.done $0x0  }
0x87: {  	s24 =	rddreg [dreg:$0x7];
	[sflag:s18] =	ssyncadd.s32 $0xFFFFC000  }
0x88: {  	[spmem:s1] =	stream.indirect.scatter.add.f32 [tilespmem:s16], [sflag:$0x5], $0x80, s24, s15, $0xb8;
	[tilespmem:$0x1C800] =	vst v63  }
0x89: {  	_ =	swait.ge [sflag:s19], $0x4000  }
0x8a: {  	[sflag:s19] =	ssyncset.done $0x0  }
0x8b: {  	[sflag:s19] =	ssyncadd.s32 $0xFFFFC000  }
0x8c: {  	_ =	swait.ge [sflag:s22], $0x400  }
0x8d: {  	[sflag:s22] =	ssyncset.done $0x0  }
0x8e: {  	[sflag:s22] =	ssyncadd.s32 $0xFFFFFC00  }
0x8f: {  	[tilespmem:s16], [sflag:$0x3] =	stream.indirect.gather [hbm4b:s8+s15], $0x80, s13, s15, $0xb8;
	[tilespmem:$0x1C800] =	vst v63  }
0x90: {  	_ =	swait.ge [sflag:s20], $0x4000  }
0x91: {  	[sflag:s20] =	ssyncset.done $0x0  }
0x92: {  	[sflag:s20] =	ssyncadd.s32 $0xFFFFC000  }
0x93: {  	[spmem:s1] =	stream.indirect.scatter.add.f32 [tilespmem:s17], [sflag:$0x6], $0x80, s23, s15, $0xb8;
	[tilespmem:$0x1C800] =	vst v63  }
0x94: {  	p1 =	seq.s32 s4, $0x900;
	_ =	swait.ge [sflag:s21], $0x4000  }
0x95: {  	s3 =	sadd.s32 @!p1 s4, s10;
	[sflag:s21] =	ssyncset.done $0x0  }
0x96: {  	s3 =	sadd.s32 @!p1 $0x100, s3;
	s5 =	simm.s32 @!p1 $0x0;
	[sflag:s21] =	ssyncadd.s32 $0xFFFFC000  }
0x97: {  	[tilespmem:s5], [sflag:$0x1] =	stream.linear.gather @!p1 [hbm4b:s3+s5], $0x400, $0x38;
	[tilespmem:$0x1C800] =	vst v63  }
0x98: {  	_ = 	snop  }
0x99: {  	[tilespmem:s17], [sflag:$0x4] =	stream.indirect.gather [hbm4b:s8+s15], $0x80, s25, s15, $0xb8;
	[tilespmem:$0x1C800] =	vst v63  }
0x9a: {  	_ =	swait.ge [sflag:s18], $0x4000  }
0x9b: {  	[sflag:s18] =	ssyncset.done $0x0  }
0x9c: {  	[sflag:s18] =	ssyncadd.s32 $0xFFFFC000  }
0x9d: {  	[spmem:s1] =	stream.indirect.scatter.add.f32 [tilespmem:s16], [sflag:$0x5], $0x80, s26, s15, $0xb8;
	[tilespmem:$0x1C800] =	vst v63  }
0x9e: {  	_ =	swait.ge [sflag:s19], $0x4000  }
0x9f: {  	[sflag:s19] =	ssyncset.done $0x0  }
0xa0: {  	[sflag:s19] =	ssyncadd.s32 $0xFFFFC000  }
0xa1: {  	[tilespmem:s16], [sflag:$0x3] =	stream.indirect.gather [hbm4b:s8+s15], $0x80, s28, s15, $0xb8;
	[tilespmem:$0x1C800] =	vst v63  }
0xa2: {  	_ =	swait.ge [sflag:s20], $0x4000  }
0xa3: {  	[sflag:s20] =	ssyncset.done $0x0  }
0xa4: {  	[sflag:s20] =	ssyncadd.s32 $0xFFFFC000  }
0xa5: {  	[spmem:s1] =	stream.indirect.scatter.add.f32 [tilespmem:s17], [sflag:$0x6], $0x80, s29, s15, $0xb8;
	[tilespmem:$0x1C800] =	vst v63  }
0xa6: {  	_ =	swait.ge [sflag:s21], $0x4000  }
0xa7: {  	[sflag:s21] =	ssyncset.done $0x0  }
0xa8: {  	[sflag:s21] =	ssyncadd.s32 $0xFFFFC000  }
0xa9: {  	[tilespmem:s17], [sflag:$0x4] =	stream.indirect.gather [hbm4b:s8+s15], $0x80, s30, s15, $0xb8;
	[tilespmem:$0x1C800] =	vst v63  }
0xaa: {  	_ =	swait.ge [sflag:s18], $0x4000  }
0xab: {  	[sflag:s18] =	ssyncset.done $0x0  }
0xac: {  	[sflag:s18] =	ssyncadd.s32 $0xFFFFC000  }
0xad: {  	[spmem:s1] =	stream.indirect.scatter.add.f32 [tilespmem:s16], [sflag:$0x5], $0x80, s31, s15, $0xb8;
	[tilespmem:$0x1C800] =	vst v63  }
0xae: {  	_ =	swait.ge [sflag:s19], $0x4000  }
0xaf: {  	s9 =	smov.u32 s7;
	[sflag:s19] =	ssyncset.done $0x0  }
0xb0: {  	s7 =	sadd.s32 $0x100, s7;
	s3 =	simm.s32 @!p1 $0x1;
	[sflag:s19] =	ssyncadd.s32 $0xFFFFC000  }
0xb1: {  	p0 =	sne.s32 s7, $0xA00;
	_ =	swait.ge @!p1 [sflag:s3], $0x400  }
.Ltmp0:
0xb2: {  	s4 =	smov.u32 s9;
	[sflag:s3] =	ssyncset.done @!p1 $0x0;
	(pc) =	sbr.rel @p0 .LBB2_2-.Ltmp0, $4  }
0xb3: {  	s9 =	simm.s32 @!p1 $0x800;
	[sflag:s3] =	ssyncadd.s32 @!p1 $0xFFFFFC00;
	s3 =	simm.s32 @!p1 $0x80  }
0xb4: {  	[tilespmem:s9], [sflag:$0x3] =	stream.indirect.gather @!p1 [hbm4b:s8+s3], $0x80, s5, s3, $0xb8;
	[tilespmem:$0x1C800] =	vst v63  }
0xb5: {  	_ =	swait.ge [sflag:s20], $0x4000  }
0xb6: {  	p1 =	seq.s32 s4, $0x0;
	[sflag:s20] =	ssyncset.done $0x0  }
0xb7: {  	s3 =	simm.s32 @!p1 $0x6;
	[sflag:s20] =	ssyncadd.s32 $0xFFFFC000  }
0xb8: {  	[spmem:s1] =	stream.indirect.scatter.add.f32 [tilespmem:s17], [sflag:$0x6], $0x80, s0, s15, $0xb8;
	[tilespmem:$0x1C800] =	vst v63  }
0xb9: {  	_ =	swait.ge @!p1 [sflag:s3], $0x4000  }
0xba: {  	s5 =	simm.s32 @!p1 $0x400;
	s7 =	sadd.s32 @!p1 s4, s10;
	[sflag:s3] =	ssyncset.done @!p1 $0x0  }
0xbb: {  	s9 =	simm.s32 @!p1 $0x0;
	[sflag:s3] =	ssyncadd.s32 @!p1 $0xFFFFC000;
	s3 =	sadd.s32 @!p1 $0x80, s7  }
0xbc: {  	[tilespmem:s5], [sflag:$0x2] =	stream.linear.gather @!p1 [hbm4b:s3+s9], $0x400, $0x38;
	[tilespmem:$0x1C800] =	vst v63  }
0xbd: {  	s14 =	rddreg [dreg:$0x3]  }
0xbe: {  	[tilespmem:s17], [sflag:$0x4] =	stream.indirect.gather [hbm4b:s8+s15], $0x80, s14, s15, $0xb8;
	[tilespmem:$0x1C800] =	vst v63  }
0xbf: {  	_ =	swait.ge [sflag:s18], $0x4000  }
0xc0: {  	[sflag:s18] =	ssyncset.done $0x0  }
0xc1: {  	[sflag:s18] =	ssyncadd.s32 $0xFFFFC000  }
0xc2: {  	[spmem:s1] =	stream.indirect.scatter.add.f32 [tilespmem:s16], [sflag:$0x5], $0x80, s15, s15, $0xb8;
	[tilespmem:$0x1C800] =	vst v63  }
0xc3: {  	_ =	swait.ge [sflag:s19], $0x4000  }
0xc4: {  	[sflag:s19] =	ssyncset.done $0x0  }
0xc5: {  	s24 =	rddreg [dreg:$0x4];
	[sflag:s19] =	ssyncadd.s32 $0xFFFFC000  }
0xc6: {  	[tilespmem:s16], [sflag:$0x3] =	stream.indirect.gather [hbm4b:s8+s15], $0x80, s24, s15, $0xb8;
	[tilespmem:$0x1C800] =	vst v63  }
0xc7: {  	_ =	swait.ge [sflag:s20], $0x4000  }
0xc8: {  	[sflag:s20] =	ssyncset.done $0x0  }
0xc9: {  	s5 =	rddreg [dreg:$0x5];
	[sflag:s20] =	ssyncadd.s32 $0xFFFFC000  }
0xca: {  	[spmem:s1] =	stream.indirect.scatter.add.f32 [tilespmem:s17], [sflag:$0x6], $0x80, s5, s15, $0xb8;
	[tilespmem:$0x1C800] =	vst v63  }
0xcb: {  	_ =	swait.ge [sflag:s21], $0x4000  }
0xcc: {  	[sflag:s21] =	ssyncset.done $0x0  }
0xcd: {  	s7 =	rddreg [dreg:$0x6];
	[sflag:s21] =	ssyncadd.s32 $0xFFFFC000  }
0xce: {  	[tilespmem:s17], [sflag:$0x4] =	stream.indirect.gather [hbm4b:s8+s15], $0x80, s7, s15, $0xb8;
	[tilespmem:$0x1C800] =	vst v63  }
0xcf: {  	_ =	swait.ge [sflag:s18], $0x4000  }
0xd0: {  	[sflag:s18] =	ssyncset.done $0x0  }
0xd1: {  	s9 =	rddreg [dreg:$0x7];
	[sflag:s18] =	ssyncadd.s32 $0xFFFFC000  }
0xd2: {  	[spmem:s1] =	stream.indirect.scatter.add.f32 [tilespmem:s16], [sflag:$0x5], $0x80, s9, s15, $0xb8;
	[tilespmem:$0x1C800] =	vst v63  }
0xd3: {  	_ =	swait.ge [sflag:s19], $0x4000  }
0xd4: {  	[sflag:s19] =	ssyncset.done $0x0  }
0xd5: {  	[sflag:s19] =	ssyncadd.s32 $0xFFFFC000  }
0xd6: {  	_ =	swait.ge [sflag:s22], $0x400  }
0xd7: {  	[sflag:s22] =	ssyncset.done $0x0  }
0xd8: {  	[sflag:s22] =	ssyncadd.s32 $0xFFFFFC00  }
0xd9: {  	[tilespmem:s16], [sflag:$0x3] =	stream.indirect.gather [hbm4b:s8+s15], $0x80, s13, s15, $0xb8;
	[tilespmem:$0x1C800] =	vst v63  }
0xda: {  	_ =	swait.ge [sflag:s20], $0x4000  }
0xdb: {  	[sflag:s20] =	ssyncset.done $0x0  }
0xdc: {  	[sflag:s20] =	ssyncadd.s32 $0xFFFFC000  }
0xdd: {  	[spmem:s1] =	stream.indirect.scatter.add.f32 [tilespmem:s17], [sflag:$0x6], $0x80, s23, s15, $0xb8;
	[tilespmem:$0x1C800] =	vst v63  }
0xde: {  	p0 =	seq.s32 s4, $0x900;
	_ =	swait.ge [sflag:s21], $0x4000  }
0xdf: {  	s3 =	sadd.s32 @!p0 s4, s10;
	[sflag:s21] =	ssyncset.done $0x0  }
0xe0: {  	s4 =	simm.s32 @!p0 $0x0;
	s3 =	sadd.s32 @!p0 $0x100, s3;
	[sflag:s21] =	ssyncadd.s32 $0xFFFFC000  }
0xe1: {  	[tilespmem:s4], [sflag:$0x1] =	stream.linear.gather @!p0 [hbm4b:s3+s4], $0x400, $0x38;
	[tilespmem:$0x1C800] =	vst v63  }
0xe2: {  	_ = 	snop  }
0xe3: {  	[tilespmem:s17], [sflag:$0x4] =	stream.indirect.gather [hbm4b:s8+s15], $0x80, s25, s15, $0xb8;
	[tilespmem:$0x1C800] =	vst v63  }
0xe4: {  	_ =	swait.ge [sflag:s18], $0x4000  }
0xe5: {  	[sflag:s18] =	ssyncset.done $0x0  }
0xe6: {  	[sflag:s18] =	ssyncadd.s32 $0xFFFFC000  }
0xe7: {  	[spmem:s1] =	stream.indirect.scatter.add.f32 [tilespmem:s16], [sflag:$0x5], $0x80, s26, s15, $0xb8;
	[tilespmem:$0x1C800] =	vst v63  }
0xe8: {  	_ =	swait.ge [sflag:s19], $0x4000  }
0xe9: {  	[sflag:s19] =	ssyncset.done $0x0  }
0xea: {  	[sflag:s19] =	ssyncadd.s32 $0xFFFFC000  }
0xeb: {  	[tilespmem:s16], [sflag:$0x3] =	stream.indirect.gather [hbm4b:s8+s15], $0x80, s28, s15, $0xb8;
	[tilespmem:$0x1C800] =	vst v63  }
0xec: {  	_ =	swait.ge [sflag:s20], $0x4000  }
0xed: {  	[sflag:s20] =	ssyncset.done $0x0  }
0xee: {  	[sflag:s20] =	ssyncadd.s32 $0xFFFFC000  }
0xef: {  	[spmem:s1] =	stream.indirect.scatter.add.f32 [tilespmem:s17], [sflag:$0x6], $0x80, s29, s15, $0xb8;
	[tilespmem:$0x1C800] =	vst v63  }
0xf0: {  	_ =	swait.ge [sflag:s21], $0x4000  }
0xf1: {  	[sflag:s21] =	ssyncset.done $0x0  }
0xf2: {  	[sflag:s21] =	ssyncadd.s32 $0xFFFFC000  }
0xf3: {  	[tilespmem:s17], [sflag:$0x4] =	stream.indirect.gather [hbm4b:s8+s15], $0x80, s30, s15, $0xb8;
	[tilespmem:$0x1C800] =	vst v63  }
0xf4: {  	_ =	swait.ge [sflag:s18], $0x4000  }
0xf5: {  	[sflag:s18] =	ssyncset.done $0x0  }
0xf6: {  	[sflag:s18] =	ssyncadd.s32 $0xFFFFC000  }
0xf7: {  	[spmem:s1] =	stream.indirect.scatter.add.f32 [tilespmem:s16], [sflag:$0x5], $0x80, s31, s15, $0xb8;
	[tilespmem:$0x1C800] =	vst v63  }
0xf8: {  	_ =	swait.ge [sflag:s19], $0x4000  }
0xf9: {  	[sflag:s19] =	ssyncset.done $0x0  }
0xfa: {  	s3 =	simm.s32 @!p0 $0x1;
	[sflag:s19] =	ssyncadd.s32 $0xFFFFC000  }
0xfb: {  	_ =	swait.ge @!p0 [sflag:s3], $0x400  }
0xfc: {  	[sflag:s3] =	ssyncset.done @!p0 $0x0  }
0xfd: {  	s5 =	simm.s32 @!p0 $0x800;
	[sflag:s3] =	ssyncadd.s32 @!p0 $0xFFFFFC00;
	s3 =	simm.s32 @!p0 $0x80  }
0xfe: {  	[tilespmem:s5], [sflag:$0x3] =	stream.indirect.gather @!p0 [hbm4b:s8+s3], $0x80, s4, s3, $0xb8;
	[tilespmem:$0x1C800] =	vst v63  }
0xff: {  	_ =	swait.ge [sflag:s20], $0x4000  }
0x100: {  	[sflag:s20] =	ssyncset.done $0x0  }
0x101: {  	[sflag:s20] =	ssyncadd.s32 $0xFFFFC000  }
0x102: {  	[spmem:s1] =	stream.indirect.scatter.add.f32 [tilespmem:s17], [sflag:$0x6], $0x80, s0, s15, $0xb8;
	[tilespmem:$0x1C800] =	vst v63  }
0x103: {  	_ =	swait.ge [sflag:s21], $0x4000  }
0x104: {  	[sflag:s21] =	ssyncset.done $0x0  }
0x105: {  	[sflag:s21] =	ssyncadd.s32 $0xFFFFC000  }
0x106: {  	[bflag:$0x0] =	sbarrier.arrive $0xFFFF  }
0x107: {  	s14 =	rddreg [dreg:$0xc]  }
0x108: {  	[hbm:s14], [sflag:s6] =	dma.local [spmem:s11], $0x2800  }
0x109: {  	_ =	swait.ge [sflag:s12], $0x2800  }
0x10a: {  	s2 =	sadd.s32 $0x1, s2;
	s24 =	rddreg [dreg:$0xb]  }
0x10b: {  	p0 =	sne.s32 s2, s24  }
.Ltmp1:
0x10c: {  	_ = 	snop;
	(pc) =	sbr.rel @p0 .LBB2_1-.Ltmp1, $3  }
0x10d: {  	_ =	sdelay $0x1  }
0x10e: {  	[sflag:s12] =	ssyncset.done $0x0  }
0x10f: {  	[sflag:s12] =	ssyncadd.s32 $0xFFFFD800  }
0x110: {  	_ =	sfence.sel $0x180000  }
0x111: {  	[bflag:$0x0] =	sbarrier.arrive $0xFFFF  }
0x112: {  	_ =	strace $0x9000004D  }
0x113: {  	s0 =	stileid.u32;
	[bflag:$0x2] =	sbarrier.arrive $0xFFFF  }
0x114: {  	p0 =	sne.s32 s0, $0x0;
	s0 =	rddreg [dreg:$0x2]  }
0x115: {  	s0 =	sadd.s32 @!p0 $0x100000, s0  }
0x116: {  	[sflag:s0] =	ssyncadd.tile.s32 @!p0 $0x1;
	_ =	shalt  }
.Lfunc_end2:
_tile_overlayer_lowered:
.L_overlay_start_2:
0x117: {  	(tag) =	ssettag $0x2  }
0x118: {  	s0 =	rddreg [dreg:$0x0];
	s2 =	stileid.u32  }
0x119: {  	s1 =	rddreg [dreg:$0x1];
	p0 =	sne.s32 s2, $0x0  }
0x11a: {  	s3 =	rddreg [dreg:$0x2];
	[bflag:$0x3] =	sbarrier.arrive $0xFFFF;
	s2 =	simm.s32 @!p0 $0x1C07  }
0x11b: {  	[timem:s3], [sflag:s2] =	dma.local @!p0 [hbm:s0], s1  }
0x11c: {  	s0 =	simm.s32 @!p0 $0x7  }
0x11d: {  	_ =	swait.ge @!p0 [sflag:s0], s1  }
0x11e: {  	s1 =	ssub.s32 @!p0 $0x0, s1;
	[sflag:s0] =	ssyncset.done @!p0 $0x0  }
0x11f: {  	[sflag:s0] =	ssyncadd.s32 @!p0 s1  }
0x120: {  	[bflag:$0x3] =	sbarrier.arrive $0xFFFF  }
0x121: {  	_ =	shalt  }

// kernel: kernel.8.cloned.1.call-start
scs
__scs_entry_jumppad:
0x0: {  	(pc) =	sbr.rel $0x88, $3  }
0x1: {  	(tag) =	ssettag $0x0;
	lr =	simm.s32 $0x1  }
0x2: {  	[smem:$0x3F9B] =	sst lr;
	_ =	strace $0xD0000000  }
0x3: {  	_ = 	snop  }
0x4: {  	_ = 	snop  }
0x5: {  	_ = 	snop  }
0x6: {  	_ = 	snop  }
0x7: {  	_ = 	snop  }
__scs_overlays_trampoline_lowered:
0x8: {  	[smem:$0x3FAA] =	sst s0  }
0x9: {  	[smem:$0x3FAB] =	sst s1  }
0xa: {  	[smem:$0x3FAC] =	sst s2  }
0xb: {  	[smem:$0x3FAD] =	sst s3  }
0xc: {  	[smem:$0x3FAE] =	sst s4  }
0xd: {  	[smem:$0x3FAF] =	sst s5  }
0xe: {  	[smem:$0x3FB0] =	sst s6  }
0xf: {  	[smem:$0x3FB1] =	sst s7  }
0x10: {  	[smem:$0x3FB2] =	sst s8  }
0x11: {  	[smem:$0x3FB3] =	sst s9;
	s0 =	simm.s32 @!p0 $0x0  }
0x12: {  	s1 =	sld [smem:$0x3F99];
	s0 =	simm.s32 @p0 $0x1  }
0x13: {  	[smem:$0x3FB4] =	sst s0;
	s0 =	simm.s32 @!p1 $0x0  }
0x14: {  	s2 =	sld [smem:$0x3F98];
	s0 =	simm.s32 @p1 $0x1  }
0x15: {  	[smem:$0x3FB5] =	sst s0;
	s0 =	simm.s32 @!p2 $0x0  }
0x16: {  	s3 =	sld [smem:$0x3FDB];
	s0 =	simm.s32 @p2 $0x1  }
0x17: {  	s4 =	simm.s32 $0x1BF5;
	[smem:$0x3FB7] =	sst s0  }
0x18: {  	s0 =	sld [smem:$0x3F9A];
	_ =	swait.ge [sflag:s4], $0x0  }
0x19: {  	s7 =	sld [smem:$0x3F9B]  }
0x1a: {  	s8 =	sadd.s32 $0xFFFFE003, lr  }
0x1b: {  	s9 =	sadd.s32 $0xFFFFFEF7, lr;
	s5 =	simm.s32 $0xFFFFFFFF;
	p2 =	slt.u32 s8, $0xFFFFF086  }
0x1c: {  	p1 =	slt.u32 s9, $0xF7A;
	s5 =	simm.s32 @!p2 $0x0  }
0x1d: {  	s5 =	simm.s32 @p1 $0x1;
	p0 =	seq.s32 s7, s2  }
0x1e: {  	s7 =	smul.u32 @!p0 $0xF7A, s2;
	p2 =	seq.s32 @!p0 s5, $0x0  }
0x1f: {  	s9 =	smul.u32 $0xF7A, s1;
	s8 =	simm.s32 @!p0 $0x1BF5;
	p2 =	por !p2, p0  }
0x20: {  	[sflag:s8] =	ssyncset.s32 @!p0 $0xFFFFF086;
	s6 =	sadd.s32 @!p0 s3, s7;
	s7 =	simm.s32 @!p0 $0x108  }
0x21: {  	s3 =	sadd.s32 s3, s9;
	s6 =	sadd.s32 @!p0 $0x88, s6;
	s7 =	simm.s32 @p2 $0x1082  }
0x22: {  	[simem:s7], [sflag:s8] =	dma.local @!p0 [hbm:s6], $0xF7A  }
0x23: {  	s9 =	sor.u32 $0xD0000000, s2;
	s6 =	simm.s32 $0x108;
	_ =	swait.ge @!p0 [sflag:s8], $0x0  }
0x24: {  	s3 =	sadd.s32 $0x88, s3;
	s6 =	simm.s32 @!p1 $0x1082;
	[sflag:s4] =	ssyncset.s32 $0xFFFFF086  }
0x25: {  	[simem:s6], [sflag:s4] =	dma.local [hbm:s3], $0xF7A  }
0x26: {  	[smem:$0x3F9B] =	sst s1;
	(tag) =	ssettag s2;
	_ =	strace s9  }
0x27: {  	s1 =	sld [smem:$0x3FAB]  }
0x28: {  	s2 =	sld [smem:$0x3FAC]  }
0x29: {  	s4 =	sld [smem:$0x3FAE]  }
0x2a: {  	p0 =	seq.s32 s5, $0x0;
	s5 =	sld [smem:$0x3FAF]  }
0x2b: {  	s6 =	sld [smem:$0x3FB0]  }
0x2c: {  	s7 =	sld [smem:$0x3FB1]  }
0x2d: {  	s3 =	simm.s32 $0x108;
	s8 =	sld [smem:$0x3FB2]  }
0x2e: {  	s3 =	simm.s32 @!p0 $0x1082;
	s9 =	sld [smem:$0x3FB3]  }
0x2f: {  	lr =	sadd.s32 s0, s3;
	s0 =	sld [smem:$0x3FAA]  }
0x30: {  	s3 =	sld [smem:$0x3FAD]  }
0x31: {  	[smem:$0x3FB6] =	sst s10  }
0x32: {  	s10 =	sld [smem:$0x3FB4];
	_ =	sdelay $0x3  }
0x33: {  	p0 =	seq.s32 s10, $0x1;
	s10 =	sld [smem:$0x3FB6];
	_ =	sdelay $0x3  }
0x34: {  	[smem:$0x3FB6] =	sst s10  }
0x35: {  	s10 =	sld [smem:$0x3FB5];
	_ =	sdelay $0x3  }
0x36: {  	p1 =	seq.s32 s10, $0x1;
	s10 =	sld [smem:$0x3FB6];
	_ =	sdelay $0x3  }
0x37: {  	[smem:$0x3FB6] =	sst s10  }
0x38: {  	s10 =	sld [smem:$0x3FB7]  }
0x39: {  	_ = 	snop;
	(pc) =	sbr.ind lr, $3  }
0x3a: {  	_ = 	snop  }
0x3b: {  	_ = 	snop  }
0x3c: {  	p2 =	seq.s32 s10, $0x1;
	s10 =	sld [smem:$0x3FB6]  }
0x3d: {  	_ =	shalt  }
0x3e: {  	_ =	shalt  }
0x3f: {  	_ =	shalt  }
0x40: {  	_ =	shalt  }
0x41: {  	_ =	shalt  }
0x42: {  	_ =	shalt  }
0x43: {  	_ =	shalt  }
0x44: {  	_ =	shalt  }
0x45: {  	_ =	shalt  }
0x46: {  	_ =	shalt  }
0x47: {  	_ =	shalt  }
0x48: {  	_ =	shalt  }
0x49: {  	_ =	shalt  }
0x4a: {  	_ =	shalt  }
0x4b: {  	_ =	shalt  }
0x4c: {  	_ =	shalt  }
0x4d: {  	_ =	shalt  }
0x4e: {  	_ =	shalt  }
0x4f: {  	_ =	shalt  }
0x50: {  	_ =	shalt  }
0x51: {  	_ =	shalt  }
0x52: {  	_ =	shalt  }
0x53: {  	_ =	shalt  }
0x54: {  	_ =	shalt  }
0x55: {  	_ =	shalt  }
0x56: {  	_ =	shalt  }
0x57: {  	_ =	shalt  }
0x58: {  	_ =	shalt  }
0x59: {  	_ =	shalt  }
0x5a: {  	_ =	shalt  }
0x5b: {  	_ =	shalt  }
0x5c: {  	_ =	shalt  }
0x5d: {  	_ =	shalt  }
0x5e: {  	_ =	shalt  }
0x5f: {  	_ =	shalt  }
0x60: {  	_ =	shalt  }
0x61: {  	_ =	shalt  }
0x62: {  	_ =	shalt  }
0x63: {  	_ =	shalt  }
0x64: {  	_ =	shalt  }
0x65: {  	_ =	shalt  }
0x66: {  	_ =	shalt  }
0x67: {  	_ =	shalt  }
0x68: {  	_ =	shalt  }
0x69: {  	_ =	shalt  }
0x6a: {  	_ =	shalt  }
0x6b: {  	_ =	shalt  }
0x6c: {  	_ =	shalt  }
0x6d: {  	_ =	shalt  }
0x6e: {  	_ =	shalt  }
0x6f: {  	_ =	shalt  }
0x70: {  	_ =	shalt  }
0x71: {  	_ =	shalt  }
0x72: {  	_ =	shalt  }
0x73: {  	_ =	shalt  }
0x74: {  	_ =	shalt  }
0x75: {  	_ =	shalt  }
0x76: {  	_ =	shalt  }
0x77: {  	_ =	shalt  }
0x78: {  	_ =	shalt  }
0x79: {  	_ =	shalt  }
0x7a: {  	_ =	shalt  }
0x7b: {  	_ =	shalt  }
0x7c: {  	_ =	shalt  }
0x7d: {  	_ =	shalt  }
0x7e: {  	_ =	shalt  }
0x7f: {  	_ =	shalt  }
0x80: {  	_ =	shalt  }
0x81: {  	_ =	shalt  }
0x82: {  	_ =	shalt  }
0x83: {  	_ =	shalt  }
0x84: {  	_ =	shalt  }
0x85: {  	_ =	shalt  }
0x86: {  	_ =	shalt  }
0x87: {  	_ =	shalt  }
.Lfunc_end0:
.L_simem_size_0:
called_computation_lowered:
.L_overlay_start_0:
0x88: {  	s2 =	sld [smem:$0x3FD9]  }
0x89: {  	s3 =	sld [smem:$0x3FFE];
	_ =	sdelay $0x1  }
0x8a: {  	s1 =	srdreg.scid  }
0x8b: {  	s0 =	sand.u32 $0x1, s1  }
0x8c: {  	s17 =	sshll.u32 s0, $0xA;
	s2 =	sadd.s32 s3, s2  }
0x8d: {  	s2 =	sadd.s32 s2, s17  }
0x8e: {  	[smem:$0x3FC2] =	sst s2  }
0x8f: {  	_ = 	snop  }
0x90: {  	s2 =	sld [smem:$0x3FD0];
	(tm) =	ssettm $0x1  }
0x91: {  	s18 =	sld [smem:$0x3FFB];
	_ =	sdelay $0x3  }
0x92: {  	_ =	strace s18  }
0x93: {  	s3 =	sld [smem:$0x3FFC];
	_ =	sdelay $0x3  }
0x94: {  	_ =	strace s3  }
0x95: {  	s3 =	sld [smem:$0x3FFD];
	_ =	sdelay $0x3  }
0x96: {  	_ =	strace s3  }
0x97: {  	_ =	strace $0x8FFFFFFF  }
0x98: {  	s19 =	sld [smem:$0x3FDB];
	_ =	sdelay $0x1  }
0x99: {  	s4 =	simm.s32 $_scs_section_size  }
0x9a: {  	s5 =	simm.s32 $_size__tile_overlayer_lowered;
	s6 =	simm.s32 $_tile_overlayer_lowered  }
0x9b: {  	s22 =	simm.s32 $0x1BFF;
	s21 =	sshll.u32 s6, $0x1;
	s3 =	sadd.s32 s4, s19  }
0x9c: {  	s7 =	simm.s32 $0x0;
	s20 =	sshll.u32 s5, $0x1;
	s5 =	sadd.s32 s21, s3  }
0x9d: {  	[timem:s7], [sflag:s22] =	dma.local [hbm:s5], s20  }
0x9e: {  	_ =	swait.ge [sflag:s22], s20  }
0x9f: {  	s4 =	ssub.s32 $0x0, s20;
	[sflag:s22] =	ssyncset.done $0x0  }
0xa0: {  	[sflag:s22] =	ssyncadd.s32 s4;
	_ =	sdelay $0x1  }
0xa1: {  	s23 =	simm.s32 $0x1B8B  }
0xa2: {  	_ =	swait.ge [sflag:s23], $0x1  }
0xa3: {  	[sflag:s23] =	ssyncset.done $0x0  }
0xa4: {  	s25 =	simm.s32 $0x1B8E;
	s24 =	sld [smem:$0x3FFE];
	[sflag:s23] =	ssyncadd.s32 $0xFFFFFFFF  }
0xa5: {  	s26 =	simm.s32 $execute0_lowered;
	[smem:$0x3FD2] =	sst s25  }
0xa6: {  	s5 =	sshll.u32 s26, $0x1;
	_ =	strace $0x80000046;
	[dreg:$0x1] =	wrdreg $0xFFFFFFFF  }
0xa7: {  	s28 =	simm.s32 $_size_execute0_lowered;
	s3 =	sadd.s32 s3, s5;
	[dreg:$0x0] =	wrdreg $0x0  }
0xa8: {  	s5 =	sshll.u32 s28, $0x1;
	[dreg:$0x2] =	wrdreg s3  }
0xa9: {  	[dreg:$0x3] =	wrdreg s5  }
0xaa: {  	[dreg:$0x4] =	wrdreg $0xC0  }
0xab: {  	_ =	task [dreg:s7], $0x5FFFF  }
0xac: {  	[dreg:$0x1] =	wrdreg $0xFFFFFFFF  }
0xad: {  	[dreg:$0x0] =	wrdreg $0x60  }
0xae: {  	[dreg:$0x2] =	wrdreg s2  }
0xaf: {  	[dreg:$0x3] =	wrdreg s24  }
0xb0: {  	[dreg:$0x4] =	wrdreg $0x2B000  }
0xb1: {  	[dreg:$0x5] =	wrdreg $0x9  }
0xb2: {  	_ =	task.clear_ibuf [dreg:s7], $0x6FFFF;
	_ =	strace $0x90000046  }
0xb3: {  	s29 =	simm.s32 $0x9;
	_ =	strace $0x80000048  }
0xb4: {  	_ =	swait.ge [sflag:s29], $0x1  }
0xb5: {  	[sflag:s29] =	ssyncadd.s32 $0xFFFFFFFF  }
0xb6: {  	_ =	strace $0x90000048  }
0xb7: {  	_ =	sfence  }
0xb8: {  	s30 =	sld [smem:$0x0];
	_ =	sdelay $0x2  }
0xb9: {  	s31 =	sshll.u32 s1, $0xD;
	s1 =	sshrl.u32 s1, $0x2  }
0xba: {  	s3 =	sand.u32 $0x4000, s31;
	s1 =	sadd.s32 s1, s30  }
0xbb: {  	s0 =	sor.u32 s3, s0;
	s1 =	sshll.u32 s1, $0x11  }
0xbc: {  	s0 =	sor.u32 s1, s0  }
0xbd: {  	s0 =	sadd.s32 $0x8F2B, s0  }
0xbe: {  	[sflag:s0] =	ssyncadd.remote.s32 $0x1  }
0xbf: {  	_ =	sfence.sel $0xFFFF  }
0xc0: {  	[dreg:$0x0] =	wrdreg $0xFFFFFFFF;
	(pc) =	sbr.abs _section_cstart, $3  }
0xc1: {  	[dreg:$0x1] =	wrdreg $0xFFFFFFFF  }
0xc2: {  	_ =	task.clear_ibuf [dreg:s7], $0x2FFFF;
	_ =	strace $0x9FFFFFFF  }
0xc3: {  	(tm) =	ssettm $0x7FFFFFFF  }
tec
execute0_lowered:
.L_overlay_start_1:
0x0: {  	(tag) =	ssettag $0x1  }
0x1: {  	s4 =	rddreg [dreg:$0x0]  }
0x2: {  	s5 =	rddreg [dreg:$0x1]  }
0x3: {  	s2 =	rddreg [dreg:$0x2]  }
0x4: {  	s3 =	srdreg.scid;
	s1 =	stileid.u32  }
0x5: {  	s0 =	rddreg [dreg:$0x3];
	s11 =	simm.s32 $0x2800;
	s14 =	simm.s32 $0x20  }
0x6: {  	s15 =	simm.s32 $0x10;
	s16 =	simm.s32 $0x0;
	s7 =	smul.u32 $0x500, s1  }
0x7: {  	s6 =	sand.u32 $0x1, s3;
	s3 =	simm.s32 $0x0;
	s26 =	smul.u32 $0x2800, s1  }
0x8: {  	s10 =	smul.u32 $0xA00, s1;
	s12 =	sshll.u32 s1, $0x6;
	s8 =	sshll.u32 s6, $0x7  }
0x9: {  	s9 =	smul.u32 $0x28000, s6;
	[smem:$0x7FF] =	sst s3;
	s28 =	ssub.s32 $0x2, s6  }
0xa: {  	s12 =	sor.u32 $0x1C01, s12;
	s7 =	sor.u32 s8, s7;
	_ =	strace $0x80000047  }
0xb: {  	s30 =	sshrl.u32 s28, $0x1;
	s31 =	sshrl.u32 s10, $0x2;
	s10 =	simm.s32 $0x80  }
0xc: {  	s7 =	sshrl.u32 s7, $0x3;
	s29 =	sadd.s32 s26, s9;
	s8 =	ssub.s32 s28, s30  }
0xd: {  	s9 =	simm.s32 $0x2880;
	s7 =	sadd.s32 s7, s5;
	s6 =	sshrl.u32 s29, $0x3  }
0xe: {  	s5 =	sadd.s32 s31, s2;
	s4 =	sadd.s32 s4, s6;
	s6 =	sadd.s32 $0x1600, s7  }
0xf: {  	v0 =	vimm.f32 $0.0e+00;
	v1 =	vimm.f32 $1.000000000e+00;
	s7 =	smax.u32 s8, $0x1;
	s8 =	simm.s32 $0x1;
	s13 =	sshrl.u32 s5, $0x3  }
.LBB2_1:
0x10: {  	[tilespmem:$0x2880] =	vst v0  }
0x11: {  	[tilespmem:$0x2890] =	vst v0  }
0x12: {  	[tilespmem:$0x28A0] =	vst v0  }
0x13: {  	[tilespmem:$0x28B0] =	vst v0  }
0x14: {  	[tilespmem:$0x28C0] =	vst v0  }
0x15: {  	[tilespmem:$0x28D0] =	vst v0  }
0x16: {  	[tilespmem:$0x28E0] =	vst v0  }
0x17: {  	[tilespmem:$0x28F0] =	vst v0  }
0x18: {  	[tilespmem:$0x2900] =	vst v0  }
0x19: {  	[tilespmem:$0x2910] =	vst v0  }
0x1a: {  	[tilespmem:$0x2920] =	vst v0  }
0x1b: {  	[tilespmem:$0x2930] =	vst v0  }
0x1c: {  	[tilespmem:$0x2940] =	vst v0  }
0x1d: {  	[tilespmem:$0x2950] =	vst v0  }
0x1e: {  	[tilespmem:$0x2960] =	vst v0  }
0x1f: {  	[tilespmem:$0x2970] =	vst v0  }
0x20: {  	[tilespmem:$0x2980] =	vst v0  }
0x21: {  	[tilespmem:$0x2990] =	vst v0  }
0x22: {  	[tilespmem:$0x29A0] =	vst v0  }
0x23: {  	[tilespmem:$0x29B0] =	vst v0  }
0x24: {  	[tilespmem:$0x29C0] =	vst v0  }
0x25: {  	[tilespmem:$0x29D0] =	vst v0  }
0x26: {  	[tilespmem:$0x29E0] =	vst v0  }
0x27: {  	[tilespmem:$0x29F0] =	vst v0  }
0x28: {  	[tilespmem:$0x2A00] =	vst v0  }
0x29: {  	[tilespmem:$0x2A10] =	vst v0  }
0x2a: {  	[tilespmem:$0x2A20] =	vst v0  }
0x2b: {  	[tilespmem:$0x2A30] =	vst v0  }
0x2c: {  	[tilespmem:$0x2A40] =	vst v0  }
0x2d: {  	[tilespmem:$0x2A50] =	vst v0  }
0x2e: {  	[tilespmem:$0x2A60] =	vst v0  }
0x2f: {  	[tilespmem:$0x2A70] =	vst v0  }
0x30: {  	[tilespmem:$0x2A80] =	vst v0  }
0x31: {  	[tilespmem:$0x2A90] =	vst v0  }
0x32: {  	[tilespmem:$0x2AA0] =	vst v0  }
0x33: {  	[tilespmem:$0x2AB0] =	vst v0  }
0x34: {  	[tilespmem:$0x2AC0] =	vst v0  }
0x35: {  	[tilespmem:$0x2AD0] =	vst v0  }
0x36: {  	[tilespmem:$0x2AE0] =	vst v0  }
0x37: {  	[tilespmem:$0x2AF0] =	vst v0  }
0x38: {  	[tilespmem:$0x2800] =	vst v1  }
0x39: {  	[tilespmem:$0x2810] =	vst v1  }
0x3a: {  	[tilespmem:$0x2820] =	vst v1  }
0x3b: {  	[tilespmem:$0x2830] =	vst v1  }
0x3c: {  	[tilespmem:$0x2840] =	vst v1  }
0x3d: {  	[tilespmem:$0x2850] =	vst v1  }
0x3e: {  	[tilespmem:$0x2860] =	vst v1  }
0x3f: {  	[tilespmem:$0x2870] =	vst v1  }
0x40: {  	[tilespmem:s3], [sflag:$0x1] =	stream.linear.gather [hbm4b:s4+s3], $0x2800, $0x38;
	[tilespmem:$0x2D80] =	vst v63  }
0x41: {  	_ =	swait.ge [sflag:s8], $0x2800  }
0x42: {  	[sflag:s8] =	ssyncset.done $0x0  }
0x43: {  	[sflag:s8] =	ssyncadd.s32 $0xFFFFD800  }
0x44: {  	[spmem:s5] =	stream.linear.scatter [tilespmem:s9], [sflag:$0x1], $0x280, $0x38;
	[tilespmem:$0x2D80] =	vst v63  }
0x45: {  	_ =	swait.ge [sflag:s8], $0x280  }
0x46: {  	[sflag:s8] =	ssyncset.done $0x0  }
0x47: {  	[sflag:s8] =	ssyncadd.s32 $0xFFFFFD80  }
0x48: {  	s17 =	simm.s32 $0x0;
	[bflag:$0x0] =	sbarrier.arrive $0xFFFF  }
0x49: {  	[spmem:s2] =	stream.indirect.scatter.add.f32 [tilespmem:s11], [sflag:$0x1], $0x1, s17, s10, $0xb8;
	[tilespmem:$0x2D80] =	vst v63  }
0x4a: {  	_ =	swait.ge [sflag:s8], $0x80  }
0x4b: {  	s17 =	simm.s32 $0x200;
	[sflag:s8] =	ssyncset.done $0x0  }
.LBB2_2:
0x4c: {  	s18 =	sshra.s32 s17, $0x2;
	[sflag:s8] =	ssyncadd.s32 $0xFFFFFF80;
	p0 =	sne.s32 s17, $0x9E00  }
0x4d: {  	[spmem:s2] =	stream.indirect.scatter.add.f32 [tilespmem:s11], [sflag:$0x1], $0x1, s18, s10, $0xb8;
	[tilespmem:$0x2D80] =	vst v63  }
.Ltmp0:
0x4e: {  	_ = 	snop;
	(pc) =	sbr.rel @p0 .LBB2_2-.Ltmp0, $4  }
0x4f: {  	_ = 	snop  }
0x50: {  	s17 =	sadd.s32 $0x200, s17  }
0x51: {  	_ =	swait.ge [sflag:s8], $0x80  }
0x52: {  	[sflag:s8] =	ssyncset.done $0x0  }
0x53: {  	s16 =	sadd.s32 $0x1, s16  }
0x54: {  	[sflag:s8] =	ssyncadd.s32 $0xFFFFFF80;
	p0 =	sne.s32 s16, s7  }
.Ltmp1:
0x55: {  	[bflag:$0x0] =	sbarrier.arrive $0xFFFF;
	(pc) =	sbr.rel @p0 .LBB2_1-.Ltmp1, $4  }
0x56: {  	[hbm:s6@s14], [sflag:s12] =	dma.strided [spmem:s13@s15], $0x50, s8, $0x10   }
0x57: {  	_ =	swait.ge [sflag:s8], $0x50  }
0x58: {  	[sflag:s8] =	ssyncset.done $0x0  }
0x59: {  	[sflag:s8] =	ssyncadd.s32 $0xFFFFFFB0  }
0x5a: {  	_ =	sfence.sel $0x180000  }
0x5b: {  	[bflag:$0x0] =	sbarrier.arrive $0xFFFF  }
0x5c: {  	p0 =	sne.s32 s1, $0x0;
	_ =	strace $0x90000047  }
0x5d: {  	s0 =	sadd.s32 @!p0 $0x100000, s0;
	[bflag:$0x2] =	sbarrier.arrive $0xFFFF  }
0x5e: {  	[sflag:s0] =	ssyncadd.tile.s32 @!p0 $0x1;
	_ =	shalt  }
.Lfunc_end2:
_tile_overlayer_lowered:
.L_overlay_start_2:
0x5f: {  	(tag) =	ssettag $0x2  }
0x60: {  	s0 =	rddreg [dreg:$0x0];
	s2 =	stileid.u32  }
0x61: {  	s1 =	rddreg [dreg:$0x1];
	p0 =	sne.s32 s2, $0x0  }
0x62: {  	s3 =	rddreg [dreg:$0x2];
	[bflag:$0x3] =	sbarrier.arrive $0xFFFF;
	s2 =	simm.s32 @!p0 $0x1C01  }
0x63: {  	[timem:s3], [sflag:s2] =	dma.local @!p0 [hbm:s0], s1  }
0x64: {  	s0 =	simm.s32 @!p0 $0x1  }
0x65: {  	_ =	swait.ge @!p0 [sflag:s0], s1  }
0x66: {  	s1 =	ssub.s32 @!p0 $0x0, s1;
	[sflag:s0] =	ssyncset.done @!p0 $0x0  }
0x67: {  	[sflag:s0] =	ssyncadd.s32 @!p0 s1  }
0x68: {  	[bflag:$0x3] =	sbarrier.arrive $0xFFFF  }
0x69: {  	_ =	shalt  }

</sc_bundles>
